<compile_context>
chip_gen: v7x
topology: tpu7x:2x2x1
jax: 0.10.2.dev20260603
libtpu: 0.0.44.dev20260713+nightly
codegen_flags: <defaults>
</compile_context>

<pallas_src>
import jax
import jax.numpy as jnp
from jax import lax
from jax.experimental import pallas as pl
from jax.experimental.pallas import tpu as pltpu
from jax.experimental.pallas import tpu_sc as plsc

_L = 2048
_B = 4
_LIMIT = 256
_NROWS = _B * _L
_NW = 32
_GR = 32
_NG = _NROWS // _GR
_GPW = _NG // _NW
_WIN = _LIMIT + 128
_BUF = 640
_AMAX = _L - _WIN
_NBUF = 2
_UNROLL = 8


def _row_chunks(win, t, rbase, lane):
    s = t & 15
    base = pl.multiple_of(rbase + (t - s), 16)
    rot = (lane + s) & 15
    seam = lane < (16 - s)
    rc = jnp.take(win[t, pl.ds(base, 16)], rot, mode="wrap")
    for k in range(_LIMIT // 16):
        cn = win[t, pl.ds(base + 16 * (k + 1), 16)]
        rcn = jnp.take(cn, rot, mode="wrap")
        yield k, jnp.where(seam, rc, rcn)
        rc = rcn


def _emit_masked(win, obuf, orow, ig, rbase, lane):
    lcol = lane + ig

    @plsc.parallel_loop(0, _GR, unroll=_UNROLL)
    def _row(t):
        for k, v in _row_chunks(win, t, rbase, lane):
            v = jnp.where(lcol < (_L - t - 16 * k), v, 0.0)
            obuf[orow + t, pl.ds(16 * k, 16)] = v


def _sc_body(x_ref, out_ref, *scr):
    wins = scr[:_NBUF]
    obuf = scr[_NBUF]
    sems = scr[_NBUF + 1:_NBUF + 1 + _NBUF]
    osem = scr[_NBUF + 1 + _NBUF]
    wid = lax.axis_index("s") * 2 + lax.axis_index("c")
    lane = lax.iota(jnp.int32, 16)

    def _grp(j):
        g = wid + _NW * j
        G = pl.multiple_of(g * _GR, _GR)
        ig = lax.rem(G, _L)
        a = pl.multiple_of(jnp.minimum(ig - lax.rem(ig, 128), _AMAX), 128)
        return G, ig, a

    def _issue(j, p):
        G, _, a = _grp(jnp.minimum(j, _GPW - 1))
        pltpu.async_copy(
            x_ref.at[pl.ds(G, _GR), pl.ds(a, _WIN)],
            wins[p].at[:, pl.ds(0, _WIN)],
            sems[p],
        )

    def _wait(p):
        pltpu.make_async_copy(
            x_ref.at[pl.ds(0, _GR), pl.ds(0, _WIN)],
            wins[p].at[:, pl.ds(0, _WIN)],
            sems[p],
        ).wait()

    def _out_copy(j):
        G = pl.multiple_of((wid + _NW * j) * _GR, _GR)
        return pltpu.make_async_copy(
            obuf.at[pl.ds(j * _GR, _GR), :],
            out_ref.at[pl.ds(G, _GR), :],
            osem,
        )

    for p in range(_NBUF):
        _issue(jnp.int32(p), p)

    def _step(it, carry):
        for p in range(_NBUF):
            j = it * _NBUF + p
            _wait(p)
            _, ig, a = _grp(j)
            rbase = pl.multiple_of(ig - a, 16)
            orow = j * _GR
            _emit_masked(wins[p], obuf, orow, ig, rbase, lane)
            _issue(j + _NBUF, p)
            _out_copy(j).start()
        return carry

    lax.fori_loop(0, _GPW // _NBUF, _step, 0, unroll=False)

    for p in range(_NBUF):
        _wait(p)
    for j in range(_GPW):
        _out_copy(jnp.int32(j)).wait()


@jax.jit
def _run(x2d):
    call = pl.kernel(
        _sc_body,
        out_type=jax.ShapeDtypeStruct((_NROWS, _LIMIT), jnp.float32),
        mesh=plsc.VectorSubcoreMesh(core_axis_name="c", subcore_axis_name="s"),
        scratch_types=(
            [pltpu.VMEM((_GR, _BUF), jnp.float32) for _ in range(_NBUF)]
            + [pltpu.VMEM((_GPW * _GR, _LIMIT), jnp.float32)]
            + [pltpu.SemaphoreType.DMA for _ in range(_NBUF)]
            + [pltpu.SemaphoreType.DMA]
        ),
    )
    return call(x2d)


def kernel(x):
    B, L, D = x.shape
    out = _run(x.reshape(B * L, D))
    return out.reshape(B, L, _LIMIT)

# --- scband reference (transcript-rebuilt; emitter-appended) ---
"""Pipeline reference for scband-att-nlocal-15736760172586 (READ-ONLY COPY).

The authoritative reference and input builder live on the scoring server;
editing this copy changes nothing except your own understanding.
"""

import jax, jax.numpy as jnp
import numpy as np

MAXLEN = 2048
LIMIT = 256


def setup_inputs(seed: int = 0) -> dict:
    key = jax.random.key(seed)
    x = jax.random.normal(key, (4, MAXLEN, MAXLEN), dtype=jnp.float32)
    return {"x": x}


def reference(x):
    # Faithful translation of AttNLocal.forward.
    # The torch module builds a banded 0/1 mask where row `it` has ones at
    # columns [it, it+limit) of a (maxlen, maxlen+limit) matrix, pads x with
    # `limit` zeros on the last dim, then gathers exactly the masked entries
    # and reshapes to (B, L, limit). Because each mask row selects the
    # contiguous slice xplus[b, i, i:i+limit], this is equivalent to a banded
    # diagonal gather, implemented here with take_along_axis (SparseCore gather).
    B, L, D = x.shape
    pad = jnp.zeros((B, L, LIMIT), dtype=x.dtype)
    xplus = jnp.concatenate([x, pad], axis=-1)  # (B, L, D + limit)
    idx = jnp.arange(L)[:, None] + jnp.arange(LIMIT)[None, :]  # (L, limit)
    idx = jnp.broadcast_to(idx[None, :, :], (B, L, LIMIT))
    out = jnp.take_along_axis(xplus, idx, axis=2)  # (B, L, limit)
    return out

if __name__ == "__main__":
    import jax
    _d = setup_inputs()
    print(jax.jit(kernel)(*tuple(_d.values())))

</pallas_src>

<mosaic_0001>
#map = affine_map<(d0, d1) -> (0, 0)>
module attributes {stable_mosaic.version = 14 : i64} {
  func.func @_sc_body(%arg0: i32, %arg1: i32, %arg2: memref<8192x2048xf32, #tpu.memory_space<hbm>>, %arg3: memref<8192x256xf32, #tpu.memory_space<hbm>>, %arg4: memref<32x640xf32, #tpu.memory_space<vmem>>, %arg5: memref<32x640xf32, #tpu.memory_space<vmem>>, %arg6: memref<256x256xf32, #tpu.memory_space<vmem>>, %arg7: memref<!tpu.dma_semaphore, #tpu.memory_space<semaphore_mem>>, %arg8: memref<!tpu.dma_semaphore, #tpu.memory_space<semaphore_mem>>, %arg9: memref<!tpu.dma_semaphore, #tpu.memory_space<semaphore_mem>>) attributes {dimension_semantics = [#tpu.dimension_semantics<core_parallel>, #tpu.dimension_semantics<subcore_parallel>], iteration_bounds = array<i64: 2, 16>, scalar_prefetch = 0 : i64, scratch_operands = 6 : i64, tpu.core_type = #tpu.core_type<sc_vector_subcore>, window_params = [{transform_indices = #map}, {transform_indices = #map}]} {
    %mul3A = arith.constant 2 : i32
    %mul3A_0 = arith.muli %arg1, %mul3A : i32
    %add3A = arith.addi %mul3A_0, %arg0 : i32
    %iota3A = tpu.iota {dimensions = array<i32: 0>} : vector<16xi32>
    %min3A = arith.constant 0 : i32
    %min3A_1 = arith.constant 7 : i32
    %min3A_2 = arith.minsi %min3A, %min3A_1 : i32
    %mul3A_3 = arith.constant 32 : i32
    %mul3A_4 = arith.muli %mul3A_3, %min3A_2 : i32
    %add3A_5 = arith.addi %add3A, %mul3A_4 : i32
    %mul3A_6 = arith.constant 32 : i32
    %mul3A_7 = arith.muli %add3A_5, %mul3A_6 : i32
    %multiple_of3A = tpu.assume_multiple %mul3A_7, 32 : i32
    %rem3A = arith.constant 2048 : i32
    %rem3A_8 = arith.remsi %multiple_of3A, %rem3A : i32
    %rem3A_9 = arith.constant 128 : i32
    %rem3A_10 = arith.remsi %rem3A_8, %rem3A_9 : i32
    %sub3A = arith.subi %rem3A_8, %rem3A_10 : i32
    %min3A_11 = arith.constant 1664 : i32
    %min3A_12 = arith.minsi %sub3A, %min3A_11 : i32
    %multiple_of3A_13 = tpu.assume_multiple %min3A_12, 128 : i32
    %dma_start3A = arith.constant 0 : i32
    %dma_start3A_14 = arith.constant 0 : i32
    %dma_start3A_15 = tpu.memref_slice %arg4[%dma_start3A, %dma_start3A_14] : memref<32x640xf32, #tpu.memory_space<vmem>> -> memref<32x384xf32, #tpu.memory_space<vmem>>
    %dma_start3A_16 = tpu.memref_slice %arg2[%multiple_of3A, %multiple_of3A_13] : memref<8192x2048xf32, #tpu.memory_space<hbm>> -> memref<32x384xf32, #tpu.memory_space<hbm>>
    %dma_start3A_17 = arith.constant 0 : i32
    %dma_start3A_18 = arith.constant 0 : i32
    %dma_start3A_19 = tpu.memref_slice %arg4[%dma_start3A_17, %dma_start3A_18] : memref<32x640xf32, #tpu.memory_space<vmem>> -> memref<32x384xf32, #tpu.memory_space<vmem>>
    %dma_start3A_20 = tpu.memref_slice %arg2[%multiple_of3A, %multiple_of3A_13] : memref<8192x2048xf32, #tpu.memory_space<hbm>> -> memref<32x384xf32, #tpu.memory_space<hbm>>
    tpu.enqueue_dma source(%dma_start3A_20 : memref<32x384xf32, #tpu.memory_space<hbm>>) target(%dma_start3A_19 : memref<32x384xf32, #tpu.memory_space<vmem>>) target_semaphore(%arg7 : memref<!tpu.dma_semaphore, #tpu.memory_space<semaphore_mem>>)
    %min3A_21 = arith.constant 1 : i32
    %min3A_22 = arith.constant 7 : i32
    %min3A_23 = arith.minsi %min3A_21, %min3A_22 : i32
    %mul3A_24 = arith.constant 32 : i32
    %mul3A_25 = arith.muli %mul3A_24, %min3A_23 : i32
    %add3A_26 = arith.addi %add3A, %mul3A_25 : i32
    %mul3A_27 = arith.constant 32 : i32
    %mul3A_28 = arith.muli %add3A_26, %mul3A_27 : i32
    %multiple_of3A_29 = tpu.assume_multiple %mul3A_28, 32 : i32
    %rem3A_30 = arith.constant 2048 : i32
    %rem3A_31 = arith.remsi %multiple_of3A_29, %rem3A_30 : i32
    %rem3A_32 = arith.constant 128 : i32
    %rem3A_33 = arith.remsi %rem3A_31, %rem3A_32 : i32
    %sub3A_34 = arith.subi %rem3A_31, %rem3A_33 : i32
    %min3A_35 = arith.constant 1664 : i32
    %min3A_36 = arith.minsi %sub3A_34, %min3A_35 : i32
    %multiple_of3A_37 = tpu.assume_multiple %min3A_36, 128 : i32
    %dma_start3A_38 = arith.constant 0 : i32
    %dma_start3A_39 = arith.constant 0 : i32
    %dma_start3A_40 = tpu.memref_slice %arg5[%dma_start3A_38, %dma_start3A_39] : memref<32x640xf32, #tpu.memory_space<vmem>> -> memref<32x384xf32, #tpu.memory_space<vmem>>
    %dma_start3A_41 = tpu.memref_slice %arg2[%multiple_of3A_29, %multiple_of3A_37] : memref<8192x2048xf32, #tpu.memory_space<hbm>> -> memref<32x384xf32, #tpu.memory_space<hbm>>
    %dma_start3A_42 = arith.constant 0 : i32
    %dma_start3A_43 = arith.constant 0 : i32
    %dma_start3A_44 = tpu.memref_slice %arg5[%dma_start3A_42, %dma_start3A_43] : memref<32x640xf32, #tpu.memory_space<vmem>> -> memref<32x384xf32, #tpu.memory_space<vmem>>
    %dma_start3A_45 = tpu.memref_slice %arg2[%multiple_of3A_29, %multiple_of3A_37] : memref<8192x2048xf32, #tpu.memory_space<hbm>> -> memref<32x384xf32, #tpu.memory_space<hbm>>
    tpu.enqueue_dma source(%dma_start3A_45 : memref<32x384xf32, #tpu.memory_space<hbm>>) target(%dma_start3A_44 : memref<32x384xf32, #tpu.memory_space<vmem>>) target_semaphore(%arg8 : memref<!tpu.dma_semaphore, #tpu.memory_space<semaphore_mem>>)
    %scan3A = arith.constant 0 : i32
    %scan3A_46 = arith.constant 0 : i32
    %scan3A_47 = arith.constant 4 : i32
    %scan3A_48 = arith.addi %scan3A_46, %scan3A_47 : i32
    %scan3A_49 = arith.constant 1 : i32
    scf.for %scan3A_218 = %scan3A_46 to %scan3A_48 step %scan3A_49  : i32 {
      %mul3A_219 = arith.constant 2 : i32
      %mul3A_220 = arith.muli %scan3A_218, %mul3A_219 : i32
      %add3A_221 = arith.constant 0 : i32
      %add3A_222 = arith.addi %mul3A_220, %add3A_221 : i32
      %dma_wait3A_223 = arith.constant 0 : i32
      %dma_wait3A_224 = arith.constant 0 : i32
      %dma_wait3A_225 = tpu.memref_slice %arg4[%dma_wait3A_223, %dma_wait3A_224] : memref<32x640xf32, #tpu.memory_space<vmem>> -> memref<32x384xf32, #tpu.memory_space<vmem>>
      %dma_wait3A_226 = arith.constant 0 : i32
      %dma_wait3A_227 = arith.constant 0 : i32
      %dma_wait3A_228 = tpu.memref_slice %arg2[%dma_wait3A_226, %dma_wait3A_227] : memref<8192x2048xf32, #tpu.memory_space<hbm>> -> memref<32x384xf32, #tpu.memory_space<hbm>>
      %dma_wait3A_229 = arith.constant 0 : i32
      %dma_wait3A_230 = arith.constant 0 : i32
      %dma_wait3A_231 = tpu.memref_slice %arg4[%dma_wait3A_229, %dma_wait3A_230] : memref<32x640xf32, #tpu.memory_space<vmem>> -> memref<32x384xf32, #tpu.memory_space<vmem>>
      %dma_wait3A_232 = arith.constant 0 : i32
      %dma_wait3A_233 = arith.constant 0 : i32
      %dma_wait3A_234 = tpu.memref_slice %arg2[%dma_wait3A_232, %dma_wait3A_233] : memref<8192x2048xf32, #tpu.memory_space<hbm>> -> memref<32x384xf32, #tpu.memory_space<hbm>>
      tpu.wait_dma2 semaphore(%arg7 : memref<!tpu.dma_semaphore, #tpu.memory_space<semaphore_mem>>) src(%dma_wait3A_234 : memref<32x384xf32, #tpu.memory_space<hbm>>) dst(%dma_wait3A_231 : memref<32x384xf32, #tpu.memory_space<vmem>>)
      %mul3A_235 = arith.constant 32 : i32
      %mul3A_236 = arith.muli %mul3A_235, %add3A_222 : i32
      %add3A_237 = arith.addi %add3A, %mul3A_236 : i32
      %mul3A_238 = arith.constant 32 : i32
      %mul3A_239 = arith.muli %add3A_237, %mul3A_238 : i32
      %multiple_of3A_240 = tpu.assume_multiple %mul3A_239, 32 : i32
      %rem3A_241 = arith.constant 2048 : i32
      %rem3A_242 = arith.remsi %multiple_of3A_240, %rem3A_241 : i32
      %rem3A_243 = arith.constant 128 : i32
      %rem3A_244 = arith.remsi %rem3A_242, %rem3A_243 : i32
      %sub3A_245 = arith.subi %rem3A_242, %rem3A_244 : i32
      %min3A_246 = arith.constant 1664 : i32
      %min3A_247 = arith.minsi %sub3A_245, %min3A_246 : i32
      %multiple_of3A_248 = tpu.assume_multiple %min3A_247, 128 : i32
      %sub3A_249 = arith.subi %rem3A_242, %multiple_of3A_248 : i32
      %multiple_of3A_250 = tpu.assume_multiple %sub3A_249, 16 : i32
      %mul3A_251 = arith.constant 32 : i32
      %mul3A_252 = arith.muli %add3A_222, %mul3A_251 : i32
      %add3A_253 = vector.broadcast %rem3A_242 : i32 to vector<16xi32>
      %add3A_254 = arith.addi %iota3A, %add3A_253 : vector<16xi32>
      %parallel_loop3A = arith.constant 0 : i32
      %parallel_loop3A_255 = arith.constant 32 : i32
      %parallel_loop3A_256 = arith.constant 1 : i32
      scf.for %parallel_loop3A_380 = %parallel_loop3A to %parallel_loop3A_255 step %parallel_loop3A_256  : i32 {
        %parallel_loop3A_381 = arith.constant 15 : i32
        %parallel_loop3A_382 = arith.andi %parallel_loop3A_380, %parallel_loop3A_381 : i32
        %parallel_loop3A_383 = arith.subi %parallel_loop3A_380, %parallel_loop3A_382 : i32
        %parallel_loop3A_384 = arith.addi %multiple_of3A_250, %parallel_loop3A_383 : i32
        %parallel_loop3A_385 = tpu.assume_multiple %parallel_loop3A_384, 16 : i32
        %parallel_loop3A_386 = vector.broadcast %parallel_loop3A_382 : i32 to vector<16xi32>
        %parallel_loop3A_387 = arith.addi %iota3A, %parallel_loop3A_386 : vector<16xi32>
        %parallel_loop3A_388 = arith.constant 15 : i32
        %parallel_loop3A_389 = vector.broadcast %parallel_loop3A_388 : i32 to vector<16xi32>
        %parallel_loop3A_390 = arith.andi %parallel_loop3A_387, %parallel_loop3A_389 : vector<16xi32>
        %parallel_loop3A_391 = arith.constant 16 : i32
        %parallel_loop3A_392 = arith.subi %parallel_loop3A_391, %parallel_loop3A_382 : i32
        %parallel_loop3A_393 = vector.broadcast %parallel_loop3A_392 : i32 to vector<16xi32>
        %parallel_loop3A_394 = arith.cmpi slt, %iota3A, %parallel_loop3A_393 : vector<16xi32>
        %parallel_loop3A_395 = arith.index_cast %parallel_loop3A_380 : i32 to index
        %parallel_loop3A_396 = arith.index_cast %parallel_loop3A_385 : i32 to index
        %parallel_loop3A_397 = tpu.vector_load %arg4[%parallel_loop3A_395, %parallel_loop3A_396] {strides = array<i32>} : memref<32x640xf32, #tpu.memory_space<vmem>>, vector<1x16xf32>,
        %parallel_loop3A_398 = vector.shape_cast %parallel_loop3A_397 : vector<1x16xf32> to vector<16xf32>
        %parallel_loop3A_399 = arith.constant 16 : i32
        %parallel_loop3A_400 = arith.constant 0 : i32
        %parallel_loop3A_401 = arith.cmpi eq, %parallel_loop3A_399, %parallel_loop3A_400 : i32
        %parallel_loop3A_402 = arith.constant 1 : i32
        %parallel_loop3A_403 = arith.select %parallel_loop3A_401, %parallel_loop3A_402, %parallel_loop3A_399 : i32
        %parallel_loop3A_404 = vector.broadcast %parallel_loop3A_403 : i32 to vector<16xi32>
        %parallel_loop3A_405 = arith.remsi %parallel_loop3A_390, %parallel_loop3A_404 : vector<16xi32>
        %parallel_loop3A_406 = arith.constant 0 : i32
        %parallel_loop3A_407 = vector.broadcast %parallel_loop3A_406 : i32 to vector<16xi32>
        %parallel_loop3A_408 = arith.cmpi ne, %parallel_loop3A_405, %parallel_loop3A_407 : vector<16xi32>
        %parallel_loop3A_409 = arith.constant 0 : i32
        %parallel_loop3A_410 = vector.broadcast %parallel_loop3A_409 : i32 to vector<16xi32>
        %parallel_loop3A_411 = arith.cmpi slt, %parallel_loop3A_405, %parallel_loop3A_410 : vector<16xi32>
        %parallel_loop3A_412 = arith.constant 0 : i32
        %parallel_loop3A_413 = arith.cmpi slt, %parallel_loop3A_403, %parallel_loop3A_412 : i32
        %parallel_loop3A_414 = vector.broadcast %parallel_loop3A_413 : i1 to vector<16xi1>
        %parallel_loop3A_415 = vector.broadcast %parallel_loop3A_414 : vector<16xi1> to vector<16xi1>
        %parallel_loop3A_416 = arith.xori %parallel_loop3A_411, %parallel_loop3A_415 : vector<16xi1>
        %parallel_loop3A_417 = arith.andi %parallel_loop3A_416, %parallel_loop3A_408 : vector<16xi1>
        %parallel_loop3A_418 = vector.broadcast %parallel_loop3A_403 : i32 to vector<16xi32>
        %parallel_loop3A_419 = arith.addi %parallel_loop3A_405, %parallel_loop3A_418 : vector<16xi32>
        %parallel_loop3A_420 = arith.select %parallel_loop3A_417, %parallel_loop3A_419, %parallel_loop3A_405 : vector<16xi1>, vector<16xi32>
        %parallel_loop3A_421 = vector.shape_cast %parallel_loop3A_420 : vector<16xi32> to vector<16x1xi32>
        %parallel_loop3A_422 = vector.shape_cast %parallel_loop3A_421 : vector<16x1xi32> to vector<16xi32>
        %parallel_loop3A_423 = tpu.dynamic_gather %parallel_loop3A_398[%parallel_loop3A_422] in [0] : vector<16xf32>, vector<16xi32> -> vector<16xf32>
        %parallel_loop3A_424 = arith.constant 16 : i32
        %parallel_loop3A_425 = arith.addi %parallel_loop3A_385, %parallel_loop3A_424 : i32
        %parallel_loop3A_426 = arith.index_cast %parallel_loop3A_380 : i32 to index
        %parallel_loop3A_427 = arith.index_cast %parallel_loop3A_425 : i32 to index
        %parallel_loop3A_428 = tpu.vector_load %arg4[%parallel_loop3A_426, %parallel_loop3A_427] {strides = array<i32>} : memref<32x640xf32, #tpu.memory_space<vmem>>, vector<1x16xf32>,
        %parallel_loop3A_429 = vector.shape_cast %parallel_loop3A_428 : vector<1x16xf32> to vector<16xf32>
        %parallel_loop3A_430 = arith.constant 16 : i32
        %parallel_loop3A_431 = arith.constant 0 : i32
        %parallel_loop3A_432 = arith.cmpi eq, %parallel_loop3A_430, %parallel_loop3A_431 : i32
        %parallel_loop3A_433 = arith.constant 1 : i32
        %parallel_loop3A_434 = arith.select %parallel_loop3A_432, %parallel_loop3A_433, %parallel_loop3A_430 : i32
        %parallel_loop3A_435 = vector.broadcast %parallel_loop3A_434 : i32 to vector<16xi32>
        %parallel_loop3A_436 = arith.remsi %parallel_loop3A_390, %parallel_loop3A_435 : vector<16xi32>
        %parallel_loop3A_437 = arith.constant 0 : i32
        %parallel_loop3A_438 = vector.broadcast %parallel_loop3A_437 : i32 to vector<16xi32>
        %parallel_loop3A_439 = arith.cmpi ne, %parallel_loop3A_436, %parallel_loop3A_438 : vector<16xi32>
        %parallel_loop3A_440 = arith.constant 0 : i32
        %parallel_loop3A_441 = vector.broadcast %parallel_loop3A_440 : i32 to vector<16xi32>
        %parallel_loop3A_442 = arith.cmpi slt, %parallel_loop3A_436, %parallel_loop3A_441 : vector<16xi32>
        %parallel_loop3A_443 = arith.constant 0 : i32
        %parallel_loop3A_444 = arith.cmpi slt, %parallel_loop3A_434, %parallel_loop3A_443 : i32
        %parallel_loop3A_445 = vector.broadcast %parallel_loop3A_444 : i1 to vector<16xi1>
        %parallel_loop3A_446 = vector.broadcast %parallel_loop3A_445 : vector<16xi1> to vector<16xi1>
        %parallel_loop3A_447 = arith.xori %parallel_loop3A_442, %parallel_loop3A_446 : vector<16xi1>
        %parallel_loop3A_448 = arith.andi %parallel_loop3A_447, %parallel_loop3A_439 : vector<16xi1>
        %parallel_loop3A_449 = vector.broadcast %parallel_loop3A_434 : i32 to vector<16xi32>
        %parallel_loop3A_450 = arith.addi %parallel_loop3A_436, %parallel_loop3A_449 : vector<16xi32>
        %parallel_loop3A_451 = arith.select %parallel_loop3A_448, %parallel_loop3A_450, %parallel_loop3A_436 : vector<16xi1>, vector<16xi32>
        %parallel_loop3A_452 = vector.shape_cast %parallel_loop3A_451 : vector<16xi32> to vector<16x1xi32>
        %parallel_loop3A_453 = vector.shape_cast %parallel_loop3A_452 : vector<16x1xi32> to vector<16xi32>
        %parallel_loop3A_454 = tpu.dynamic_gather %parallel_loop3A_429[%parallel_loop3A_453] in [0] : vector<16xf32>, vector<16xi32> -> vector<16xf32>
        %parallel_loop3A_455 = arith.select %parallel_loop3A_394, %parallel_loop3A_423, %parallel_loop3A_454 : vector<16xi1>, vector<16xf32>
        %parallel_loop3A_456 = arith.constant 2048 : i32
        %parallel_loop3A_457 = arith.subi %parallel_loop3A_456, %parallel_loop3A_380 : i32
        %parallel_loop3A_458 = arith.constant 0 : i32
        %parallel_loop3A_459 = arith.subi %parallel_loop3A_457, %parallel_loop3A_458 : i32
        %parallel_loop3A_460 = vector.broadcast %parallel_loop3A_459 : i32 to vector<16xi32>
        %parallel_loop3A_461 = arith.cmpi slt, %add3A_254, %parallel_loop3A_460 : vector<16xi32>
        %parallel_loop3A_462 = arith.constant 0.000000e+00 : f32
        %parallel_loop3A_463 = vector.broadcast %parallel_loop3A_462 : f32 to vector<16xf32>
        %parallel_loop3A_464 = arith.select %parallel_loop3A_461, %parallel_loop3A_455, %parallel_loop3A_463 : vector<16xi1>, vector<16xf32>
        %parallel_loop3A_465 = arith.addi %mul3A_252, %parallel_loop3A_380 : i32
        %parallel_loop3A_466 = arith.index_cast %parallel_loop3A_465 : i32 to index
        %parallel_loop3A_467 = arith.constant 0 : index
        %parallel_loop3A_468 = tpu.vector_load %arg6[%parallel_loop3A_466, %parallel_loop3A_467] {strides = array<i32>} : memref<256x256xf32, #tpu.memory_space<vmem>>, vector<1x16xf32>,
        %parallel_loop3A_469 = vector.shape_cast %parallel_loop3A_468 : vector<1x16xf32> to vector<16xf32>
        %parallel_loop3A_470 = vector.shape_cast %parallel_loop3A_464 : vector<16xf32> to vector<1x16xf32>
        tpu.vector_store %arg6[%parallel_loop3A_466, %parallel_loop3A_467], %parallel_loop3A_470 {strides = array<i32>} : memref<256x256xf32, #tpu.memory_space<vmem>>, vector<1x16xf32>,
        %parallel_loop3A_471 = arith.constant 32 : i32
        %parallel_loop3A_472 = arith.addi %parallel_loop3A_385, %parallel_loop3A_471 : i32
        %parallel_loop3A_473 = arith.index_cast %parallel_loop3A_380 : i32 to index
        %parallel_loop3A_474 = arith.index_cast %parallel_loop3A_472 : i32 to index
        %parallel_loop3A_475 = tpu.vector_load %arg4[%parallel_loop3A_473, %parallel_loop3A_474] {strides = array<i32>} : memref<32x640xf32, #tpu.memory_space<vmem>>, vector<1x16xf32>,
        %parallel_loop3A_476 = vector.shape_cast %parallel_loop3A_475 : vector<1x16xf32> to vector<16xf32>
        %parallel_loop3A_477 = arith.constant 16 : i32
        %parallel_loop3A_478 = arith.constant 0 : i32
        %parallel_loop3A_479 = arith.cmpi eq, %parallel_loop3A_477, %parallel_loop3A_478 : i32
        %parallel_loop3A_480 = arith.constant 1 : i32
        %parallel_loop3A_481 = arith.select %parallel_loop3A_479, %parallel_loop3A_480, %parallel_loop3A_477 : i32
        %parallel_loop3A_482 = vector.broadcast %parallel_loop3A_481 : i32 to vector<16xi32>
        %parallel_loop3A_483 = arith.remsi %parallel_loop3A_390, %parallel_loop3A_482 : vector<16xi32>
        %parallel_loop3A_484 = arith.constant 0 : i32
        %parallel_loop3A_485 = vector.broadcast %parallel_loop3A_484 : i32 to vector<16xi32>
        %parallel_loop3A_486 = arith.cmpi ne, %parallel_loop3A_483, %parallel_loop3A_485 : vector<16xi32>
        %parallel_loop3A_487 = arith.constant 0 : i32
        %parallel_loop3A_488 = vector.broadcast %parallel_loop3A_487 : i32 to vector<16xi32>
        %parallel_loop3A_489 = arith.cmpi slt, %parallel_loop3A_483, %parallel_loop3A_488 : vector<16xi32>
        %parallel_loop3A_490 = arith.constant 0 : i32
        %parallel_loop3A_491 = arith.cmpi slt, %parallel_loop3A_481, %parallel_loop3A_490 : i32
        %parallel_loop3A_492 = vector.broadcast %parallel_loop3A_491 : i1 to vector<16xi1>
        %parallel_loop3A_493 = vector.broadcast %parallel_loop3A_492 : vector<16xi1> to vector<16xi1>
        %parallel_loop3A_494 = arith.xori %parallel_loop3A_489, %parallel_loop3A_493 : vector<16xi1>
        %parallel_loop3A_495 = arith.andi %parallel_loop3A_494, %parallel_loop3A_486 : vector<16xi1>
        %parallel_loop3A_496 = vector.broadcast %parallel_loop3A_481 : i32 to vector<16xi32>
        %parallel_loop3A_497 = arith.addi %parallel_loop3A_483, %parallel_loop3A_496 : vector<16xi32>
        %parallel_loop3A_498 = arith.select %parallel_loop3A_495, %parallel_loop3A_497, %parallel_loop3A_483 : vector<16xi1>, vector<16xi32>
        %parallel_loop3A_499 = vector.shape_cast %parallel_loop3A_498 : vector<16xi32> to vector<16x1xi32>
        %parallel_loop3A_500 = vector.shape_cast %parallel_loop3A_499 : vector<16x1xi32> to vector<16xi32>
        %parallel_loop3A_501 = tpu.dynamic_gather %parallel_loop3A_476[%parallel_loop3A_500] in [0] : vector<16xf32>, vector<16xi32> -> vector<16xf32>
        %parallel_loop3A_502 = arith.select %parallel_loop3A_394, %parallel_loop3A_454, %parallel_loop3A_501 : vector<16xi1>, vector<16xf32>
        %parallel_loop3A_503 = arith.constant 2048 : i32
        %parallel_loop3A_504 = arith.subi %parallel_loop3A_503, %parallel_loop3A_380 : i32
        %parallel_loop3A_505 = arith.constant 16 : i32
        %parallel_loop3A_506 = arith.subi %parallel_loop3A_504, %parallel_loop3A_505 : i32
        %parallel_loop3A_507 = vector.broadcast %parallel_loop3A_506 : i32 to vector<16xi32>
        %parallel_loop3A_508 = arith.cmpi slt, %add3A_254, %parallel_loop3A_507 : vector<16xi32>
        %parallel_loop3A_509 = arith.constant 0.000000e+00 : f32
        %parallel_loop3A_510 = vector.broadcast %parallel_loop3A_509 : f32 to vector<16xf32>
        %parallel_loop3A_511 = arith.select %parallel_loop3A_508, %parallel_loop3A_502, %parallel_loop3A_510 : vector<16xi1>, vector<16xf32>
        %parallel_loop3A_512 = arith.addi %mul3A_252, %parallel_loop3A_380 : i32
        %parallel_loop3A_513 = arith.index_cast %parallel_loop3A_512 : i32 to index
        %parallel_loop3A_514 = arith.constant 16 : index
        %parallel_loop3A_515 = tpu.vector_load %arg6[%parallel_loop3A_513, %parallel_loop3A_514] {strides = array<i32>} : memref<256x256xf32, #tpu.memory_space<vmem>>, vector<1x16xf32>,
        %parallel_loop3A_516 = vector.shape_cast %parallel_loop3A_515 : vector<1x16xf32> to vector<16xf32>
        %parallel_loop3A_517 = vector.shape_cast %parallel_loop3A_511 : vector<16xf32> to vector<1x16xf32>
        tpu.vector_store %arg6[%parallel_loop3A_513, %parallel_loop3A_514], %parallel_loop3A_517 {strides = array<i32>} : memref<256x256xf32, #tpu.memory_space<vmem>>, vector<1x16xf32>,
        %parallel_loop3A_518 = arith.constant 48 : i32
        %parallel_loop3A_519 = arith.addi %parallel_loop3A_385, %parallel_loop3A_518 : i32
        %parallel_loop3A_520 = arith.index_cast %parallel_loop3A_380 : i32 to index
        %parallel_loop3A_521 = arith.index_cast %parallel_loop3A_519 : i32 to index
        %parallel_loop3A_522 = tpu.vector_load %arg4[%parallel_loop3A_520, %parallel_loop3A_521] {strides = array<i32>} : memref<32x640xf32, #tpu.memory_space<vmem>>, vector<1x16xf32>,
        %parallel_loop3A_523 = vector.shape_cast %parallel_loop3A_522 : vector<1x16xf32> to vector<16xf32>
        %parallel_loop3A_524 = arith.constant 16 : i32
        %parallel_loop3A_525 = arith.constant 0 : i32
        %parallel_loop3A_526 = arith.cmpi eq, %parallel_loop3A_524, %parallel_loop3A_525 : i32
        %parallel_loop3A_527 = arith.constant 1 : i32
        %parallel_loop3A_528 = arith.select %parallel_loop3A_526, %parallel_loop3A_527, %parallel_loop3A_524 : i32
        %parallel_loop3A_529 = vector.broadcast %parallel_loop3A_528 : i32 to vector<16xi32>
        %parallel_loop3A_530 = arith.remsi %parallel_loop3A_390, %parallel_loop3A_529 : vector<16xi32>
        %parallel_loop3A_531 = arith.constant 0 : i32
        %parallel_loop3A_532 = vector.broadcast %parallel_loop3A_531 : i32 to vector<16xi32>
        %parallel_loop3A_533 = arith.cmpi ne, %parallel_loop3A_530, %parallel_loop3A_532 : vector<16xi32>
        %parallel_loop3A_534 = arith.constant 0 : i32
        %parallel_loop3A_535 = vector.broadcast %parallel_loop3A_534 : i32 to vector<16xi32>
        %parallel_loop3A_536 = arith.cmpi slt, %parallel_loop3A_530, %parallel_loop3A_535 : vector<16xi32>
        %parallel_loop3A_537 = arith.constant 0 : i32
        %parallel_loop3A_538 = arith.cmpi slt, %parallel_loop3A_528, %parallel_loop3A_537 : i32
        %parallel_loop3A_539 = vector.broadcast %parallel_loop3A_538 : i1 to vector<16xi1>
        %parallel_loop3A_540 = vector.broadcast %parallel_loop3A_539 : vector<16xi1> to vector<16xi1>
        %parallel_loop3A_541 = arith.xori %parallel_loop3A_536, %parallel_loop3A_540 : vector<16xi1>
        %parallel_loop3A_542 = arith.andi %parallel_loop3A_541, %parallel_loop3A_533 : vector<16xi1>
        %parallel_loop3A_543 = vector.broadcast %parallel_loop3A_528 : i32 to vector<16xi32>
        %parallel_loop3A_544 = arith.addi %parallel_loop3A_530, %parallel_loop3A_543 : vector<16xi32>
        %parallel_loop3A_545 = arith.select %parallel_loop3A_542, %parallel_loop3A_544, %parallel_loop3A_530 : vector<16xi1>, vector<16xi32>
        %parallel_loop3A_546 = vector.shape_cast %parallel_loop3A_545 : vector<16xi32> to vector<16x1xi32>
        %parallel_loop3A_547 = vector.shape_cast %parallel_loop3A_546 : vector<16x1xi32> to vector<16xi32>
        %parallel_loop3A_548 = tpu.dynamic_gather %parallel_loop3A_523[%parallel_loop3A_547] in [0] : vector<16xf32>, vector<16xi32> -> vector<16xf32>
        %parallel_loop3A_549 = arith.select %parallel_loop3A_394, %parallel_loop3A_501, %parallel_loop3A_548 : vector<16xi1>, vector<16xf32>
        %parallel_loop3A_550 = arith.constant 2048 : i32
        %parallel_loop3A_551 = arith.subi %parallel_loop3A_550, %parallel_loop3A_380 : i32
        %parallel_loop3A_552 = arith.constant 32 : i32
        %parallel_loop3A_553 = arith.subi %parallel_loop3A_551, %parallel_loop3A_552 : i32
        %parallel_loop3A_554 = vector.broadcast %parallel_loop3A_553 : i32 to vector<16xi32>
        %parallel_loop3A_555 = arith.cmpi slt, %add3A_254, %parallel_loop3A_554 : vector<16xi32>
        %parallel_loop3A_556 = arith.constant 0.000000e+00 : f32
        %parallel_loop3A_557 = vector.broadcast %parallel_loop3A_556 : f32 to vector<16xf32>
        %parallel_loop3A_558 = arith.select %parallel_loop3A_555, %parallel_loop3A_549, %parallel_loop3A_557 : vector<16xi1>, vector<16xf32>
        %parallel_loop3A_559 = arith.addi %mul3A_252, %parallel_loop3A_380 : i32
        %parallel_loop3A_560 = arith.index_cast %parallel_loop3A_559 : i32 to index
        %parallel_loop3A_561 = arith.constant 32 : index
        %parallel_loop3A_562 = tpu.vector_load %arg6[%parallel_loop3A_560, %parallel_loop3A_561] {strides = array<i32>} : memref<256x256xf32, #tpu.memory_space<vmem>>, vector<1x16xf32>,
        %parallel_loop3A_563 = vector.shape_cast %parallel_loop3A_562 : vector<1x16xf32> to vector<16xf32>
        %parallel_loop3A_564 = vector.shape_cast %parallel_loop3A_558 : vector<16xf32> to vector<1x16xf32>
        tpu.vector_store %arg6[%parallel_loop3A_560, %parallel_loop3A_561], %parallel_loop3A_564 {strides = array<i32>} : memref<256x256xf32, #tpu.memory_space<vmem>>, vector<1x16xf32>,
        %parallel_loop3A_565 = arith.constant 64 : i32
        %parallel_loop3A_566 = arith.addi %parallel_loop3A_385, %parallel_loop3A_565 : i32
        %parallel_loop3A_567 = arith.index_cast %parallel_loop3A_380 : i32 to index
        %parallel_loop3A_568 = arith.index_cast %parallel_loop3A_566 : i32 to index
        %parallel_loop3A_569 = tpu.vector_load %arg4[%parallel_loop3A_567, %parallel_loop3A_568] {strides = array<i32>} : memref<32x640xf32, #tpu.memory_space<vmem>>, vector<1x16xf32>,
        %parallel_loop3A_570 = vector.shape_cast %parallel_loop3A_569 : vector<1x16xf32> to vector<16xf32>
        %parallel_loop3A_571 = arith.constant 16 : i32
        %parallel_loop3A_572 = arith.constant 0 : i32
        %parallel_loop3A_573 = arith.cmpi eq, %parallel_loop3A_571, %parallel_loop3A_572 : i32
        %parallel_loop3A_574 = arith.constant 1 : i32
        %parallel_loop3A_575 = arith.select %parallel_loop3A_573, %parallel_loop3A_574, %parallel_loop3A_571 : i32
        %parallel_loop3A_576 = vector.broadcast %parallel_loop3A_575 : i32 to vector<16xi32>
        %parallel_loop3A_577 = arith.remsi %parallel_loop3A_390, %parallel_loop3A_576 : vector<16xi32>
        %parallel_loop3A_578 = arith.constant 0 : i32
        %parallel_loop3A_579 = vector.broadcast %parallel_loop3A_578 : i32 to vector<16xi32>
        %parallel_loop3A_580 = arith.cmpi ne, %parallel_loop3A_577, %parallel_loop3A_579 : vector<16xi32>
        %parallel_loop3A_581 = arith.constant 0 : i32
        %parallel_loop3A_582 = vector.broadcast %parallel_loop3A_581 : i32 to vector<16xi32>
        %parallel_loop3A_583 = arith.cmpi slt, %parallel_loop3A_577, %parallel_loop3A_582 : vector<16xi32>
        %parallel_loop3A_584 = arith.constant 0 : i32
        %parallel_loop3A_585 = arith.cmpi slt, %parallel_loop3A_575, %parallel_loop3A_584 : i32
        %parallel_loop3A_586 = vector.broadcast %parallel_loop3A_585 : i1 to vector<16xi1>
        %parallel_loop3A_587 = vector.broadcast %parallel_loop3A_586 : vector<16xi1> to vector<16xi1>
        %parallel_loop3A_588 = arith.xori %parallel_loop3A_583, %parallel_loop3A_587 : vector<16xi1>
        %parallel_loop3A_589 = arith.andi %parallel_loop3A_588, %parallel_loop3A_580 : vector<16xi1>
        %parallel_loop3A_590 = vector.broadcast %parallel_loop3A_575 : i32 to vector<16xi32>
        %parallel_loop3A_591 = arith.addi %parallel_loop3A_577, %parallel_loop3A_590 : vector<16xi32>
        %parallel_loop3A_592 = arith.select %parallel_loop3A_589, %parallel_loop3A_591, %parallel_loop3A_577 : vector<16xi1>, vector<16xi32>
        %parallel_loop3A_593 = vector.shape_cast %parallel_loop3A_592 : vector<16xi32> to vector<16x1xi32>
        %parallel_loop3A_594 = vector.shape_cast %parallel_loop3A_593 : vector<16x1xi32> to vector<16xi32>
        %parallel_loop3A_595 = tpu.dynamic_gather %parallel_loop3A_570[%parallel_loop3A_594] in [0] : vector<16xf32>, vector<16xi32> -> vector<16xf32>
        %parallel_loop3A_596 = arith.select %parallel_loop3A_394, %parallel_loop3A_548, %parallel_loop3A_595 : vector<16xi1>, vector<16xf32>
        %parallel_loop3A_597 = arith.constant 2048 : i32
        %parallel_loop3A_598 = arith.subi %parallel_loop3A_597, %parallel_loop3A_380 : i32
        %parallel_loop3A_599 = arith.constant 48 : i32
        %parallel_loop3A_600 = arith.subi %parallel_loop3A_598, %parallel_loop3A_599 : i32
        %parallel_loop3A_601 = vector.broadcast %parallel_loop3A_600 : i32 to vector<16xi32>
        %parallel_loop3A_602 = arith.cmpi slt, %add3A_254, %parallel_loop3A_601 : vector<16xi32>
        %parallel_loop3A_603 = arith.constant 0.000000e+00 : f32
        %parallel_loop3A_604 = vector.broadcast %parallel_loop3A_603 : f32 to vector<16xf32>
        %parallel_loop3A_605 = arith.select %parallel_loop3A_602, %parallel_loop3A_596, %parallel_loop3A_604 : vector<16xi1>, vector<16xf32>
        %parallel_loop3A_606 = arith.addi %mul3A_252, %parallel_loop3A_380 : i32
        %parallel_loop3A_607 = arith.index_cast %parallel_loop3A_606 : i32 to index
        %parallel_loop3A_608 = arith.constant 48 : index
        %parallel_loop3A_609 = tpu.vector_load %arg6[%parallel_loop3A_607, %parallel_loop3A_608] {strides = array<i32>} : memref<256x256xf32, #tpu.memory_space<vmem>>, vector<1x16xf32>,
        %parallel_loop3A_610 = vector.shape_cast %parallel_loop3A_609 : vector<1x16xf32> to vector<16xf32>
        %parallel_loop3A_611 = vector.shape_cast %parallel_loop3A_605 : vector<16xf32> to vector<1x16xf32>
        tpu.vector_store %arg6[%parallel_loop3A_607, %parallel_loop3A_608], %parallel_loop3A_611 {strides = array<i32>} : memref<256x256xf32, #tpu.memory_space<vmem>>, vector<1x16xf32>,
        %parallel_loop3A_612 = arith.constant 80 : i32
        %parallel_loop3A_613 = arith.addi %parallel_loop3A_385, %parallel_loop3A_612 : i32
        %parallel_loop3A_614 = arith.index_cast %parallel_loop3A_380 : i32 to index
        %parallel_loop3A_615 = arith.index_cast %parallel_loop3A_613 : i32 to index
        %parallel_loop3A_616 = tpu.vector_load %arg4[%parallel_loop3A_614, %parallel_loop3A_615] {strides = array<i32>} : memref<32x640xf32, #tpu.memory_space<vmem>>, vector<1x16xf32>,
        %parallel_loop3A_617 = vector.shape_cast %parallel_loop3A_616 : vector<1x16xf32> to vector<16xf32>
        %parallel_loop3A_618 = arith.constant 16 : i32
        %parallel_loop3A_619 = arith.constant 0 : i32
        %parallel_loop3A_620 = arith.cmpi eq, %parallel_loop3A_618, %parallel_loop3A_619 : i32
        %parallel_loop3A_621 = arith.constant 1 : i32
        %parallel_loop3A_622 = arith.select %parallel_loop3A_620, %parallel_loop3A_621, %parallel_loop3A_618 : i32
        %parallel_loop3A_623 = vector.broadcast %parallel_loop3A_622 : i32 to vector<16xi32>
        %parallel_loop3A_624 = arith.remsi %parallel_loop3A_390, %parallel_loop3A_623 : vector<16xi32>
        %parallel_loop3A_625 = arith.constant 0 : i32
        %parallel_loop3A_626 = vector.broadcast %parallel_loop3A_625 : i32 to vector<16xi32>
        %parallel_loop3A_627 = arith.cmpi ne, %parallel_loop3A_624, %parallel_loop3A_626 : vector<16xi32>
        %parallel_loop3A_628 = arith.constant 0 : i32
        %parallel_loop3A_629 = vector.broadcast %parallel_loop3A_628 : i32 to vector<16xi32>
        %parallel_loop3A_630 = arith.cmpi slt, %parallel_loop3A_624, %parallel_loop3A_629 : vector<16xi32>
        %parallel_loop3A_631 = arith.constant 0 : i32
        %parallel_loop3A_632 = arith.cmpi slt, %parallel_loop3A_622, %parallel_loop3A_631 : i32
        %parallel_loop3A_633 = vector.broadcast %parallel_loop3A_632 : i1 to vector<16xi1>
        %parallel_loop3A_634 = vector.broadcast %parallel_loop3A_633 : vector<16xi1> to vector<16xi1>
        %parallel_loop3A_635 = arith.xori %parallel_loop3A_630, %parallel_loop3A_634 : vector<16xi1>
        %parallel_loop3A_636 = arith.andi %parallel_loop3A_635, %parallel_loop3A_627 : vector<16xi1>
        %parallel_loop3A_637 = vector.broadcast %parallel_loop3A_622 : i32 to vector<16xi32>
        %parallel_loop3A_638 = arith.addi %parallel_loop3A_624, %parallel_loop3A_637 : vector<16xi32>
        %parallel_loop3A_639 = arith.select %parallel_loop3A_636, %parallel_loop3A_638, %parallel_loop3A_624 : vector<16xi1>, vector<16xi32>
        %parallel_loop3A_640 = vector.shape_cast %parallel_loop3A_639 : vector<16xi32> to vector<16x1xi32>
        %parallel_loop3A_641 = vector.shape_cast %parallel_loop3A_640 : vector<16x1xi32> to vector<16xi32>
        %parallel_loop3A_642 = tpu.dynamic_gather %parallel_loop3A_617[%parallel_loop3A_641] in [0] : vector<16xf32>, vector<16xi32> -> vector<16xf32>
        %parallel_loop3A_643 = arith.select %parallel_loop3A_394, %parallel_loop3A_595, %parallel_loop3A_642 : vector<16xi1>, vector<16xf32>
        %parallel_loop3A_644 = arith.constant 2048 : i32
        %parallel_loop3A_645 = arith.subi %parallel_loop3A_644, %parallel_loop3A_380 : i32
        %parallel_loop3A_646 = arith.constant 64 : i32
        %parallel_loop3A_647 = arith.subi %parallel_loop3A_645, %parallel_loop3A_646 : i32
        %parallel_loop3A_648 = vector.broadcast %parallel_loop3A_647 : i32 to vector<16xi32>
        %parallel_loop3A_649 = arith.cmpi slt, %add3A_254, %parallel_loop3A_648 : vector<16xi32>
        %parallel_loop3A_650 = arith.constant 0.000000e+00 : f32
        %parallel_loop3A_651 = vector.broadcast %parallel_loop3A_650 : f32 to vector<16xf32>
        %parallel_loop3A_652 = arith.select %parallel_loop3A_649, %parallel_loop3A_643, %parallel_loop3A_651 : vector<16xi1>, vector<16xf32>
        %parallel_loop3A_653 = arith.addi %mul3A_252, %parallel_loop3A_380 : i32
        %parallel_loop3A_654 = arith.index_cast %parallel_loop3A_653 : i32 to index
        %parallel_loop3A_655 = arith.constant 64 : index
        %parallel_loop3A_656 = tpu.vector_load %arg6[%parallel_loop3A_654, %parallel_loop3A_655] {strides = array<i32>} : memref<256x256xf32, #tpu.memory_space<vmem>>, vector<1x16xf32>,
        %parallel_loop3A_657 = vector.shape_cast %parallel_loop3A_656 : vector<1x16xf32> to vector<16xf32>
        %parallel_loop3A_658 = vector.shape_cast %parallel_loop3A_652 : vector<16xf32> to vector<1x16xf32>
        tpu.vector_store %arg6[%parallel_loop3A_654, %parallel_loop3A_655], %parallel_loop3A_658 {strides = array<i32>} : memref<256x256xf32, #tpu.memory_space<vmem>>, vector<1x16xf32>,
        %parallel_loop3A_659 = arith.constant 96 : i32
        %parallel_loop3A_660 = arith.addi %parallel_loop3A_385, %parallel_loop3A_659 : i32
        %parallel_loop3A_661 = arith.index_cast %parallel_loop3A_380 : i32 to index
        %parallel_loop3A_662 = arith.index_cast %parallel_loop3A_660 : i32 to index
        %parallel_loop3A_663 = tpu.vector_load %arg4[%parallel_loop3A_661, %parallel_loop3A_662] {strides = array<i32>} : memref<32x640xf32, #tpu.memory_space<vmem>>, vector<1x16xf32>,
        %parallel_loop3A_664 = vector.shape_cast %parallel_loop3A_663 : vector<1x16xf32> to vector<16xf32>
        %parallel_loop3A_665 = arith.constant 16 : i32
        %parallel_loop3A_666 = arith.constant 0 : i32
        %parallel_loop3A_667 = arith.cmpi eq, %parallel_loop3A_665, %parallel_loop3A_666 : i32
        %parallel_loop3A_668 = arith.constant 1 : i32
        %parallel_loop3A_669 = arith.select %parallel_loop3A_667, %parallel_loop3A_668, %parallel_loop3A_665 : i32
        %parallel_loop3A_670 = vector.broadcast %parallel_loop3A_669 : i32 to vector<16xi32>
        %parallel_loop3A_671 = arith.remsi %parallel_loop3A_390, %parallel_loop3A_670 : vector<16xi32>
        %parallel_loop3A_672 = arith.constant 0 : i32
        %parallel_loop3A_673 = vector.broadcast %parallel_loop3A_672 : i32 to vector<16xi32>
        %parallel_loop3A_674 = arith.cmpi ne, %parallel_loop3A_671, %parallel_loop3A_673 : vector<16xi32>
        %parallel_loop3A_675 = arith.constant 0 : i32
        %parallel_loop3A_676 = vector.broadcast %parallel_loop3A_675 : i32 to vector<16xi32>
        %parallel_loop3A_677 = arith.cmpi slt, %parallel_loop3A_671, %parallel_loop3A_676 : vector<16xi32>
        %parallel_loop3A_678 = arith.constant 0 : i32
        %parallel_loop3A_679 = arith.cmpi slt, %parallel_loop3A_669, %parallel_loop3A_678 : i32
        %parallel_loop3A_680 = vector.broadcast %parallel_loop3A_679 : i1 to vector<16xi1>
        %parallel_loop3A_681 = vector.broadcast %parallel_loop3A_680 : vector<16xi1> to vector<16xi1>
        %parallel_loop3A_682 = arith.xori %parallel_loop3A_677, %parallel_loop3A_681 : vector<16xi1>
        %parallel_loop3A_683 = arith.andi %parallel_loop3A_682, %parallel_loop3A_674 : vector<16xi1>
        %parallel_loop3A_684 = vector.broadcast %parallel_loop3A_669 : i32 to vector<16xi32>
        %parallel_loop3A_685 = arith.addi %parallel_loop3A_671, %parallel_loop3A_684 : vector<16xi32>
        %parallel_loop3A_686 = arith.select %parallel_loop3A_683, %parallel_loop3A_685, %parallel_loop3A_671 : vector<16xi1>, vector<16xi32>
        %parallel_loop3A_687 = vector.shape_cast %parallel_loop3A_686 : vector<16xi32> to vector<16x1xi32>
        %parallel_loop3A_688 = vector.shape_cast %parallel_loop3A_687 : vector<16x1xi32> to vector<16xi32>
        %parallel_loop3A_689 = tpu.dynamic_gather %parallel_loop3A_664[%parallel_loop3A_688] in [0] : vector<16xf32>, vector<16xi32> -> vector<16xf32>
        %parallel_loop3A_690 = arith.select %parallel_loop3A_394, %parallel_loop3A_642, %parallel_loop3A_689 : vector<16xi1>, vector<16xf32>
        %parallel_loop3A_691 = arith.constant 2048 : i32
        %parallel_loop3A_692 = arith.subi %parallel_loop3A_691, %parallel_loop3A_380 : i32
        %parallel_loop3A_693 = arith.constant 80 : i32
        %parallel_loop3A_694 = arith.subi %parallel_loop3A_692, %parallel_loop3A_693 : i32
        %parallel_loop3A_695 = vector.broadcast %parallel_loop3A_694 : i32 to vector<16xi32>
        %parallel_loop3A_696 = arith.cmpi slt, %add3A_254, %parallel_loop3A_695 : vector<16xi32>
        %parallel_loop3A_697 = arith.constant 0.000000e+00 : f32
        %parallel_loop3A_698 = vector.broadcast %parallel_loop3A_697 : f32 to vector<16xf32>
        %parallel_loop3A_699 = arith.select %parallel_loop3A_696, %parallel_loop3A_690, %parallel_loop3A_698 : vector<16xi1>, vector<16xf32>
        %parallel_loop3A_700 = arith.addi %mul3A_252, %parallel_loop3A_380 : i32
        %parallel_loop3A_701 = arith.index_cast %parallel_loop3A_700 : i32 to index
        %parallel_loop3A_702 = arith.constant 80 : index
        %parallel_loop3A_703 = tpu.vector_load %arg6[%parallel_loop3A_701, %parallel_loop3A_702] {strides = array<i32>} : memref<256x256xf32, #tpu.memory_space<vmem>>, vector<1x16xf32>,
        %parallel_loop3A_704 = vector.shape_cast %parallel_loop3A_703 : vector<1x16xf32> to vector<16xf32>
        %parallel_loop3A_705 = vector.shape_cast %parallel_loop3A_699 : vector<16xf32> to vector<1x16xf32>
        tpu.vector_store %arg6[%parallel_loop3A_701, %parallel_loop3A_702], %parallel_loop3A_705 {strides = array<i32>} : memref<256x256xf32, #tpu.memory_space<vmem>>, vector<1x16xf32>,
        %parallel_loop3A_706 = arith.constant 112 : i32
        %parallel_loop3A_707 = arith.addi %parallel_loop3A_385, %parallel_loop3A_706 : i32
        %parallel_loop3A_708 = arith.index_cast %parallel_loop3A_380 : i32 to index
        %parallel_loop3A_709 = arith.index_cast %parallel_loop3A_707 : i32 to index
        %parallel_loop3A_710 = tpu.vector_load %arg4[%parallel_loop3A_708, %parallel_loop3A_709] {strides = array<i32>} : memref<32x640xf32, #tpu.memory_space<vmem>>, vector<1x16xf32>,
        %parallel_loop3A_711 = vector.shape_cast %parallel_loop3A_710 : vector<1x16xf32> to vector<16xf32>
        %parallel_loop3A_712 = arith.constant 16 : i32
        %parallel_loop3A_713 = arith.constant 0 : i32
        %parallel_loop3A_714 = arith.cmpi eq, %parallel_loop3A_712, %parallel_loop3A_713 : i32
        %parallel_loop3A_715 = arith.constant 1 : i32
        %parallel_loop3A_716 = arith.select %parallel_loop3A_714, %parallel_loop3A_715, %parallel_loop3A_712 : i32
        %parallel_loop3A_717 = vector.broadcast %parallel_loop3A_716 : i32 to vector<16xi32>
        %parallel_loop3A_718 = arith.remsi %parallel_loop3A_390, %parallel_loop3A_717 : vector<16xi32>
        %parallel_loop3A_719 = arith.constant 0 : i32
        %parallel_loop3A_720 = vector.broadcast %parallel_loop3A_719 : i32 to vector<16xi32>
        %parallel_loop3A_721 = arith.cmpi ne, %parallel_loop3A_718, %parallel_loop3A_720 : vector<16xi32>
        %parallel_loop3A_722 = arith.constant 0 : i32
        %parallel_loop3A_723 = vector.broadcast %parallel_loop3A_722 : i32 to vector<16xi32>
        %parallel_loop3A_724 = arith.cmpi slt, %parallel_loop3A_718, %parallel_loop3A_723 : vector<16xi32>
        %parallel_loop3A_725 = arith.constant 0 : i32
        %parallel_loop3A_726 = arith.cmpi slt, %parallel_loop3A_716, %parallel_loop3A_725 : i32
        %parallel_loop3A_727 = vector.broadcast %parallel_loop3A_726 : i1 to vector<16xi1>
        %parallel_loop3A_728 = vector.broadcast %parallel_loop3A_727 : vector<16xi1> to vector<16xi1>
        %parallel_loop3A_729 = arith.xori %parallel_loop3A_724, %parallel_loop3A_728 : vector<16xi1>
        %parallel_loop3A_730 = arith.andi %parallel_loop3A_729, %parallel_loop3A_721 : vector<16xi1>
        %parallel_loop3A_731 = vector.broadcast %parallel_loop3A_716 : i32 to vector<16xi32>
        %parallel_loop3A_732 = arith.addi %parallel_loop3A_718, %parallel_loop3A_731 : vector<16xi32>
        %parallel_loop3A_733 = arith.select %parallel_loop3A_730, %parallel_loop3A_732, %parallel_loop3A_718 : vector<16xi1>, vector<16xi32>
        %parallel_loop3A_734 = vector.shape_cast %parallel_loop3A_733 : vector<16xi32> to vector<16x1xi32>
        %parallel_loop3A_735 = vector.shape_cast %parallel_loop3A_734 : vector<16x1xi32> to vector<16xi32>
        %parallel_loop3A_736 = tpu.dynamic_gather %parallel_loop3A_711[%parallel_loop3A_735] in [0] : vector<16xf32>, vector<16xi32> -> vector<16xf32>
        %parallel_loop3A_737 = arith.select %parallel_loop3A_394, %parallel_loop3A_689, %parallel_loop3A_736 : vector<16xi1>, vector<16xf32>
        %parallel_loop3A_738 = arith.constant 2048 : i32
        %parallel_loop3A_739 = arith.subi %parallel_loop3A_738, %parallel_loop3A_380 : i32
        %parallel_loop3A_740 = arith.constant 96 : i32
        %parallel_loop3A_741 = arith.subi %parallel_loop3A_739, %parallel_loop3A_740 : i32
        %parallel_loop3A_742 = vector.broadcast %parallel_loop3A_741 : i32 to vector<16xi32>
        %parallel_loop3A_743 = arith.cmpi slt, %add3A_254, %parallel_loop3A_742 : vector<16xi32>
        %parallel_loop3A_744 = arith.constant 0.000000e+00 : f32
        %parallel_loop3A_745 = vector.broadcast %parallel_loop3A_744 : f32 to vector<16xf32>
        %parallel_loop3A_746 = arith.select %parallel_loop3A_743, %parallel_loop3A_737, %parallel_loop3A_745 : vector<16xi1>, vector<16xf32>
        %parallel_loop3A_747 = arith.addi %mul3A_252, %parallel_loop3A_380 : i32
        %parallel_loop3A_748 = arith.index_cast %parallel_loop3A_747 : i32 to index
        %parallel_loop3A_749 = arith.constant 96 : index
        %parallel_loop3A_750 = tpu.vector_load %arg6[%parallel_loop3A_748, %parallel_loop3A_749] {strides = array<i32>} : memref<256x256xf32, #tpu.memory_space<vmem>>, vector<1x16xf32>,
        %parallel_loop3A_751 = vector.shape_cast %parallel_loop3A_750 : vector<1x16xf32> to vector<16xf32>
        %parallel_loop3A_752 = vector.shape_cast %parallel_loop3A_746 : vector<16xf32> to vector<1x16xf32>
        tpu.vector_store %arg6[%parallel_loop3A_748, %parallel_loop3A_749], %parallel_loop3A_752 {strides = array<i32>} : memref<256x256xf32, #tpu.memory_space<vmem>>, vector<1x16xf32>,
        %parallel_loop3A_753 = arith.constant 128 : i32
        %parallel_loop3A_754 = arith.addi %parallel_loop3A_385, %parallel_loop3A_753 : i32
        %parallel_loop3A_755 = arith.index_cast %parallel_loop3A_380 : i32 to index
        %parallel_loop3A_756 = arith.index_cast %parallel_loop3A_754 : i32 to index
        %parallel_loop3A_757 = tpu.vector_load %arg4[%parallel_loop3A_755, %parallel_loop3A_756] {strides = array<i32>} : memref<32x640xf32, #tpu.memory_space<vmem>>, vector<1x16xf32>,
        %parallel_loop3A_758 = vector.shape_cast %parallel_loop3A_757 : vector<1x16xf32> to vector<16xf32>
        %parallel_loop3A_759 = arith.constant 16 : i32
        %parallel_loop3A_760 = arith.constant 0 : i32
        %parallel_loop3A_761 = arith.cmpi eq, %parallel_loop3A_759, %parallel_loop3A_760 : i32
        %parallel_loop3A_762 = arith.constant 1 : i32
        %parallel_loop3A_763 = arith.select %parallel_loop3A_761, %parallel_loop3A_762, %parallel_loop3A_759 : i32
        %parallel_loop3A_764 = vector.broadcast %parallel_loop3A_763 : i32 to vector<16xi32>
        %parallel_loop3A_765 = arith.remsi %parallel_loop3A_390, %parallel_loop3A_764 : vector<16xi32>
        %parallel_loop3A_766 = arith.constant 0 : i32
        %parallel_loop3A_767 = vector.broadcast %parallel_loop3A_766 : i32 to vector<16xi32>
        %parallel_loop3A_768 = arith.cmpi ne, %parallel_loop3A_765, %parallel_loop3A_767 : vector<16xi32>
        %parallel_loop3A_769 = arith.constant 0 : i32
        %parallel_loop3A_770 = vector.broadcast %parallel_loop3A_769 : i32 to vector<16xi32>
        %parallel_loop3A_771 = arith.cmpi slt, %parallel_loop3A_765, %parallel_loop3A_770 : vector<16xi32>
        %parallel_loop3A_772 = arith.constant 0 : i32
        %parallel_loop3A_773 = arith.cmpi slt, %parallel_loop3A_763, %parallel_loop3A_772 : i32
        %parallel_loop3A_774 = vector.broadcast %parallel_loop3A_773 : i1 to vector<16xi1>
        %parallel_loop3A_775 = vector.broadcast %parallel_loop3A_774 : vector<16xi1> to vector<16xi1>
        %parallel_loop3A_776 = arith.xori %parallel_loop3A_771, %parallel_loop3A_775 : vector<16xi1>
        %parallel_loop3A_777 = arith.andi %parallel_loop3A_776, %parallel_loop3A_768 : vector<16xi1>
        %parallel_loop3A_778 = vector.broadcast %parallel_loop3A_763 : i32 to vector<16xi32>
        %parallel_loop3A_779 = arith.addi %parallel_loop3A_765, %parallel_loop3A_778 : vector<16xi32>
        %parallel_loop3A_780 = arith.select %parallel_loop3A_777, %parallel_loop3A_779, %parallel_loop3A_765 : vector<16xi1>, vector<16xi32>
        %parallel_loop3A_781 = vector.shape_cast %parallel_loop3A_780 : vector<16xi32> to vector<16x1xi32>
        %parallel_loop3A_782 = vector.shape_cast %parallel_loop3A_781 : vector<16x1xi32> to vector<16xi32>
        %parallel_loop3A_783 = tpu.dynamic_gather %parallel_loop3A_758[%parallel_loop3A_782] in [0] : vector<16xf32>, vector<16xi32> -> vector<16xf32>
        %parallel_loop3A_784 = arith.select %parallel_loop3A_394, %parallel_loop3A_736, %parallel_loop3A_783 : vector<16xi1>, vector<16xf32>
        %parallel_loop3A_785 = arith.constant 2048 : i32
        %parallel_loop3A_786 = arith.subi %parallel_loop3A_785, %parallel_loop3A_380 : i32
        %parallel_loop3A_787 = arith.constant 112 : i32
        %parallel_loop3A_788 = arith.subi %parallel_loop3A_786, %parallel_loop3A_787 : i32
        %parallel_loop3A_789 = vector.broadcast %parallel_loop3A_788 : i32 to vector<16xi32>
        %parallel_loop3A_790 = arith.cmpi slt, %add3A_254, %parallel_loop3A_789 : vector<16xi32>
        %parallel_loop3A_791 = arith.constant 0.000000e+00 : f32
        %parallel_loop3A_792 = vector.broadcast %parallel_loop3A_791 : f32 to vector<16xf32>
        %parallel_loop3A_793 = arith.select %parallel_loop3A_790, %parallel_loop3A_784, %parallel_loop3A_792 : vector<16xi1>, vector<16xf32>
        %parallel_loop3A_794 = arith.addi %mul3A_252, %parallel_loop3A_380 : i32
        %parallel_loop3A_795 = arith.index_cast %parallel_loop3A_794 : i32 to index
        %parallel_loop3A_796 = arith.constant 112 : index
        %parallel_loop3A_797 = tpu.vector_load %arg6[%parallel_loop3A_795, %parallel_loop3A_796] {strides = array<i32>} : memref<256x256xf32, #tpu.memory_space<vmem>>, vector<1x16xf32>,
        %parallel_loop3A_798 = vector.shape_cast %parallel_loop3A_797 : vector<1x16xf32> to vector<16xf32>
        %parallel_loop3A_799 = vector.shape_cast %parallel_loop3A_793 : vector<16xf32> to vector<1x16xf32>
        tpu.vector_store %arg6[%parallel_loop3A_795, %parallel_loop3A_796], %parallel_loop3A_799 {strides = array<i32>} : memref<256x256xf32, #tpu.memory_space<vmem>>, vector<1x16xf32>,
        %parallel_loop3A_800 = arith.constant 144 : i32
        %parallel_loop3A_801 = arith.addi %parallel_loop3A_385, %parallel_loop3A_800 : i32
        %parallel_loop3A_802 = arith.index_cast %parallel_loop3A_380 : i32 to index
        %parallel_loop3A_803 = arith.index_cast %parallel_loop3A_801 : i32 to index
        %parallel_loop3A_804 = tpu.vector_load %arg4[%parallel_loop3A_802, %parallel_loop3A_803] {strides = array<i32>} : memref<32x640xf32, #tpu.memory_space<vmem>>, vector<1x16xf32>,
        %parallel_loop3A_805 = vector.shape_cast %parallel_loop3A_804 : vector<1x16xf32> to vector<16xf32>
        %parallel_loop3A_806 = arith.constant 16 : i32
        %parallel_loop3A_807 = arith.constant 0 : i32
        %parallel_loop3A_808 = arith.cmpi eq, %parallel_loop3A_806, %parallel_loop3A_807 : i32
        %parallel_loop3A_809 = arith.constant 1 : i32
        %parallel_loop3A_810 = arith.select %parallel_loop3A_808, %parallel_loop3A_809, %parallel_loop3A_806 : i32
        %parallel_loop3A_811 = vector.broadcast %parallel_loop3A_810 : i32 to vector<16xi32>
        %parallel_loop3A_812 = arith.remsi %parallel_loop3A_390, %parallel_loop3A_811 : vector<16xi32>
        %parallel_loop3A_813 = arith.constant 0 : i32
        %parallel_loop3A_814 = vector.broadcast %parallel_loop3A_813 : i32 to vector<16xi32>
        %parallel_loop3A_815 = arith.cmpi ne, %parallel_loop3A_812, %parallel_loop3A_814 : vector<16xi32>
        %parallel_loop3A_816 = arith.constant 0 : i32
        %parallel_loop3A_817 = vector.broadcast %parallel_loop3A_816 : i32 to vector<16xi32>
        %parallel_loop3A_818 = arith.cmpi slt, %parallel_loop3A_812, %parallel_loop3A_817 : vector<16xi32>
        %parallel_loop3A_819 = arith.constant 0 : i32
        %parallel_loop3A_820 = arith.cmpi slt, %parallel_loop3A_810, %parallel_loop3A_819 : i32
        %parallel_loop3A_821 = vector.broadcast %parallel_loop3A_820 : i1 to vector<16xi1>
        %parallel_loop3A_822 = vector.broadcast %parallel_loop3A_821 : vector<16xi1> to vector<16xi1>
        %parallel_loop3A_823 = arith.xori %parallel_loop3A_818, %parallel_loop3A_822 : vector<16xi1>
        %parallel_loop3A_824 = arith.andi %parallel_loop3A_823, %parallel_loop3A_815 : vector<16xi1>
        %parallel_loop3A_825 = vector.broadcast %parallel_loop3A_810 : i32 to vector<16xi32>
        %parallel_loop3A_826 = arith.addi %parallel_loop3A_812, %parallel_loop3A_825 : vector<16xi32>
        %parallel_loop3A_827 = arith.select %parallel_loop3A_824, %parallel_loop3A_826, %parallel_loop3A_812 : vector<16xi1>, vector<16xi32>
        %parallel_loop3A_828 = vector.shape_cast %parallel_loop3A_827 : vector<16xi32> to vector<16x1xi32>
        %parallel_loop3A_829 = vector.shape_cast %parallel_loop3A_828 : vector<16x1xi32> to vector<16xi32>
        %parallel_loop3A_830 = tpu.dynamic_gather %parallel_loop3A_805[%parallel_loop3A_829] in [0] : vector<16xf32>, vector<16xi32> -> vector<16xf32>
        %parallel_loop3A_831 = arith.select %parallel_loop3A_394, %parallel_loop3A_783, %parallel_loop3A_830 : vector<16xi1>, vector<16xf32>
        %parallel_loop3A_832 = arith.constant 2048 : i32
        %parallel_loop3A_833 = arith.subi %parallel_loop3A_832, %parallel_loop3A_380 : i32
        %parallel_loop3A_834 = arith.constant 128 : i32
        %parallel_loop3A_835 = arith.subi %parallel_loop3A_833, %parallel_loop3A_834 : i32
        %parallel_loop3A_836 = vector.broadcast %parallel_loop3A_835 : i32 to vector<16xi32>
        %parallel_loop3A_837 = arith.cmpi slt, %add3A_254, %parallel_loop3A_836 : vector<16xi32>
        %parallel_loop3A_838 = arith.constant 0.000000e+00 : f32
        %parallel_loop3A_839 = vector.broadcast %parallel_loop3A_838 : f32 to vector<16xf32>
        %parallel_loop3A_840 = arith.select %parallel_loop3A_837, %parallel_loop3A_831, %parallel_loop3A_839 : vector<16xi1>, vector<16xf32>
        %parallel_loop3A_841 = arith.addi %mul3A_252, %parallel_loop3A_380 : i32
        %parallel_loop3A_842 = arith.index_cast %parallel_loop3A_841 : i32 to index
        %parallel_loop3A_843 = arith.constant 128 : index
        %parallel_loop3A_844 = tpu.vector_load %arg6[%parallel_loop3A_842, %parallel_loop3A_843] {strides = array<i32>} : memref<256x256xf32, #tpu.memory_space<vmem>>, vector<1x16xf32>,
        %parallel_loop3A_845 = vector.shape_cast %parallel_loop3A_844 : vector<1x16xf32> to vector<16xf32>
        %parallel_loop3A_846 = vector.shape_cast %parallel_loop3A_840 : vector<16xf32> to vector<1x16xf32>
        tpu.vector_store %arg6[%parallel_loop3A_842, %parallel_loop3A_843], %parallel_loop3A_846 {strides = array<i32>} : memref<256x256xf32, #tpu.memory_space<vmem>>, vector<1x16xf32>,
        %parallel_loop3A_847 = arith.constant 160 : i32
        %parallel_loop3A_848 = arith.addi %parallel_loop3A_385, %parallel_loop3A_847 : i32
        %parallel_loop3A_849 = arith.index_cast %parallel_loop3A_380 : i32 to index
        %parallel_loop3A_850 = arith.index_cast %parallel_loop3A_848 : i32 to index
        %parallel_loop3A_851 = tpu.vector_load %arg4[%parallel_loop3A_849, %parallel_loop3A_850] {strides = array<i32>} : memref<32x640xf32, #tpu.memory_space<vmem>>, vector<1x16xf32>,
        %parallel_loop3A_852 = vector.shape_cast %parallel_loop3A_851 : vector<1x16xf32> to vector<16xf32>
        %parallel_loop3A_853 = arith.constant 16 : i32
        %parallel_loop3A_854 = arith.constant 0 : i32
        %parallel_loop3A_855 = arith.cmpi eq, %parallel_loop3A_853, %parallel_loop3A_854 : i32
        %parallel_loop3A_856 = arith.constant 1 : i32
        %parallel_loop3A_857 = arith.select %parallel_loop3A_855, %parallel_loop3A_856, %parallel_loop3A_853 : i32
        %parallel_loop3A_858 = vector.broadcast %parallel_loop3A_857 : i32 to vector<16xi32>
        %parallel_loop3A_859 = arith.remsi %parallel_loop3A_390, %parallel_loop3A_858 : vector<16xi32>
        %parallel_loop3A_860 = arith.constant 0 : i32
        %parallel_loop3A_861 = vector.broadcast %parallel_loop3A_860 : i32 to vector<16xi32>
        %parallel_loop3A_862 = arith.cmpi ne, %parallel_loop3A_859, %parallel_loop3A_861 : vector<16xi32>
        %parallel_loop3A_863 = arith.constant 0 : i32
        %parallel_loop3A_864 = vector.broadcast %parallel_loop3A_863 : i32 to vector<16xi32>
        %parallel_loop3A_865 = arith.cmpi slt, %parallel_loop3A_859, %parallel_loop3A_864 : vector<16xi32>
        %parallel_loop3A_866 = arith.constant 0 : i32
        %parallel_loop3A_867 = arith.cmpi slt, %parallel_loop3A_857, %parallel_loop3A_866 : i32
        %parallel_loop3A_868 = vector.broadcast %parallel_loop3A_867 : i1 to vector<16xi1>
        %parallel_loop3A_869 = vector.broadcast %parallel_loop3A_868 : vector<16xi1> to vector<16xi1>
        %parallel_loop3A_870 = arith.xori %parallel_loop3A_865, %parallel_loop3A_869 : vector<16xi1>
        %parallel_loop3A_871 = arith.andi %parallel_loop3A_870, %parallel_loop3A_862 : vector<16xi1>
        %parallel_loop3A_872 = vector.broadcast %parallel_loop3A_857 : i32 to vector<16xi32>
        %parallel_loop3A_873 = arith.addi %parallel_loop3A_859, %parallel_loop3A_872 : vector<16xi32>
        %parallel_loop3A_874 = arith.select %parallel_loop3A_871, %parallel_loop3A_873, %parallel_loop3A_859 : vector<16xi1>, vector<16xi32>
        %parallel_loop3A_875 = vector.shape_cast %parallel_loop3A_874 : vector<16xi32> to vector<16x1xi32>
        %parallel_loop3A_876 = vector.shape_cast %parallel_loop3A_875 : vector<16x1xi32> to vector<16xi32>
        %parallel_loop3A_877 = tpu.dynamic_gather %parallel_loop3A_852[%parallel_loop3A_876] in [0] : vector<16xf32>, vector<16xi32> -> vector<16xf32>
        %parallel_loop3A_878 = arith.select %parallel_loop3A_394, %parallel_loop3A_830, %parallel_loop3A_877 : vector<16xi1>, vector<16xf32>
        %parallel_loop3A_879 = arith.constant 2048 : i32
        %parallel_loop3A_880 = arith.subi %parallel_loop3A_879, %parallel_loop3A_380 : i32
        %parallel_loop3A_881 = arith.constant 144 : i32
        %parallel_loop3A_882 = arith.subi %parallel_loop3A_880, %parallel_loop3A_881 : i32
        %parallel_loop3A_883 = vector.broadcast %parallel_loop3A_882 : i32 to vector<16xi32>
        %parallel_loop3A_884 = arith.cmpi slt, %add3A_254, %parallel_loop3A_883 : vector<16xi32>
        %parallel_loop3A_885 = arith.constant 0.000000e+00 : f32
        %parallel_loop3A_886 = vector.broadcast %parallel_loop3A_885 : f32 to vector<16xf32>
        %parallel_loop3A_887 = arith.select %parallel_loop3A_884, %parallel_loop3A_878, %parallel_loop3A_886 : vector<16xi1>, vector<16xf32>
        %parallel_loop3A_888 = arith.addi %mul3A_252, %parallel_loop3A_380 : i32
        %parallel_loop3A_889 = arith.index_cast %parallel_loop3A_888 : i32 to index
        %parallel_loop3A_890 = arith.constant 144 : index
        %parallel_loop3A_891 = tpu.vector_load %arg6[%parallel_loop3A_889, %parallel_loop3A_890] {strides = array<i32>} : memref<256x256xf32, #tpu.memory_space<vmem>>, vector<1x16xf32>,
        %parallel_loop3A_892 = vector.shape_cast %parallel_loop3A_891 : vector<1x16xf32> to vector<16xf32>
        %parallel_loop3A_893 = vector.shape_cast %parallel_loop3A_887 : vector<16xf32> to vector<1x16xf32>
        tpu.vector_store %arg6[%parallel_loop3A_889, %parallel_loop3A_890], %parallel_loop3A_893 {strides = array<i32>} : memref<256x256xf32, #tpu.memory_space<vmem>>, vector<1x16xf32>,
        %parallel_loop3A_894 = arith.constant 176 : i32
        %parallel_loop3A_895 = arith.addi %parallel_loop3A_385, %parallel_loop3A_894 : i32
        %parallel_loop3A_896 = arith.index_cast %parallel_loop3A_380 : i32 to index
        %parallel_loop3A_897 = arith.index_cast %parallel_loop3A_895 : i32 to index
        %parallel_loop3A_898 = tpu.vector_load %arg4[%parallel_loop3A_896, %parallel_loop3A_897] {strides = array<i32>} : memref<32x640xf32, #tpu.memory_space<vmem>>, vector<1x16xf32>,
        %parallel_loop3A_899 = vector.shape_cast %parallel_loop3A_898 : vector<1x16xf32> to vector<16xf32>
        %parallel_loop3A_900 = arith.constant 16 : i32
        %parallel_loop3A_901 = arith.constant 0 : i32
        %parallel_loop3A_902 = arith.cmpi eq, %parallel_loop3A_900, %parallel_loop3A_901 : i32
        %parallel_loop3A_903 = arith.constant 1 : i32
        %parallel_loop3A_904 = arith.select %parallel_loop3A_902, %parallel_loop3A_903, %parallel_loop3A_900 : i32
        %parallel_loop3A_905 = vector.broadcast %parallel_loop3A_904 : i32 to vector<16xi32>
        %parallel_loop3A_906 = arith.remsi %parallel_loop3A_390, %parallel_loop3A_905 : vector<16xi32>
        %parallel_loop3A_907 = arith.constant 0 : i32
        %parallel_loop3A_908 = vector.broadcast %parallel_loop3A_907 : i32 to vector<16xi32>
        %parallel_loop3A_909 = arith.cmpi ne, %parallel_loop3A_906, %parallel_loop3A_908 : vector<16xi32>
        %parallel_loop3A_910 = arith.constant 0 : i32
        %parallel_loop3A_911 = vector.broadcast %parallel_loop3A_910 : i32 to vector<16xi32>
        %parallel_loop3A_912 = arith.cmpi slt, %parallel_loop3A_906, %parallel_loop3A_911 : vector<16xi32>
        %parallel_loop3A_913 = arith.constant 0 : i32
        %parallel_loop3A_914 = arith.cmpi slt, %parallel_loop3A_904, %parallel_loop3A_913 : i32
        %parallel_loop3A_915 = vector.broadcast %parallel_loop3A_914 : i1 to vector<16xi1>
        %parallel_loop3A_916 = vector.broadcast %parallel_loop3A_915 : vector<16xi1> to vector<16xi1>
        %parallel_loop3A_917 = arith.xori %parallel_loop3A_912, %parallel_loop3A_916 : vector<16xi1>
        %parallel_loop3A_918 = arith.andi %parallel_loop3A_917, %parallel_loop3A_909 : vector<16xi1>
        %parallel_loop3A_919 = vector.broadcast %parallel_loop3A_904 : i32 to vector<16xi32>
        %parallel_loop3A_920 = arith.addi %parallel_loop3A_906, %parallel_loop3A_919 : vector<16xi32>
        %parallel_loop3A_921 = arith.select %parallel_loop3A_918, %parallel_loop3A_920, %parallel_loop3A_906 : vector<16xi1>, vector<16xi32>
        %parallel_loop3A_922 = vector.shape_cast %parallel_loop3A_921 : vector<16xi32> to vector<16x1xi32>
        %parallel_loop3A_923 = vector.shape_cast %parallel_loop3A_922 : vector<16x1xi32> to vector<16xi32>
        %parallel_loop3A_924 = tpu.dynamic_gather %parallel_loop3A_899[%parallel_loop3A_923] in [0] : vector<16xf32>, vector<16xi32> -> vector<16xf32>
        %parallel_loop3A_925 = arith.select %parallel_loop3A_394, %parallel_loop3A_877, %parallel_loop3A_924 : vector<16xi1>, vector<16xf32>
        %parallel_loop3A_926 = arith.constant 2048 : i32
        %parallel_loop3A_927 = arith.subi %parallel_loop3A_926, %parallel_loop3A_380 : i32
        %parallel_loop3A_928 = arith.constant 160 : i32
        %parallel_loop3A_929 = arith.subi %parallel_loop3A_927, %parallel_loop3A_928 : i32
        %parallel_loop3A_930 = vector.broadcast %parallel_loop3A_929 : i32 to vector<16xi32>
        %parallel_loop3A_931 = arith.cmpi slt, %add3A_254, %parallel_loop3A_930 : vector<16xi32>
        %parallel_loop3A_932 = arith.constant 0.000000e+00 : f32
        %parallel_loop3A_933 = vector.broadcast %parallel_loop3A_932 : f32 to vector<16xf32>
        %parallel_loop3A_934 = arith.select %parallel_loop3A_931, %parallel_loop3A_925, %parallel_loop3A_933 : vector<16xi1>, vector<16xf32>
        %parallel_loop3A_935 = arith.addi %mul3A_252, %parallel_loop3A_380 : i32
        %parallel_loop3A_936 = arith.index_cast %parallel_loop3A_935 : i32 to index
        %parallel_loop3A_937 = arith.constant 160 : index
        %parallel_loop3A_938 = tpu.vector_load %arg6[%parallel_loop3A_936, %parallel_loop3A_937] {strides = array<i32>} : memref<256x256xf32, #tpu.memory_space<vmem>>, vector<1x16xf32>,
        %parallel_loop3A_939 = vector.shape_cast %parallel_loop3A_938 : vector<1x16xf32> to vector<16xf32>
        %parallel_loop3A_940 = vector.shape_cast %parallel_loop3A_934 : vector<16xf32> to vector<1x16xf32>
        tpu.vector_store %arg6[%parallel_loop3A_936, %parallel_loop3A_937], %parallel_loop3A_940 {strides = array<i32>} : memref<256x256xf32, #tpu.memory_space<vmem>>, vector<1x16xf32>,
        %parallel_loop3A_941 = arith.constant 192 : i32
        %parallel_loop3A_942 = arith.addi %parallel_loop3A_385, %parallel_loop3A_941 : i32
        %parallel_loop3A_943 = arith.index_cast %parallel_loop3A_380 : i32 to index
        %parallel_loop3A_944 = arith.index_cast %parallel_loop3A_942 : i32 to index
        %parallel_loop3A_945 = tpu.vector_load %arg4[%parallel_loop3A_943, %parallel_loop3A_944] {strides = array<i32>} : memref<32x640xf32, #tpu.memory_space<vmem>>, vector<1x16xf32>,
        %parallel_loop3A_946 = vector.shape_cast %parallel_loop3A_945 : vector<1x16xf32> to vector<16xf32>
        %parallel_loop3A_947 = arith.constant 16 : i32
        %parallel_loop3A_948 = arith.constant 0 : i32
        %parallel_loop3A_949 = arith.cmpi eq, %parallel_loop3A_947, %parallel_loop3A_948 : i32
        %parallel_loop3A_950 = arith.constant 1 : i32
        %parallel_loop3A_951 = arith.select %parallel_loop3A_949, %parallel_loop3A_950, %parallel_loop3A_947 : i32
        %parallel_loop3A_952 = vector.broadcast %parallel_loop3A_951 : i32 to vector<16xi32>
        %parallel_loop3A_953 = arith.remsi %parallel_loop3A_390, %parallel_loop3A_952 : vector<16xi32>
        %parallel_loop3A_954 = arith.constant 0 : i32
        %parallel_loop3A_955 = vector.broadcast %parallel_loop3A_954 : i32 to vector<16xi32>
        %parallel_loop3A_956 = arith.cmpi ne, %parallel_loop3A_953, %parallel_loop3A_955 : vector<16xi32>
        %parallel_loop3A_957 = arith.constant 0 : i32
        %parallel_loop3A_958 = vector.broadcast %parallel_loop3A_957 : i32 to vector<16xi32>
        %parallel_loop3A_959 = arith.cmpi slt, %parallel_loop3A_953, %parallel_loop3A_958 : vector<16xi32>
        %parallel_loop3A_960 = arith.constant 0 : i32
        %parallel_loop3A_961 = arith.cmpi slt, %parallel_loop3A_951, %parallel_loop3A_960 : i32
        %parallel_loop3A_962 = vector.broadcast %parallel_loop3A_961 : i1 to vector<16xi1>
        %parallel_loop3A_963 = vector.broadcast %parallel_loop3A_962 : vector<16xi1> to vector<16xi1>
        %parallel_loop3A_964 = arith.xori %parallel_loop3A_959, %parallel_loop3A_963 : vector<16xi1>
        %parallel_loop3A_965 = arith.andi %parallel_loop3A_964, %parallel_loop3A_956 : vector<16xi1>
        %parallel_loop3A_966 = vector.broadcast %parallel_loop3A_951 : i32 to vector<16xi32>
        %parallel_loop3A_967 = arith.addi %parallel_loop3A_953, %parallel_loop3A_966 : vector<16xi32>
        %parallel_loop3A_968 = arith.select %parallel_loop3A_965, %parallel_loop3A_967, %parallel_loop3A_953 : vector<16xi1>, vector<16xi32>
        %parallel_loop3A_969 = vector.shape_cast %parallel_loop3A_968 : vector<16xi32> to vector<16x1xi32>
        %parallel_loop3A_970 = vector.shape_cast %parallel_loop3A_969 : vector<16x1xi32> to vector<16xi32>
        %parallel_loop3A_971 = tpu.dynamic_gather %parallel_loop3A_946[%parallel_loop3A_970] in [0] : vector<16xf32>, vector<16xi32> -> vector<16xf32>
        %parallel_loop3A_972 = arith.select %parallel_loop3A_394, %parallel_loop3A_924, %parallel_loop3A_971 : vector<16xi1>, vector<16xf32>
        %parallel_loop3A_973 = arith.constant 2048 : i32
        %parallel_loop3A_974 = arith.subi %parallel_loop3A_973, %parallel_loop3A_380 : i32
        %parallel_loop3A_975 = arith.constant 176 : i32
        %parallel_loop3A_976 = arith.subi %parallel_loop3A_974, %parallel_loop3A_975 : i32
        %parallel_loop3A_977 = vector.broadcast %parallel_loop3A_976 : i32 to vector<16xi32>
        %parallel_loop3A_978 = arith.cmpi slt, %add3A_254, %parallel_loop3A_977 : vector<16xi32>
        %parallel_loop3A_979 = arith.constant 0.000000e+00 : f32
        %parallel_loop3A_980 = vector.broadcast %parallel_loop3A_979 : f32 to vector<16xf32>
        %parallel_loop3A_981 = arith.select %parallel_loop3A_978, %parallel_loop3A_972, %parallel_loop3A_980 : vector<16xi1>, vector<16xf32>
        %parallel_loop3A_982 = arith.addi %mul3A_252, %parallel_loop3A_380 : i32
        %parallel_loop3A_983 = arith.index_cast %parallel_loop3A_982 : i32 to index
        %parallel_loop3A_984 = arith.constant 176 : index
        %parallel_loop3A_985 = tpu.vector_load %arg6[%parallel_loop3A_983, %parallel_loop3A_984] {strides = array<i32>} : memref<256x256xf32, #tpu.memory_space<vmem>>, vector<1x16xf32>,
        %parallel_loop3A_986 = vector.shape_cast %parallel_loop3A_985 : vector<1x16xf32> to vector<16xf32>
        %parallel_loop3A_987 = vector.shape_cast %parallel_loop3A_981 : vector<16xf32> to vector<1x16xf32>
        tpu.vector_store %arg6[%parallel_loop3A_983, %parallel_loop3A_984], %parallel_loop3A_987 {strides = array<i32>} : memref<256x256xf32, #tpu.memory_space<vmem>>, vector<1x16xf32>,
        %parallel_loop3A_988 = arith.constant 208 : i32
        %parallel_loop3A_989 = arith.addi %parallel_loop3A_385, %parallel_loop3A_988 : i32
        %parallel_loop3A_990 = arith.index_cast %parallel_loop3A_380 : i32 to index
        %parallel_loop3A_991 = arith.index_cast %parallel_loop3A_989 : i32 to index
        %parallel_loop3A_992 = tpu.vector_load %arg4[%parallel_loop3A_990, %parallel_loop3A_991] {strides = array<i32>} : memref<32x640xf32, #tpu.memory_space<vmem>>, vector<1x16xf32>,
        %parallel_loop3A_993 = vector.shape_cast %parallel_loop3A_992 : vector<1x16xf32> to vector<16xf32>
        %parallel_loop3A_994 = arith.constant 16 : i32
        %parallel_loop3A_995 = arith.constant 0 : i32
        %parallel_loop3A_996 = arith.cmpi eq, %parallel_loop3A_994, %parallel_loop3A_995 : i32
        %parallel_loop3A_997 = arith.constant 1 : i32
        %parallel_loop3A_998 = arith.select %parallel_loop3A_996, %parallel_loop3A_997, %parallel_loop3A_994 : i32
        %parallel_loop3A_999 = vector.broadcast %parallel_loop3A_998 : i32 to vector<16xi32>
        %parallel_loop3A_1000 = arith.remsi %parallel_loop3A_390, %parallel_loop3A_999 : vector<16xi32>
        %parallel_loop3A_1001 = arith.constant 0 : i32
        %parallel_loop3A_1002 = vector.broadcast %parallel_loop3A_1001 : i32 to vector<16xi32>
        %parallel_loop3A_1003 = arith.cmpi ne, %parallel_loop3A_1000, %parallel_loop3A_1002 : vector<16xi32>
        %parallel_loop3A_1004 = arith.constant 0 : i32
        %parallel_loop3A_1005 = vector.broadcast %parallel_loop3A_1004 : i32 to vector<16xi32>
        %parallel_loop3A_1006 = arith.cmpi slt, %parallel_loop3A_1000, %parallel_loop3A_1005 : vector<16xi32>
        %parallel_loop3A_1007 = arith.constant 0 : i32
        %parallel_loop3A_1008 = arith.cmpi slt, %parallel_loop3A_998, %parallel_loop3A_1007 : i32
        %parallel_loop3A_1009 = vector.broadcast %parallel_loop3A_1008 : i1 to vector<16xi1>
        %parallel_loop3A_1010 = vector.broadcast %parallel_loop3A_1009 : vector<16xi1> to vector<16xi1>
        %parallel_loop3A_1011 = arith.xori %parallel_loop3A_1006, %parallel_loop3A_1010 : vector<16xi1>
        %parallel_loop3A_1012 = arith.andi %parallel_loop3A_1011, %parallel_loop3A_1003 : vector<16xi1>
        %parallel_loop3A_1013 = vector.broadcast %parallel_loop3A_998 : i32 to vector<16xi32>
        %parallel_loop3A_1014 = arith.addi %parallel_loop3A_1000, %parallel_loop3A_1013 : vector<16xi32>
        %parallel_loop3A_1015 = arith.select %parallel_loop3A_1012, %parallel_loop3A_1014, %parallel_loop3A_1000 : vector<16xi1>, vector<16xi32>
        %parallel_loop3A_1016 = vector.shape_cast %parallel_loop3A_1015 : vector<16xi32> to vector<16x1xi32>
        %parallel_loop3A_1017 = vector.shape_cast %parallel_loop3A_1016 : vector<16x1xi32> to vector<16xi32>
        %parallel_loop3A_1018 = tpu.dynamic_gather %parallel_loop3A_993[%parallel_loop3A_1017] in [0] : vector<16xf32>, vector<16xi32> -> vector<16xf32>
        %parallel_loop3A_1019 = arith.select %parallel_loop3A_394, %parallel_loop3A_971, %parallel_loop3A_1018 : vector<16xi1>, vector<16xf32>
        %parallel_loop3A_1020 = arith.constant 2048 : i32
        %parallel_loop3A_1021 = arith.subi %parallel_loop3A_1020, %parallel_loop3A_380 : i32
        %parallel_loop3A_1022 = arith.constant 192 : i32
        %parallel_loop3A_1023 = arith.subi %parallel_loop3A_1021, %parallel_loop3A_1022 : i32
        %parallel_loop3A_1024 = vector.broadcast %parallel_loop3A_1023 : i32 to vector<16xi32>
        %parallel_loop3A_1025 = arith.cmpi slt, %add3A_254, %parallel_loop3A_1024 : vector<16xi32>
        %parallel_loop3A_1026 = arith.constant 0.000000e+00 : f32
        %parallel_loop3A_1027 = vector.broadcast %parallel_loop3A_1026 : f32 to vector<16xf32>
        %parallel_loop3A_1028 = arith.select %parallel_loop3A_1025, %parallel_loop3A_1019, %parallel_loop3A_1027 : vector<16xi1>, vector<16xf32>
        %parallel_loop3A_1029 = arith.addi %mul3A_252, %parallel_loop3A_380 : i32
        %parallel_loop3A_1030 = arith.index_cast %parallel_loop3A_1029 : i32 to index
        %parallel_loop3A_1031 = arith.constant 192 : index
        %parallel_loop3A_1032 = tpu.vector_load %arg6[%parallel_loop3A_1030, %parallel_loop3A_1031] {strides = array<i32>} : memref<256x256xf32, #tpu.memory_space<vmem>>, vector<1x16xf32>,
        %parallel_loop3A_1033 = vector.shape_cast %parallel_loop3A_1032 : vector<1x16xf32> to vector<16xf32>
        %parallel_loop3A_1034 = vector.shape_cast %parallel_loop3A_1028 : vector<16xf32> to vector<1x16xf32>
        tpu.vector_store %arg6[%parallel_loop3A_1030, %parallel_loop3A_1031], %parallel_loop3A_1034 {strides = array<i32>} : memref<256x256xf32, #tpu.memory_space<vmem>>, vector<1x16xf32>,
        %parallel_loop3A_1035 = arith.constant 224 : i32
        %parallel_loop3A_1036 = arith.addi %parallel_loop3A_385, %parallel_loop3A_1035 : i32
        %parallel_loop3A_1037 = arith.index_cast %parallel_loop3A_380 : i32 to index
        %parallel_loop3A_1038 = arith.index_cast %parallel_loop3A_1036 : i32 to index
        %parallel_loop3A_1039 = tpu.vector_load %arg4[%parallel_loop3A_1037, %parallel_loop3A_1038] {strides = array<i32>} : memref<32x640xf32, #tpu.memory_space<vmem>>, vector<1x16xf32>,
        %parallel_loop3A_1040 = vector.shape_cast %parallel_loop3A_1039 : vector<1x16xf32> to vector<16xf32>
        %parallel_loop3A_1041 = arith.constant 16 : i32
        %parallel_loop3A_1042 = arith.constant 0 : i32
        %parallel_loop3A_1043 = arith.cmpi eq, %parallel_loop3A_1041, %parallel_loop3A_1042 : i32
        %parallel_loop3A_1044 = arith.constant 1 : i32
        %parallel_loop3A_1045 = arith.select %parallel_loop3A_1043, %parallel_loop3A_1044, %parallel_loop3A_1041 : i32
        %parallel_loop3A_1046 = vector.broadcast %parallel_loop3A_1045 : i32 to vector<16xi32>
        %parallel_loop3A_1047 = arith.remsi %parallel_loop3A_390, %parallel_loop3A_1046 : vector<16xi32>
        %parallel_loop3A_1048 = arith.constant 0 : i32
        %parallel_loop3A_1049 = vector.broadcast %parallel_loop3A_1048 : i32 to vector<16xi32>
        %parallel_loop3A_1050 = arith.cmpi ne, %parallel_loop3A_1047, %parallel_loop3A_1049 : vector<16xi32>
        %parallel_loop3A_1051 = arith.constant 0 : i32
        %parallel_loop3A_1052 = vector.broadcast %parallel_loop3A_1051 : i32 to vector<16xi32>
        %parallel_loop3A_1053 = arith.cmpi slt, %parallel_loop3A_1047, %parallel_loop3A_1052 : vector<16xi32>
        %parallel_loop3A_1054 = arith.constant 0 : i32
        %parallel_loop3A_1055 = arith.cmpi slt, %parallel_loop3A_1045, %parallel_loop3A_1054 : i32
        %parallel_loop3A_1056 = vector.broadcast %parallel_loop3A_1055 : i1 to vector<16xi1>
        %parallel_loop3A_1057 = vector.broadcast %parallel_loop3A_1056 : vector<16xi1> to vector<16xi1>
        %parallel_loop3A_1058 = arith.xori %parallel_loop3A_1053, %parallel_loop3A_1057 : vector<16xi1>
        %parallel_loop3A_1059 = arith.andi %parallel_loop3A_1058, %parallel_loop3A_1050 : vector<16xi1>
        %parallel_loop3A_1060 = vector.broadcast %parallel_loop3A_1045 : i32 to vector<16xi32>
        %parallel_loop3A_1061 = arith.addi %parallel_loop3A_1047, %parallel_loop3A_1060 : vector<16xi32>
        %parallel_loop3A_1062 = arith.select %parallel_loop3A_1059, %parallel_loop3A_1061, %parallel_loop3A_1047 : vector<16xi1>, vector<16xi32>
        %parallel_loop3A_1063 = vector.shape_cast %parallel_loop3A_1062 : vector<16xi32> to vector<16x1xi32>
        %parallel_loop3A_1064 = vector.shape_cast %parallel_loop3A_1063 : vector<16x1xi32> to vector<16xi32>
        %parallel_loop3A_1065 = tpu.dynamic_gather %parallel_loop3A_1040[%parallel_loop3A_1064] in [0] : vector<16xf32>, vector<16xi32> -> vector<16xf32>
        %parallel_loop3A_1066 = arith.select %parallel_loop3A_394, %parallel_loop3A_1018, %parallel_loop3A_1065 : vector<16xi1>, vector<16xf32>
        %parallel_loop3A_1067 = arith.constant 2048 : i32
        %parallel_loop3A_1068 = arith.subi %parallel_loop3A_1067, %parallel_loop3A_380 : i32
        %parallel_loop3A_1069 = arith.constant 208 : i32
        %parallel_loop3A_1070 = arith.subi %parallel_loop3A_1068, %parallel_loop3A_1069 : i32
        %parallel_loop3A_1071 = vector.broadcast %parallel_loop3A_1070 : i32 to vector<16xi32>
        %parallel_loop3A_1072 = arith.cmpi slt, %add3A_254, %parallel_loop3A_1071 : vector<16xi32>
        %parallel_loop3A_1073 = arith.constant 0.000000e+00 : f32
        %parallel_loop3A_1074 = vector.broadcast %parallel_loop3A_1073 : f32 to vector<16xf32>
        %parallel_loop3A_1075 = arith.select %parallel_loop3A_1072, %parallel_loop3A_1066, %parallel_loop3A_1074 : vector<16xi1>, vector<16xf32>
        %parallel_loop3A_1076 = arith.addi %mul3A_252, %parallel_loop3A_380 : i32
        %parallel_loop3A_1077 = arith.index_cast %parallel_loop3A_1076 : i32 to index
        %parallel_loop3A_1078 = arith.constant 208 : index
        %parallel_loop3A_1079 = tpu.vector_load %arg6[%parallel_loop3A_1077, %parallel_loop3A_1078] {strides = array<i32>} : memref<256x256xf32, #tpu.memory_space<vmem>>, vector<1x16xf32>,
        %parallel_loop3A_1080 = vector.shape_cast %parallel_loop3A_1079 : vector<1x16xf32> to vector<16xf32>
        %parallel_loop3A_1081 = vector.shape_cast %parallel_loop3A_1075 : vector<16xf32> to vector<1x16xf32>
        tpu.vector_store %arg6[%parallel_loop3A_1077, %parallel_loop3A_1078], %parallel_loop3A_1081 {strides = array<i32>} : memref<256x256xf32, #tpu.memory_space<vmem>>, vector<1x16xf32>,
        %parallel_loop3A_1082 = arith.constant 240 : i32
        %parallel_loop3A_1083 = arith.addi %parallel_loop3A_385, %parallel_loop3A_1082 : i32
        %parallel_loop3A_1084 = arith.index_cast %parallel_loop3A_380 : i32 to index
        %parallel_loop3A_1085 = arith.index_cast %parallel_loop3A_1083 : i32 to index
        %parallel_loop3A_1086 = tpu.vector_load %arg4[%parallel_loop3A_1084, %parallel_loop3A_1085] {strides = array<i32>} : memref<32x640xf32, #tpu.memory_space<vmem>>, vector<1x16xf32>,
        %parallel_loop3A_1087 = vector.shape_cast %parallel_loop3A_1086 : vector<1x16xf32> to vector<16xf32>
        %parallel_loop3A_1088 = arith.constant 16 : i32
        %parallel_loop3A_1089 = arith.constant 0 : i32
        %parallel_loop3A_1090 = arith.cmpi eq, %parallel_loop3A_1088, %parallel_loop3A_1089 : i32
        %parallel_loop3A_1091 = arith.constant 1 : i32
        %parallel_loop3A_1092 = arith.select %parallel_loop3A_1090, %parallel_loop3A_1091, %parallel_loop3A_1088 : i32
        %parallel_loop3A_1093 = vector.broadcast %parallel_loop3A_1092 : i32 to vector<16xi32>
        %parallel_loop3A_1094 = arith.remsi %parallel_loop3A_390, %parallel_loop3A_1093 : vector<16xi32>
        %parallel_loop3A_1095 = arith.constant 0 : i32
        %parallel_loop3A_1096 = vector.broadcast %parallel_loop3A_1095 : i32 to vector<16xi32>
        %parallel_loop3A_1097 = arith.cmpi ne, %parallel_loop3A_1094, %parallel_loop3A_1096 : vector<16xi32>
        %parallel_loop3A_1098 = arith.constant 0 : i32
        %parallel_loop3A_1099 = vector.broadcast %parallel_loop3A_1098 : i32 to vector<16xi32>
        %parallel_loop3A_1100 = arith.cmpi slt, %parallel_loop3A_1094, %parallel_loop3A_1099 : vector<16xi32>
        %parallel_loop3A_1101 = arith.constant 0 : i32
        %parallel_loop3A_1102 = arith.cmpi slt, %parallel_loop3A_1092, %parallel_loop3A_1101 : i32
        %parallel_loop3A_1103 = vector.broadcast %parallel_loop3A_1102 : i1 to vector<16xi1>
        %parallel_loop3A_1104 = vector.broadcast %parallel_loop3A_1103 : vector<16xi1> to vector<16xi1>
        %parallel_loop3A_1105 = arith.xori %parallel_loop3A_1100, %parallel_loop3A_1104 : vector<16xi1>
        %parallel_loop3A_1106 = arith.andi %parallel_loop3A_1105, %parallel_loop3A_1097 : vector<16xi1>
        %parallel_loop3A_1107 = vector.broadcast %parallel_loop3A_1092 : i32 to vector<16xi32>
        %parallel_loop3A_1108 = arith.addi %parallel_loop3A_1094, %parallel_loop3A_1107 : vector<16xi32>
        %parallel_loop3A_1109 = arith.select %parallel_loop3A_1106, %parallel_loop3A_1108, %parallel_loop3A_1094 : vector<16xi1>, vector<16xi32>
        %parallel_loop3A_1110 = vector.shape_cast %parallel_loop3A_1109 : vector<16xi32> to vector<16x1xi32>
        %parallel_loop3A_1111 = vector.shape_cast %parallel_loop3A_1110 : vector<16x1xi32> to vector<16xi32>
        %parallel_loop3A_1112 = tpu.dynamic_gather %parallel_loop3A_1087[%parallel_loop3A_1111] in [0] : vector<16xf32>, vector<16xi32> -> vector<16xf32>
        %parallel_loop3A_1113 = arith.select %parallel_loop3A_394, %parallel_loop3A_1065, %parallel_loop3A_1112 : vector<16xi1>, vector<16xf32>
        %parallel_loop3A_1114 = arith.constant 2048 : i32
        %parallel_loop3A_1115 = arith.subi %parallel_loop3A_1114, %parallel_loop3A_380 : i32
        %parallel_loop3A_1116 = arith.constant 224 : i32
        %parallel_loop3A_1117 = arith.subi %parallel_loop3A_1115, %parallel_loop3A_1116 : i32
        %parallel_loop3A_1118 = vector.broadcast %parallel_loop3A_1117 : i32 to vector<16xi32>
        %parallel_loop3A_1119 = arith.cmpi slt, %add3A_254, %parallel_loop3A_1118 : vector<16xi32>
        %parallel_loop3A_1120 = arith.constant 0.000000e+00 : f32
        %parallel_loop3A_1121 = vector.broadcast %parallel_loop3A_1120 : f32 to vector<16xf32>
        %parallel_loop3A_1122 = arith.select %parallel_loop3A_1119, %parallel_loop3A_1113, %parallel_loop3A_1121 : vector<16xi1>, vector<16xf32>
        %parallel_loop3A_1123 = arith.addi %mul3A_252, %parallel_loop3A_380 : i32
        %parallel_loop3A_1124 = arith.index_cast %parallel_loop3A_1123 : i32 to index
        %parallel_loop3A_1125 = arith.constant 224 : index
        %parallel_loop3A_1126 = tpu.vector_load %arg6[%parallel_loop3A_1124, %parallel_loop3A_1125] {strides = array<i32>} : memref<256x256xf32, #tpu.memory_space<vmem>>, vector<1x16xf32>,
        %parallel_loop3A_1127 = vector.shape_cast %parallel_loop3A_1126 : vector<1x16xf32> to vector<16xf32>
        %parallel_loop3A_1128 = vector.shape_cast %parallel_loop3A_1122 : vector<16xf32> to vector<1x16xf32>
        tpu.vector_store %arg6[%parallel_loop3A_1124, %parallel_loop3A_1125], %parallel_loop3A_1128 {strides = array<i32>} : memref<256x256xf32, #tpu.memory_space<vmem>>, vector<1x16xf32>,
        %parallel_loop3A_1129 = arith.constant 256 : i32
        %parallel_loop3A_1130 = arith.addi %parallel_loop3A_385, %parallel_loop3A_1129 : i32
        %parallel_loop3A_1131 = arith.index_cast %parallel_loop3A_380 : i32 to index
        %parallel_loop3A_1132 = arith.index_cast %parallel_loop3A_1130 : i32 to index
        %parallel_loop3A_1133 = tpu.vector_load %arg4[%parallel_loop3A_1131, %parallel_loop3A_1132] {strides = array<i32>} : memref<32x640xf32, #tpu.memory_space<vmem>>, vector<1x16xf32>,
        %parallel_loop3A_1134 = vector.shape_cast %parallel_loop3A_1133 : vector<1x16xf32> to vector<16xf32>
        %parallel_loop3A_1135 = arith.constant 16 : i32
        %parallel_loop3A_1136 = arith.constant 0 : i32
        %parallel_loop3A_1137 = arith.cmpi eq, %parallel_loop3A_1135, %parallel_loop3A_1136 : i32
        %parallel_loop3A_1138 = arith.constant 1 : i32
        %parallel_loop3A_1139 = arith.select %parallel_loop3A_1137, %parallel_loop3A_1138, %parallel_loop3A_1135 : i32
        %parallel_loop3A_1140 = vector.broadcast %parallel_loop3A_1139 : i32 to vector<16xi32>
        %parallel_loop3A_1141 = arith.remsi %parallel_loop3A_390, %parallel_loop3A_1140 : vector<16xi32>
        %parallel_loop3A_1142 = arith.constant 0 : i32
        %parallel_loop3A_1143 = vector.broadcast %parallel_loop3A_1142 : i32 to vector<16xi32>
        %parallel_loop3A_1144 = arith.cmpi ne, %parallel_loop3A_1141, %parallel_loop3A_1143 : vector<16xi32>
        %parallel_loop3A_1145 = arith.constant 0 : i32
        %parallel_loop3A_1146 = vector.broadcast %parallel_loop3A_1145 : i32 to vector<16xi32>
        %parallel_loop3A_1147 = arith.cmpi slt, %parallel_loop3A_1141, %parallel_loop3A_1146 : vector<16xi32>
        %parallel_loop3A_1148 = arith.constant 0 : i32
        %parallel_loop3A_1149 = arith.cmpi slt, %parallel_loop3A_1139, %parallel_loop3A_1148 : i32
        %parallel_loop3A_1150 = vector.broadcast %parallel_loop3A_1149 : i1 to vector<16xi1>
        %parallel_loop3A_1151 = vector.broadcast %parallel_loop3A_1150 : vector<16xi1> to vector<16xi1>
        %parallel_loop3A_1152 = arith.xori %parallel_loop3A_1147, %parallel_loop3A_1151 : vector<16xi1>
        %parallel_loop3A_1153 = arith.andi %parallel_loop3A_1152, %parallel_loop3A_1144 : vector<16xi1>
        %parallel_loop3A_1154 = vector.broadcast %parallel_loop3A_1139 : i32 to vector<16xi32>
        %parallel_loop3A_1155 = arith.addi %parallel_loop3A_1141, %parallel_loop3A_1154 : vector<16xi32>
        %parallel_loop3A_1156 = arith.select %parallel_loop3A_1153, %parallel_loop3A_1155, %parallel_loop3A_1141 : vector<16xi1>, vector<16xi32>
        %parallel_loop3A_1157 = vector.shape_cast %parallel_loop3A_1156 : vector<16xi32> to vector<16x1xi32>
        %parallel_loop3A_1158 = vector.shape_cast %parallel_loop3A_1157 : vector<16x1xi32> to vector<16xi32>
        %parallel_loop3A_1159 = tpu.dynamic_gather %parallel_loop3A_1134[%parallel_loop3A_1158] in [0] : vector<16xf32>, vector<16xi32> -> vector<16xf32>
        %parallel_loop3A_1160 = arith.select %parallel_loop3A_394, %parallel_loop3A_1112, %parallel_loop3A_1159 : vector<16xi1>, vector<16xf32>
        %parallel_loop3A_1161 = arith.constant 2048 : i32
        %parallel_loop3A_1162 = arith.subi %parallel_loop3A_1161, %parallel_loop3A_380 : i32
        %parallel_loop3A_1163 = arith.constant 240 : i32
        %parallel_loop3A_1164 = arith.subi %parallel_loop3A_1162, %parallel_loop3A_1163 : i32
        %parallel_loop3A_1165 = vector.broadcast %parallel_loop3A_1164 : i32 to vector<16xi32>
        %parallel_loop3A_1166 = arith.cmpi slt, %add3A_254, %parallel_loop3A_1165 : vector<16xi32>
        %parallel_loop3A_1167 = arith.constant 0.000000e+00 : f32
        %parallel_loop3A_1168 = vector.broadcast %parallel_loop3A_1167 : f32 to vector<16xf32>
        %parallel_loop3A_1169 = arith.select %parallel_loop3A_1166, %parallel_loop3A_1160, %parallel_loop3A_1168 : vector<16xi1>, vector<16xf32>
        %parallel_loop3A_1170 = arith.addi %mul3A_252, %parallel_loop3A_380 : i32
        %parallel_loop3A_1171 = arith.index_cast %parallel_loop3A_1170 : i32 to index
        %parallel_loop3A_1172 = arith.constant 240 : index
        %parallel_loop3A_1173 = tpu.vector_load %arg6[%parallel_loop3A_1171, %parallel_loop3A_1172] {strides = array<i32>} : memref<256x256xf32, #tpu.memory_space<vmem>>, vector<1x16xf32>,
        %parallel_loop3A_1174 = vector.shape_cast %parallel_loop3A_1173 : vector<1x16xf32> to vector<16xf32>
        %parallel_loop3A_1175 = vector.shape_cast %parallel_loop3A_1169 : vector<16xf32> to vector<1x16xf32>
        tpu.vector_store %arg6[%parallel_loop3A_1171, %parallel_loop3A_1172], %parallel_loop3A_1175 {strides = array<i32>} : memref<256x256xf32, #tpu.memory_space<vmem>>, vector<1x16xf32>,
      } {sc.loop_unroll_factor = 8 : i64, sc.parallel_access}
      %add3A_257 = arith.constant 2 : i32
      %add3A_258 = arith.addi %add3A_222, %add3A_257 : i32
      %min3A_259 = arith.constant 7 : i32
      %min3A_260 = arith.minsi %add3A_258, %min3A_259 : i32
      %mul3A_261 = arith.constant 32 : i32
      %mul3A_262 = arith.muli %mul3A_261, %min3A_260 : i32
      %add3A_263 = arith.addi %add3A, %mul3A_262 : i32
      %mul3A_264 = arith.constant 32 : i32
      %mul3A_265 = arith.muli %add3A_263, %mul3A_264 : i32
      %multiple_of3A_266 = tpu.assume_multiple %mul3A_265, 32 : i32
      %rem3A_267 = arith.constant 2048 : i32
      %rem3A_268 = arith.remsi %multiple_of3A_266, %rem3A_267 : i32
      %rem3A_269 = arith.constant 128 : i32
      %rem3A_270 = arith.remsi %rem3A_268, %rem3A_269 : i32
      %sub3A_271 = arith.subi %rem3A_268, %rem3A_270 : i32
      %min3A_272 = arith.constant 1664 : i32
      %min3A_273 = arith.minsi %sub3A_271, %min3A_272 : i32
      %multiple_of3A_274 = tpu.assume_multiple %min3A_273, 128 : i32
      %dma_start3A_275 = arith.constant 0 : i32
      %dma_start3A_276 = arith.constant 0 : i32
      %dma_start3A_277 = tpu.memref_slice %arg4[%dma_start3A_275, %dma_start3A_276] : memref<32x640xf32, #tpu.memory_space<vmem>> -> memref<32x384xf32, #tpu.memory_space<vmem>>
      %dma_start3A_278 = tpu.memref_slice %arg2[%multiple_of3A_266, %multiple_of3A_274] : memref<8192x2048xf32, #tpu.memory_space<hbm>> -> memref<32x384xf32, #tpu.memory_space<hbm>>
      %dma_start3A_279 = arith.constant 0 : i32
      %dma_start3A_280 = arith.constant 0 : i32
      %dma_start3A_281 = tpu.memref_slice %arg4[%dma_start3A_279, %dma_start3A_280] : memref<32x640xf32, #tpu.memory_space<vmem>> -> memref<32x384xf32, #tpu.memory_space<vmem>>
      %dma_start3A_282 = tpu.memref_slice %arg2[%multiple_of3A_266, %multiple_of3A_274] : memref<8192x2048xf32, #tpu.memory_space<hbm>> -> memref<32x384xf32, #tpu.memory_space<hbm>>
      tpu.enqueue_dma source(%dma_start3A_282 : memref<32x384xf32, #tpu.memory_space<hbm>>) target(%dma_start3A_281 : memref<32x384xf32, #tpu.memory_space<vmem>>) target_semaphore(%arg7 : memref<!tpu.dma_semaphore, #tpu.memory_space<semaphore_mem>>)
      %mul3A_283 = arith.constant 32 : i32
      %mul3A_284 = arith.muli %mul3A_283, %add3A_222 : i32
      %add3A_285 = arith.addi %add3A, %mul3A_284 : i32
      %mul3A_286 = arith.constant 32 : i32
      %mul3A_287 = arith.muli %add3A_285, %mul3A_286 : i32
      %multiple_of3A_288 = tpu.assume_multiple %mul3A_287, 32 : i32
      %mul3A_289 = arith.constant 32 : i32
      %mul3A_290 = arith.muli %add3A_222, %mul3A_289 : i32
      %dma_start3A_291 = arith.constant 0 : i32
      %dma_start3A_292 = tpu.memref_slice %arg6[%mul3A_290, %dma_start3A_291] : memref<256x256xf32, #tpu.memory_space<vmem>> -> memref<32x256xf32, #tpu.memory_space<vmem>>
      %dma_start3A_293 = arith.constant 0 : i32
      %dma_start3A_294 = tpu.memref_slice %arg3[%multiple_of3A_288, %dma_start3A_293] : memref<8192x256xf32, #tpu.memory_space<hbm>> -> memref<32x256xf32, #tpu.memory_space<hbm>>
      %dma_start3A_295 = arith.constant 0 : i32
      %dma_start3A_296 = tpu.memref_slice %arg3[%multiple_of3A_288, %dma_start3A_295] : memref<8192x256xf32, #tpu.memory_space<hbm>> -> memref<32x256xf32, #tpu.memory_space<hbm>>
      %dma_start3A_297 = arith.constant 0 : i32
      %dma_start3A_298 = tpu.memref_slice %arg6[%mul3A_290, %dma_start3A_297] : memref<256x256xf32, #tpu.memory_space<vmem>> -> memref<32x256xf32, #tpu.memory_space<vmem>>
      tpu.enqueue_dma source(%dma_start3A_298 : memref<32x256xf32, #tpu.memory_space<vmem>>) target(%dma_start3A_296 : memref<32x256xf32, #tpu.memory_space<hbm>>) target_semaphore(%arg9 : memref<!tpu.dma_semaphore, #tpu.memory_space<semaphore_mem>>)
      %mul3A_299 = arith.constant 2 : i32
      %mul3A_300 = arith.muli %scan3A_218, %mul3A_299 : i32
      %add3A_301 = arith.constant 1 : i32
      %add3A_302 = arith.addi %mul3A_300, %add3A_301 : i32
      %dma_wait3A_303 = arith.constant 0 : i32
      %dma_wait3A_304 = arith.constant 0 : i32
      %dma_wait3A_305 = tpu.memref_slice %arg5[%dma_wait3A_303, %dma_wait3A_304] : memref<32x640xf32, #tpu.memory_space<vmem>> -> memref<32x384xf32, #tpu.memory_space<vmem>>
      %dma_wait3A_306 = arith.constant 0 : i32
      %dma_wait3A_307 = arith.constant 0 : i32
      %dma_wait3A_308 = tpu.memref_slice %arg2[%dma_wait3A_306, %dma_wait3A_307] : memref<8192x2048xf32, #tpu.memory_space<hbm>> -> memref<32x384xf32, #tpu.memory_space<hbm>>
      %dma_wait3A_309 = arith.constant 0 : i32
      %dma_wait3A_310 = arith.constant 0 : i32
      %dma_wait3A_311 = tpu.memref_slice %arg5[%dma_wait3A_309, %dma_wait3A_310] : memref<32x640xf32, #tpu.memory_space<vmem>> -> memref<32x384xf32, #tpu.memory_space<vmem>>
      %dma_wait3A_312 = arith.constant 0 : i32
      %dma_wait3A_313 = arith.constant 0 : i32
      %dma_wait3A_314 = tpu.memref_slice %arg2[%dma_wait3A_312, %dma_wait3A_313] : memref<8192x2048xf32, #tpu.memory_space<hbm>> -> memref<32x384xf32, #tpu.memory_space<hbm>>
      tpu.wait_dma2 semaphore(%arg8 : memref<!tpu.dma_semaphore, #tpu.memory_space<semaphore_mem>>) src(%dma_wait3A_314 : memref<32x384xf32, #tpu.memory_space<hbm>>) dst(%dma_wait3A_311 : memref<32x384xf32, #tpu.memory_space<vmem>>)
      %mul3A_315 = arith.constant 32 : i32
      %mul3A_316 = arith.muli %mul3A_315, %add3A_302 : i32
      %add3A_317 = arith.addi %add3A, %mul3A_316 : i32
      %mul3A_318 = arith.constant 32 : i32
      %mul3A_319 = arith.muli %add3A_317, %mul3A_318 : i32
      %multiple_of3A_320 = tpu.assume_multiple %mul3A_319, 32 : i32
      %rem3A_321 = arith.constant 2048 : i32
      %rem3A_322 = arith.remsi %multiple_of3A_320, %rem3A_321 : i32
      %rem3A_323 = arith.constant 128 : i32
      %rem3A_324 = arith.remsi %rem3A_322, %rem3A_323 : i32
      %sub3A_325 = arith.subi %rem3A_322, %rem3A_324 : i32
      %min3A_326 = arith.constant 1664 : i32
      %min3A_327 = arith.minsi %sub3A_325, %min3A_326 : i32
      %multiple_of3A_328 = tpu.assume_multiple %min3A_327, 128 : i32
      %sub3A_329 = arith.subi %rem3A_322, %multiple_of3A_328 : i32
      %multiple_of3A_330 = tpu.assume_multiple %sub3A_329, 16 : i32
      %mul3A_331 = arith.constant 32 : i32
      %mul3A_332 = arith.muli %add3A_302, %mul3A_331 : i32
      %add3A_333 = vector.broadcast %rem3A_322 : i32 to vector<16xi32>
      %add3A_334 = arith.addi %iota3A, %add3A_333 : vector<16xi32>
      %parallel_loop3A_335 = arith.constant 0 : i32
      %parallel_loop3A_336 = arith.constant 32 : i32
      %parallel_loop3A_337 = arith.constant 1 : i32
      scf.for %parallel_loop3A_380 = %parallel_loop3A_335 to %parallel_loop3A_336 step %parallel_loop3A_337  : i32 {
        %parallel_loop3A_381 = arith.constant 15 : i32
        %parallel_loop3A_382 = arith.andi %parallel_loop3A_380, %parallel_loop3A_381 : i32
        %parallel_loop3A_383 = arith.subi %parallel_loop3A_380, %parallel_loop3A_382 : i32
        %parallel_loop3A_384 = arith.addi %multiple_of3A_330, %parallel_loop3A_383 : i32
        %parallel_loop3A_385 = tpu.assume_multiple %parallel_loop3A_384, 16 : i32
        %parallel_loop3A_386 = vector.broadcast %parallel_loop3A_382 : i32 to vector<16xi32>
        %parallel_loop3A_387 = arith.addi %iota3A, %parallel_loop3A_386 : vector<16xi32>
        %parallel_loop3A_388 = arith.constant 15 : i32
        %parallel_loop3A_389 = vector.broadcast %parallel_loop3A_388 : i32 to vector<16xi32>
        %parallel_loop3A_390 = arith.andi %parallel_loop3A_387, %parallel_loop3A_389 : vector<16xi32>
        %parallel_loop3A_391 = arith.constant 16 : i32
        %parallel_loop3A_392 = arith.subi %parallel_loop3A_391, %parallel_loop3A_382 : i32
        %parallel_loop3A_393 = vector.broadcast %parallel_loop3A_392 : i32 to vector<16xi32>
        %parallel_loop3A_394 = arith.cmpi slt, %iota3A, %parallel_loop3A_393 : vector<16xi32>
        %parallel_loop3A_395 = arith.index_cast %parallel_loop3A_380 : i32 to index
        %parallel_loop3A_396 = arith.index_cast %parallel_loop3A_385 : i32 to index
        %parallel_loop3A_397 = tpu.vector_load %arg5[%parallel_loop3A_395, %parallel_loop3A_396] {strides = array<i32>} : memref<32x640xf32, #tpu.memory_space<vmem>>, vector<1x16xf32>,
        %parallel_loop3A_398 = vector.shape_cast %parallel_loop3A_397 : vector<1x16xf32> to vector<16xf32>
        %parallel_loop3A_399 = arith.constant 16 : i32
        %parallel_loop3A_400 = arith.constant 0 : i32
        %parallel_loop3A_401 = arith.cmpi eq, %parallel_loop3A_399, %parallel_loop3A_400 : i32
        %parallel_loop3A_402 = arith.constant 1 : i32
        %parallel_loop3A_403 = arith.select %parallel_loop3A_401, %parallel_loop3A_402, %parallel_loop3A_399 : i32
        %parallel_loop3A_404 = vector.broadcast %parallel_loop3A_403 : i32 to vector<16xi32>
        %parallel_loop3A_405 = arith.remsi %parallel_loop3A_390, %parallel_loop3A_404 : vector<16xi32>
        %parallel_loop3A_406 = arith.constant 0 : i32
        %parallel_loop3A_407 = vector.broadcast %parallel_loop3A_406 : i32 to vector<16xi32>
        %parallel_loop3A_408 = arith.cmpi ne, %parallel_loop3A_405, %parallel_loop3A_407 : vector<16xi32>
        %parallel_loop3A_409 = arith.constant 0 : i32
        %parallel_loop3A_410 = vector.broadcast %parallel_loop3A_409 : i32 to vector<16xi32>
        %parallel_loop3A_411 = arith.cmpi slt, %parallel_loop3A_405, %parallel_loop3A_410 : vector<16xi32>
        %parallel_loop3A_412 = arith.constant 0 : i32
        %parallel_loop3A_413 = arith.cmpi slt, %parallel_loop3A_403, %parallel_loop3A_412 : i32
        %parallel_loop3A_414 = vector.broadcast %parallel_loop3A_413 : i1 to vector<16xi1>
        %parallel_loop3A_415 = vector.broadcast %parallel_loop3A_414 : vector<16xi1> to vector<16xi1>
        %parallel_loop3A_416 = arith.xori %parallel_loop3A_411, %parallel_loop3A_415 : vector<16xi1>
        %parallel_loop3A_417 = arith.andi %parallel_loop3A_416, %parallel_loop3A_408 : vector<16xi1>
        %parallel_loop3A_418 = vector.broadcast %parallel_loop3A_403 : i32 to vector<16xi32>
        %parallel_loop3A_419 = arith.addi %parallel_loop3A_405, %parallel_loop3A_418 : vector<16xi32>
        %parallel_loop3A_420 = arith.select %parallel_loop3A_417, %parallel_loop3A_419, %parallel_loop3A_405 : vector<16xi1>, vector<16xi32>
        %parallel_loop3A_421 = vector.shape_cast %parallel_loop3A_420 : vector<16xi32> to vector<16x1xi32>
        %parallel_loop3A_422 = vector.shape_cast %parallel_loop3A_421 : vector<16x1xi32> to vector<16xi32>
        %parallel_loop3A_423 = tpu.dynamic_gather %parallel_loop3A_398[%parallel_loop3A_422] in [0] : vector<16xf32>, vector<16xi32> -> vector<16xf32>
        %parallel_loop3A_424 = arith.constant 16 : i32
        %parallel_loop3A_425 = arith.addi %parallel_loop3A_385, %parallel_loop3A_424 : i32
        %parallel_loop3A_426 = arith.index_cast %parallel_loop3A_380 : i32 to index
        %parallel_loop3A_427 = arith.index_cast %parallel_loop3A_425 : i32 to index
        %parallel_loop3A_428 = tpu.vector_load %arg5[%parallel_loop3A_426, %parallel_loop3A_427] {strides = array<i32>} : memref<32x640xf32, #tpu.memory_space<vmem>>, vector<1x16xf32>,
        %parallel_loop3A_429 = vector.shape_cast %parallel_loop3A_428 : vector<1x16xf32> to vector<16xf32>
        %parallel_loop3A_430 = arith.constant 16 : i32
        %parallel_loop3A_431 = arith.constant 0 : i32
        %parallel_loop3A_432 = arith.cmpi eq, %parallel_loop3A_430, %parallel_loop3A_431 : i32
        %parallel_loop3A_433 = arith.constant 1 : i32
        %parallel_loop3A_434 = arith.select %parallel_loop3A_432, %parallel_loop3A_433, %parallel_loop3A_430 : i32
        %parallel_loop3A_435 = vector.broadcast %parallel_loop3A_434 : i32 to vector<16xi32>
        %parallel_loop3A_436 = arith.remsi %parallel_loop3A_390, %parallel_loop3A_435 : vector<16xi32>
        %parallel_loop3A_437 = arith.constant 0 : i32
        %parallel_loop3A_438 = vector.broadcast %parallel_loop3A_437 : i32 to vector<16xi32>
        %parallel_loop3A_439 = arith.cmpi ne, %parallel_loop3A_436, %parallel_loop3A_438 : vector<16xi32>
        %parallel_loop3A_440 = arith.constant 0 : i32
        %parallel_loop3A_441 = vector.broadcast %parallel_loop3A_440 : i32 to vector<16xi32>
        %parallel_loop3A_442 = arith.cmpi slt, %parallel_loop3A_436, %parallel_loop3A_441 : vector<16xi32>
        %parallel_loop3A_443 = arith.constant 0 : i32
        %parallel_loop3A_444 = arith.cmpi slt, %parallel_loop3A_434, %parallel_loop3A_443 : i32
        %parallel_loop3A_445 = vector.broadcast %parallel_loop3A_444 : i1 to vector<16xi1>
        %parallel_loop3A_446 = vector.broadcast %parallel_loop3A_445 : vector<16xi1> to vector<16xi1>
        %parallel_loop3A_447 = arith.xori %parallel_loop3A_442, %parallel_loop3A_446 : vector<16xi1>
        %parallel_loop3A_448 = arith.andi %parallel_loop3A_447, %parallel_loop3A_439 : vector<16xi1>
        %parallel_loop3A_449 = vector.broadcast %parallel_loop3A_434 : i32 to vector<16xi32>
        %parallel_loop3A_450 = arith.addi %parallel_loop3A_436, %parallel_loop3A_449 : vector<16xi32>
        %parallel_loop3A_451 = arith.select %parallel_loop3A_448, %parallel_loop3A_450, %parallel_loop3A_436 : vector<16xi1>, vector<16xi32>
        %parallel_loop3A_452 = vector.shape_cast %parallel_loop3A_451 : vector<16xi32> to vector<16x1xi32>
        %parallel_loop3A_453 = vector.shape_cast %parallel_loop3A_452 : vector<16x1xi32> to vector<16xi32>
        %parallel_loop3A_454 = tpu.dynamic_gather %parallel_loop3A_429[%parallel_loop3A_453] in [0] : vector<16xf32>, vector<16xi32> -> vector<16xf32>
        %parallel_loop3A_455 = arith.select %parallel_loop3A_394, %parallel_loop3A_423, %parallel_loop3A_454 : vector<16xi1>, vector<16xf32>
        %parallel_loop3A_456 = arith.constant 2048 : i32
        %parallel_loop3A_457 = arith.subi %parallel_loop3A_456, %parallel_loop3A_380 : i32
        %parallel_loop3A_458 = arith.constant 0 : i32
        %parallel_loop3A_459 = arith.subi %parallel_loop3A_457, %parallel_loop3A_458 : i32
        %parallel_loop3A_460 = vector.broadcast %parallel_loop3A_459 : i32 to vector<16xi32>
        %parallel_loop3A_461 = arith.cmpi slt, %add3A_334, %parallel_loop3A_460 : vector<16xi32>
        %parallel_loop3A_462 = arith.constant 0.000000e+00 : f32
        %parallel_loop3A_463 = vector.broadcast %parallel_loop3A_462 : f32 to vector<16xf32>
        %parallel_loop3A_464 = arith.select %parallel_loop3A_461, %parallel_loop3A_455, %parallel_loop3A_463 : vector<16xi1>, vector<16xf32>
        %parallel_loop3A_465 = arith.addi %mul3A_332, %parallel_loop3A_380 : i32
        %parallel_loop3A_466 = arith.index_cast %parallel_loop3A_465 : i32 to index
        %parallel_loop3A_467 = arith.constant 0 : index
        %parallel_loop3A_468 = tpu.vector_load %arg6[%parallel_loop3A_466, %parallel_loop3A_467] {strides = array<i32>} : memref<256x256xf32, #tpu.memory_space<vmem>>, vector<1x16xf32>,
        %parallel_loop3A_469 = vector.shape_cast %parallel_loop3A_468 : vector<1x16xf32> to vector<16xf32>
        %parallel_loop3A_470 = vector.shape_cast %parallel_loop3A_464 : vector<16xf32> to vector<1x16xf32>
        tpu.vector_store %arg6[%parallel_loop3A_466, %parallel_loop3A_467], %parallel_loop3A_470 {strides = array<i32>} : memref<256x256xf32, #tpu.memory_space<vmem>>, vector<1x16xf32>,
        %parallel_loop3A_471 = arith.constant 32 : i32
        %parallel_loop3A_472 = arith.addi %parallel_loop3A_385, %parallel_loop3A_471 : i32
        %parallel_loop3A_473 = arith.index_cast %parallel_loop3A_380 : i32 to index
        %parallel_loop3A_474 = arith.index_cast %parallel_loop3A_472 : i32 to index
        %parallel_loop3A_475 = tpu.vector_load %arg5[%parallel_loop3A_473, %parallel_loop3A_474] {strides = array<i32>} : memref<32x640xf32, #tpu.memory_space<vmem>>, vector<1x16xf32>,
        %parallel_loop3A_476 = vector.shape_cast %parallel_loop3A_475 : vector<1x16xf32> to vector<16xf32>
        %parallel_loop3A_477 = arith.constant 16 : i32
        %parallel_loop3A_478 = arith.constant 0 : i32
        %parallel_loop3A_479 = arith.cmpi eq, %parallel_loop3A_477, %parallel_loop3A_478 : i32
        %parallel_loop3A_480 = arith.constant 1 : i32
        %parallel_loop3A_481 = arith.select %parallel_loop3A_479, %parallel_loop3A_480, %parallel_loop3A_477 : i32
        %parallel_loop3A_482 = vector.broadcast %parallel_loop3A_481 : i32 to vector<16xi32>
        %parallel_loop3A_483 = arith.remsi %parallel_loop3A_390, %parallel_loop3A_482 : vector<16xi32>
        %parallel_loop3A_484 = arith.constant 0 : i32
        %parallel_loop3A_485 = vector.broadcast %parallel_loop3A_484 : i32 to vector<16xi32>
        %parallel_loop3A_486 = arith.cmpi ne, %parallel_loop3A_483, %parallel_loop3A_485 : vector<16xi32>
        %parallel_loop3A_487 = arith.constant 0 : i32
        %parallel_loop3A_488 = vector.broadcast %parallel_loop3A_487 : i32 to vector<16xi32>
        %parallel_loop3A_489 = arith.cmpi slt, %parallel_loop3A_483, %parallel_loop3A_488 : vector<16xi32>
        %parallel_loop3A_490 = arith.constant 0 : i32
        %parallel_loop3A_491 = arith.cmpi slt, %parallel_loop3A_481, %parallel_loop3A_490 : i32
        %parallel_loop3A_492 = vector.broadcast %parallel_loop3A_491 : i1 to vector<16xi1>
        %parallel_loop3A_493 = vector.broadcast %parallel_loop3A_492 : vector<16xi1> to vector<16xi1>
        %parallel_loop3A_494 = arith.xori %parallel_loop3A_489, %parallel_loop3A_493 : vector<16xi1>
        %parallel_loop3A_495 = arith.andi %parallel_loop3A_494, %parallel_loop3A_486 : vector<16xi1>
        %parallel_loop3A_496 = vector.broadcast %parallel_loop3A_481 : i32 to vector<16xi32>
        %parallel_loop3A_497 = arith.addi %parallel_loop3A_483, %parallel_loop3A_496 : vector<16xi32>
        %parallel_loop3A_498 = arith.select %parallel_loop3A_495, %parallel_loop3A_497, %parallel_loop3A_483 : vector<16xi1>, vector<16xi32>
        %parallel_loop3A_499 = vector.shape_cast %parallel_loop3A_498 : vector<16xi32> to vector<16x1xi32>
        %parallel_loop3A_500 = vector.shape_cast %parallel_loop3A_499 : vector<16x1xi32> to vector<16xi32>
        %parallel_loop3A_501 = tpu.dynamic_gather %parallel_loop3A_476[%parallel_loop3A_500] in [0] : vector<16xf32>, vector<16xi32> -> vector<16xf32>
        %parallel_loop3A_502 = arith.select %parallel_loop3A_394, %parallel_loop3A_454, %parallel_loop3A_501 : vector<16xi1>, vector<16xf32>
        %parallel_loop3A_503 = arith.constant 2048 : i32
        %parallel_loop3A_504 = arith.subi %parallel_loop3A_503, %parallel_loop3A_380 : i32
        %parallel_loop3A_505 = arith.constant 16 : i32
        %parallel_loop3A_506 = arith.subi %parallel_loop3A_504, %parallel_loop3A_505 : i32
        %parallel_loop3A_507 = vector.broadcast %parallel_loop3A_506 : i32 to vector<16xi32>
        %parallel_loop3A_508 = arith.cmpi slt, %add3A_334, %parallel_loop3A_507 : vector<16xi32>
        %parallel_loop3A_509 = arith.constant 0.000000e+00 : f32
        %parallel_loop3A_510 = vector.broadcast %parallel_loop3A_509 : f32 to vector<16xf32>
        %parallel_loop3A_511 = arith.select %parallel_loop3A_508, %parallel_loop3A_502, %parallel_loop3A_510 : vector<16xi1>, vector<16xf32>
        %parallel_loop3A_512 = arith.addi %mul3A_332, %parallel_loop3A_380 : i32
        %parallel_loop3A_513 = arith.index_cast %parallel_loop3A_512 : i32 to index
        %parallel_loop3A_514 = arith.constant 16 : index
        %parallel_loop3A_515 = tpu.vector_load %arg6[%parallel_loop3A_513, %parallel_loop3A_514] {strides = array<i32>} : memref<256x256xf32, #tpu.memory_space<vmem>>, vector<1x16xf32>,
        %parallel_loop3A_516 = vector.shape_cast %parallel_loop3A_515 : vector<1x16xf32> to vector<16xf32>
        %parallel_loop3A_517 = vector.shape_cast %parallel_loop3A_511 : vector<16xf32> to vector<1x16xf32>
        tpu.vector_store %arg6[%parallel_loop3A_513, %parallel_loop3A_514], %parallel_loop3A_517 {strides = array<i32>} : memref<256x256xf32, #tpu.memory_space<vmem>>, vector<1x16xf32>,
        %parallel_loop3A_518 = arith.constant 48 : i32
        %parallel_loop3A_519 = arith.addi %parallel_loop3A_385, %parallel_loop3A_518 : i32
        %parallel_loop3A_520 = arith.index_cast %parallel_loop3A_380 : i32 to index
        %parallel_loop3A_521 = arith.index_cast %parallel_loop3A_519 : i32 to index
        %parallel_loop3A_522 = tpu.vector_load %arg5[%parallel_loop3A_520, %parallel_loop3A_521] {strides = array<i32>} : memref<32x640xf32, #tpu.memory_space<vmem>>, vector<1x16xf32>,
        %parallel_loop3A_523 = vector.shape_cast %parallel_loop3A_522 : vector<1x16xf32> to vector<16xf32>
        %parallel_loop3A_524 = arith.constant 16 : i32
        %parallel_loop3A_525 = arith.constant 0 : i32
        %parallel_loop3A_526 = arith.cmpi eq, %parallel_loop3A_524, %parallel_loop3A_525 : i32
        %parallel_loop3A_527 = arith.constant 1 : i32
        %parallel_loop3A_528 = arith.select %parallel_loop3A_526, %parallel_loop3A_527, %parallel_loop3A_524 : i32
        %parallel_loop3A_529 = vector.broadcast %parallel_loop3A_528 : i32 to vector<16xi32>
        %parallel_loop3A_530 = arith.remsi %parallel_loop3A_390, %parallel_loop3A_529 : vector<16xi32>
        %parallel_loop3A_531 = arith.constant 0 : i32
        %parallel_loop3A_532 = vector.broadcast %parallel_loop3A_531 : i32 to vector<16xi32>
        %parallel_loop3A_533 = arith.cmpi ne, %parallel_loop3A_530, %parallel_loop3A_532 : vector<16xi32>
        %parallel_loop3A_534 = arith.constant 0 : i32
        %parallel_loop3A_535 = vector.broadcast %parallel_loop3A_534 : i32 to vector<16xi32>
        %parallel_loop3A_536 = arith.cmpi slt, %parallel_loop3A_530, %parallel_loop3A_535 : vector<16xi32>
        %parallel_loop3A_537 = arith.constant 0 : i32
        %parallel_loop3A_538 = arith.cmpi slt, %parallel_loop3A_528, %parallel_loop3A_537 : i32
        %parallel_loop3A_539 = vector.broadcast %parallel_loop3A_538 : i1 to vector<16xi1>
        %parallel_loop3A_540 = vector.broadcast %parallel_loop3A_539 : vector<16xi1> to vector<16xi1>
        %parallel_loop3A_541 = arith.xori %parallel_loop3A_536, %parallel_loop3A_540 : vector<16xi1>
        %parallel_loop3A_542 = arith.andi %parallel_loop3A_541, %parallel_loop3A_533 : vector<16xi1>
        %parallel_loop3A_543 = vector.broadcast %parallel_loop3A_528 : i32 to vector<16xi32>
        %parallel_loop3A_544 = arith.addi %parallel_loop3A_530, %parallel_loop3A_543 : vector<16xi32>
        %parallel_loop3A_545 = arith.select %parallel_loop3A_542, %parallel_loop3A_544, %parallel_loop3A_530 : vector<16xi1>, vector<16xi32>
        %parallel_loop3A_546 = vector.shape_cast %parallel_loop3A_545 : vector<16xi32> to vector<16x1xi32>
        %parallel_loop3A_547 = vector.shape_cast %parallel_loop3A_546 : vector<16x1xi32> to vector<16xi32>
        %parallel_loop3A_548 = tpu.dynamic_gather %parallel_loop3A_523[%parallel_loop3A_547] in [0] : vector<16xf32>, vector<16xi32> -> vector<16xf32>
        %parallel_loop3A_549 = arith.select %parallel_loop3A_394, %parallel_loop3A_501, %parallel_loop3A_548 : vector<16xi1>, vector<16xf32>
        %parallel_loop3A_550 = arith.constant 2048 : i32
        %parallel_loop3A_551 = arith.subi %parallel_loop3A_550, %parallel_loop3A_380 : i32
        %parallel_loop3A_552 = arith.constant 32 : i32
        %parallel_loop3A_553 = arith.subi %parallel_loop3A_551, %parallel_loop3A_552 : i32
        %parallel_loop3A_554 = vector.broadcast %parallel_loop3A_553 : i32 to vector<16xi32>
        %parallel_loop3A_555 = arith.cmpi slt, %add3A_334, %parallel_loop3A_554 : vector<16xi32>
        %parallel_loop3A_556 = arith.constant 0.000000e+00 : f32
        %parallel_loop3A_557 = vector.broadcast %parallel_loop3A_556 : f32 to vector<16xf32>
        %parallel_loop3A_558 = arith.select %parallel_loop3A_555, %parallel_loop3A_549, %parallel_loop3A_557 : vector<16xi1>, vector<16xf32>
        %parallel_loop3A_559 = arith.addi %mul3A_332, %parallel_loop3A_380 : i32
        %parallel_loop3A_560 = arith.index_cast %parallel_loop3A_559 : i32 to index
        %parallel_loop3A_561 = arith.constant 32 : index
        %parallel_loop3A_562 = tpu.vector_load %arg6[%parallel_loop3A_560, %parallel_loop3A_561] {strides = array<i32>} : memref<256x256xf32, #tpu.memory_space<vmem>>, vector<1x16xf32>,
        %parallel_loop3A_563 = vector.shape_cast %parallel_loop3A_562 : vector<1x16xf32> to vector<16xf32>
        %parallel_loop3A_564 = vector.shape_cast %parallel_loop3A_558 : vector<16xf32> to vector<1x16xf32>
        tpu.vector_store %arg6[%parallel_loop3A_560, %parallel_loop3A_561], %parallel_loop3A_564 {strides = array<i32>} : memref<256x256xf32, #tpu.memory_space<vmem>>, vector<1x16xf32>,
        %parallel_loop3A_565 = arith.constant 64 : i32
        %parallel_loop3A_566 = arith.addi %parallel_loop3A_385, %parallel_loop3A_565 : i32
        %parallel_loop3A_567 = arith.index_cast %parallel_loop3A_380 : i32 to index
        %parallel_loop3A_568 = arith.index_cast %parallel_loop3A_566 : i32 to index
        %parallel_loop3A_569 = tpu.vector_load %arg5[%parallel_loop3A_567, %parallel_loop3A_568] {strides = array<i32>} : memref<32x640xf32, #tpu.memory_space<vmem>>, vector<1x16xf32>,
        %parallel_loop3A_570 = vector.shape_cast %parallel_loop3A_569 : vector<1x16xf32> to vector<16xf32>
        %parallel_loop3A_571 = arith.constant 16 : i32
        %parallel_loop3A_572 = arith.constant 0 : i32
        %parallel_loop3A_573 = arith.cmpi eq, %parallel_loop3A_571, %parallel_loop3A_572 : i32
        %parallel_loop3A_574 = arith.constant 1 : i32
        %parallel_loop3A_575 = arith.select %parallel_loop3A_573, %parallel_loop3A_574, %parallel_loop3A_571 : i32
        %parallel_loop3A_576 = vector.broadcast %parallel_loop3A_575 : i32 to vector<16xi32>
        %parallel_loop3A_577 = arith.remsi %parallel_loop3A_390, %parallel_loop3A_576 : vector<16xi32>
        %parallel_loop3A_578 = arith.constant 0 : i32
        %parallel_loop3A_579 = vector.broadcast %parallel_loop3A_578 : i32 to vector<16xi32>
        %parallel_loop3A_580 = arith.cmpi ne, %parallel_loop3A_577, %parallel_loop3A_579 : vector<16xi32>
        %parallel_loop3A_581 = arith.constant 0 : i32
        %parallel_loop3A_582 = vector.broadcast %parallel_loop3A_581 : i32 to vector<16xi32>
        %parallel_loop3A_583 = arith.cmpi slt, %parallel_loop3A_577, %parallel_loop3A_582 : vector<16xi32>
        %parallel_loop3A_584 = arith.constant 0 : i32
        %parallel_loop3A_585 = arith.cmpi slt, %parallel_loop3A_575, %parallel_loop3A_584 : i32
        %parallel_loop3A_586 = vector.broadcast %parallel_loop3A_585 : i1 to vector<16xi1>
        %parallel_loop3A_587 = vector.broadcast %parallel_loop3A_586 : vector<16xi1> to vector<16xi1>
        %parallel_loop3A_588 = arith.xori %parallel_loop3A_583, %parallel_loop3A_587 : vector<16xi1>
        %parallel_loop3A_589 = arith.andi %parallel_loop3A_588, %parallel_loop3A_580 : vector<16xi1>
        %parallel_loop3A_590 = vector.broadcast %parallel_loop3A_575 : i32 to vector<16xi32>
        %parallel_loop3A_591 = arith.addi %parallel_loop3A_577, %parallel_loop3A_590 : vector<16xi32>
        %parallel_loop3A_592 = arith.select %parallel_loop3A_589, %parallel_loop3A_591, %parallel_loop3A_577 : vector<16xi1>, vector<16xi32>
        %parallel_loop3A_593 = vector.shape_cast %parallel_loop3A_592 : vector<16xi32> to vector<16x1xi32>
        %parallel_loop3A_594 = vector.shape_cast %parallel_loop3A_593 : vector<16x1xi32> to vector<16xi32>
        %parallel_loop3A_595 = tpu.dynamic_gather %parallel_loop3A_570[%parallel_loop3A_594] in [0] : vector<16xf32>, vector<16xi32> -> vector<16xf32>
        %parallel_loop3A_596 = arith.select %parallel_loop3A_394, %parallel_loop3A_548, %parallel_loop3A_595 : vector<16xi1>, vector<16xf32>
        %parallel_loop3A_597 = arith.constant 2048 : i32
        %parallel_loop3A_598 = arith.subi %parallel_loop3A_597, %parallel_loop3A_380 : i32
        %parallel_loop3A_599 = arith.constant 48 : i32
        %parallel_loop3A_600 = arith.subi %parallel_loop3A_598, %parallel_loop3A_599 : i32
        %parallel_loop3A_601 = vector.broadcast %parallel_loop3A_600 : i32 to vector<16xi32>
        %parallel_loop3A_602 = arith.cmpi slt, %add3A_334, %parallel_loop3A_601 : vector<16xi32>
        %parallel_loop3A_603 = arith.constant 0.000000e+00 : f32
        %parallel_loop3A_604 = vector.broadcast %parallel_loop3A_603 : f32 to vector<16xf32>
        %parallel_loop3A_605 = arith.select %parallel_loop3A_602, %parallel_loop3A_596, %parallel_loop3A_604 : vector<16xi1>, vector<16xf32>
        %parallel_loop3A_606 = arith.addi %mul3A_332, %parallel_loop3A_380 : i32
        %parallel_loop3A_607 = arith.index_cast %parallel_loop3A_606 : i32 to index
        %parallel_loop3A_608 = arith.constant 48 : index
        %parallel_loop3A_609 = tpu.vector_load %arg6[%parallel_loop3A_607, %parallel_loop3A_608] {strides = array<i32>} : memref<256x256xf32, #tpu.memory_space<vmem>>, vector<1x16xf32>,
        %parallel_loop3A_610 = vector.shape_cast %parallel_loop3A_609 : vector<1x16xf32> to vector<16xf32>
        %parallel_loop3A_611 = vector.shape_cast %parallel_loop3A_605 : vector<16xf32> to vector<1x16xf32>
        tpu.vector_store %arg6[%parallel_loop3A_607, %parallel_loop3A_608], %parallel_loop3A_611 {strides = array<i32>} : memref<256x256xf32, #tpu.memory_space<vmem>>, vector<1x16xf32>,
        %parallel_loop3A_612 = arith.constant 80 : i32
        %parallel_loop3A_613 = arith.addi %parallel_loop3A_385, %parallel_loop3A_612 : i32
        %parallel_loop3A_614 = arith.index_cast %parallel_loop3A_380 : i32 to index
        %parallel_loop3A_615 = arith.index_cast %parallel_loop3A_613 : i32 to index
        %parallel_loop3A_616 = tpu.vector_load %arg5[%parallel_loop3A_614, %parallel_loop3A_615] {strides = array<i32>} : memref<32x640xf32, #tpu.memory_space<vmem>>, vector<1x16xf32>,
        %parallel_loop3A_617 = vector.shape_cast %parallel_loop3A_616 : vector<1x16xf32> to vector<16xf32>
        %parallel_loop3A_618 = arith.constant 16 : i32
        %parallel_loop3A_619 = arith.constant 0 : i32
        %parallel_loop3A_620 = arith.cmpi eq, %parallel_loop3A_618, %parallel_loop3A_619 : i32
        %parallel_loop3A_621 = arith.constant 1 : i32
        %parallel_loop3A_622 = arith.select %parallel_loop3A_620, %parallel_loop3A_621, %parallel_loop3A_618 : i32
        %parallel_loop3A_623 = vector.broadcast %parallel_loop3A_622 : i32 to vector<16xi32>
        %parallel_loop3A_624 = arith.remsi %parallel_loop3A_390, %parallel_loop3A_623 : vector<16xi32>
        %parallel_loop3A_625 = arith.constant 0 : i32
        %parallel_loop3A_626 = vector.broadcast %parallel_loop3A_625 : i32 to vector<16xi32>
        %parallel_loop3A_627 = arith.cmpi ne, %parallel_loop3A_624, %parallel_loop3A_626 : vector<16xi32>
        %parallel_loop3A_628 = arith.constant 0 : i32
        %parallel_loop3A_629 = vector.broadcast %parallel_loop3A_628 : i32 to vector<16xi32>
        %parallel_loop3A_630 = arith.cmpi slt, %parallel_loop3A_624, %parallel_loop3A_629 : vector<16xi32>
        %parallel_loop3A_631 = arith.constant 0 : i32
        %parallel_loop3A_632 = arith.cmpi slt, %parallel_loop3A_622, %parallel_loop3A_631 : i32
        %parallel_loop3A_633 = vector.broadcast %parallel_loop3A_632 : i1 to vector<16xi1>
        %parallel_loop3A_634 = vector.broadcast %parallel_loop3A_633 : vector<16xi1> to vector<16xi1>
        %parallel_loop3A_635 = arith.xori %parallel_loop3A_630, %parallel_loop3A_634 : vector<16xi1>
        %parallel_loop3A_636 = arith.andi %parallel_loop3A_635, %parallel_loop3A_627 : vector<16xi1>
        %parallel_loop3A_637 = vector.broadcast %parallel_loop3A_622 : i32 to vector<16xi32>
        %parallel_loop3A_638 = arith.addi %parallel_loop3A_624, %parallel_loop3A_637 : vector<16xi32>
        %parallel_loop3A_639 = arith.select %parallel_loop3A_636, %parallel_loop3A_638, %parallel_loop3A_624 : vector<16xi1>, vector<16xi32>
        %parallel_loop3A_640 = vector.shape_cast %parallel_loop3A_639 : vector<16xi32> to vector<16x1xi32>
        %parallel_loop3A_641 = vector.shape_cast %parallel_loop3A_640 : vector<16x1xi32> to vector<16xi32>
        %parallel_loop3A_642 = tpu.dynamic_gather %parallel_loop3A_617[%parallel_loop3A_641] in [0] : vector<16xf32>, vector<16xi32> -> vector<16xf32>
        %parallel_loop3A_643 = arith.select %parallel_loop3A_394, %parallel_loop3A_595, %parallel_loop3A_642 : vector<16xi1>, vector<16xf32>
        %parallel_loop3A_644 = arith.constant 2048 : i32
        %parallel_loop3A_645 = arith.subi %parallel_loop3A_644, %parallel_loop3A_380 : i32
        %parallel_loop3A_646 = arith.constant 64 : i32
        %parallel_loop3A_647 = arith.subi %parallel_loop3A_645, %parallel_loop3A_646 : i32
        %parallel_loop3A_648 = vector.broadcast %parallel_loop3A_647 : i32 to vector<16xi32>
        %parallel_loop3A_649 = arith.cmpi slt, %add3A_334, %parallel_loop3A_648 : vector<16xi32>
        %parallel_loop3A_650 = arith.constant 0.000000e+00 : f32
        %parallel_loop3A_651 = vector.broadcast %parallel_loop3A_650 : f32 to vector<16xf32>
        %parallel_loop3A_652 = arith.select %parallel_loop3A_649, %parallel_loop3A_643, %parallel_loop3A_651 : vector<16xi1>, vector<16xf32>
        %parallel_loop3A_653 = arith.addi %mul3A_332, %parallel_loop3A_380 : i32
        %parallel_loop3A_654 = arith.index_cast %parallel_loop3A_653 : i32 to index
        %parallel_loop3A_655 = arith.constant 64 : index
        %parallel_loop3A_656 = tpu.vector_load %arg6[%parallel_loop3A_654, %parallel_loop3A_655] {strides = array<i32>} : memref<256x256xf32, #tpu.memory_space<vmem>>, vector<1x16xf32>,
        %parallel_loop3A_657 = vector.shape_cast %parallel_loop3A_656 : vector<1x16xf32> to vector<16xf32>
        %parallel_loop3A_658 = vector.shape_cast %parallel_loop3A_652 : vector<16xf32> to vector<1x16xf32>
        tpu.vector_store %arg6[%parallel_loop3A_654, %parallel_loop3A_655], %parallel_loop3A_658 {strides = array<i32>} : memref<256x256xf32, #tpu.memory_space<vmem>>, vector<1x16xf32>,
        %parallel_loop3A_659 = arith.constant 96 : i32
        %parallel_loop3A_660 = arith.addi %parallel_loop3A_385, %parallel_loop3A_659 : i32
        %parallel_loop3A_661 = arith.index_cast %parallel_loop3A_380 : i32 to index
        %parallel_loop3A_662 = arith.index_cast %parallel_loop3A_660 : i32 to index
        %parallel_loop3A_663 = tpu.vector_load %arg5[%parallel_loop3A_661, %parallel_loop3A_662] {strides = array<i32>} : memref<32x640xf32, #tpu.memory_space<vmem>>, vector<1x16xf32>,
        %parallel_loop3A_664 = vector.shape_cast %parallel_loop3A_663 : vector<1x16xf32> to vector<16xf32>
        %parallel_loop3A_665 = arith.constant 16 : i32
        %parallel_loop3A_666 = arith.constant 0 : i32
        %parallel_loop3A_667 = arith.cmpi eq, %parallel_loop3A_665, %parallel_loop3A_666 : i32
        %parallel_loop3A_668 = arith.constant 1 : i32
        %parallel_loop3A_669 = arith.select %parallel_loop3A_667, %parallel_loop3A_668, %parallel_loop3A_665 : i32
        %parallel_loop3A_670 = vector.broadcast %parallel_loop3A_669 : i32 to vector<16xi32>
        %parallel_loop3A_671 = arith.remsi %parallel_loop3A_390, %parallel_loop3A_670 : vector<16xi32>
        %parallel_loop3A_672 = arith.constant 0 : i32
        %parallel_loop3A_673 = vector.broadcast %parallel_loop3A_672 : i32 to vector<16xi32>
        %parallel_loop3A_674 = arith.cmpi ne, %parallel_loop3A_671, %parallel_loop3A_673 : vector<16xi32>
        %parallel_loop3A_675 = arith.constant 0 : i32
        %parallel_loop3A_676 = vector.broadcast %parallel_loop3A_675 : i32 to vector<16xi32>
        %parallel_loop3A_677 = arith.cmpi slt, %parallel_loop3A_671, %parallel_loop3A_676 : vector<16xi32>
        %parallel_loop3A_678 = arith.constant 0 : i32
        %parallel_loop3A_679 = arith.cmpi slt, %parallel_loop3A_669, %parallel_loop3A_678 : i32
        %parallel_loop3A_680 = vector.broadcast %parallel_loop3A_679 : i1 to vector<16xi1>
        %parallel_loop3A_681 = vector.broadcast %parallel_loop3A_680 : vector<16xi1> to vector<16xi1>
        %parallel_loop3A_682 = arith.xori %parallel_loop3A_677, %parallel_loop3A_681 : vector<16xi1>
        %parallel_loop3A_683 = arith.andi %parallel_loop3A_682, %parallel_loop3A_674 : vector<16xi1>
        %parallel_loop3A_684 = vector.broadcast %parallel_loop3A_669 : i32 to vector<16xi32>
        %parallel_loop3A_685 = arith.addi %parallel_loop3A_671, %parallel_loop3A_684 : vector<16xi32>
        %parallel_loop3A_686 = arith.select %parallel_loop3A_683, %parallel_loop3A_685, %parallel_loop3A_671 : vector<16xi1>, vector<16xi32>
        %parallel_loop3A_687 = vector.shape_cast %parallel_loop3A_686 : vector<16xi32> to vector<16x1xi32>
        %parallel_loop3A_688 = vector.shape_cast %parallel_loop3A_687 : vector<16x1xi32> to vector<16xi32>
        %parallel_loop3A_689 = tpu.dynamic_gather %parallel_loop3A_664[%parallel_loop3A_688] in [0] : vector<16xf32>, vector<16xi32> -> vector<16xf32>
        %parallel_loop3A_690 = arith.select %parallel_loop3A_394, %parallel_loop3A_642, %parallel_loop3A_689 : vector<16xi1>, vector<16xf32>
        %parallel_loop3A_691 = arith.constant 2048 : i32
        %parallel_loop3A_692 = arith.subi %parallel_loop3A_691, %parallel_loop3A_380 : i32
        %parallel_loop3A_693 = arith.constant 80 : i32
        %parallel_loop3A_694 = arith.subi %parallel_loop3A_692, %parallel_loop3A_693 : i32
        %parallel_loop3A_695 = vector.broadcast %parallel_loop3A_694 : i32 to vector<16xi32>
        %parallel_loop3A_696 = arith.cmpi slt, %add3A_334, %parallel_loop3A_695 : vector<16xi32>
        %parallel_loop3A_697 = arith.constant 0.000000e+00 : f32
        %parallel_loop3A_698 = vector.broadcast %parallel_loop3A_697 : f32 to vector<16xf32>
        %parallel_loop3A_699 = arith.select %parallel_loop3A_696, %parallel_loop3A_690, %parallel_loop3A_698 : vector<16xi1>, vector<16xf32>
        %parallel_loop3A_700 = arith.addi %mul3A_332, %parallel_loop3A_380 : i32
        %parallel_loop3A_701 = arith.index_cast %parallel_loop3A_700 : i32 to index
        %parallel_loop3A_702 = arith.constant 80 : index
        %parallel_loop3A_703 = tpu.vector_load %arg6[%parallel_loop3A_701, %parallel_loop3A_702] {strides = array<i32>} : memref<256x256xf32, #tpu.memory_space<vmem>>, vector<1x16xf32>,
        %parallel_loop3A_704 = vector.shape_cast %parallel_loop3A_703 : vector<1x16xf32> to vector<16xf32>
        %parallel_loop3A_705 = vector.shape_cast %parallel_loop3A_699 : vector<16xf32> to vector<1x16xf32>
        tpu.vector_store %arg6[%parallel_loop3A_701, %parallel_loop3A_702], %parallel_loop3A_705 {strides = array<i32>} : memref<256x256xf32, #tpu.memory_space<vmem>>, vector<1x16xf32>,
        %parallel_loop3A_706 = arith.constant 112 : i32
        %parallel_loop3A_707 = arith.addi %parallel_loop3A_385, %parallel_loop3A_706 : i32
        %parallel_loop3A_708 = arith.index_cast %parallel_loop3A_380 : i32 to index
        %parallel_loop3A_709 = arith.index_cast %parallel_loop3A_707 : i32 to index
        %parallel_loop3A_710 = tpu.vector_load %arg5[%parallel_loop3A_708, %parallel_loop3A_709] {strides = array<i32>} : memref<32x640xf32, #tpu.memory_space<vmem>>, vector<1x16xf32>,
        %parallel_loop3A_711 = vector.shape_cast %parallel_loop3A_710 : vector<1x16xf32> to vector<16xf32>
        %parallel_loop3A_712 = arith.constant 16 : i32
        %parallel_loop3A_713 = arith.constant 0 : i32
        %parallel_loop3A_714 = arith.cmpi eq, %parallel_loop3A_712, %parallel_loop3A_713 : i32
        %parallel_loop3A_715 = arith.constant 1 : i32
        %parallel_loop3A_716 = arith.select %parallel_loop3A_714, %parallel_loop3A_715, %parallel_loop3A_712 : i32
        %parallel_loop3A_717 = vector.broadcast %parallel_loop3A_716 : i32 to vector<16xi32>
        %parallel_loop3A_718 = arith.remsi %parallel_loop3A_390, %parallel_loop3A_717 : vector<16xi32>
        %parallel_loop3A_719 = arith.constant 0 : i32
        %parallel_loop3A_720 = vector.broadcast %parallel_loop3A_719 : i32 to vector<16xi32>
        %parallel_loop3A_721 = arith.cmpi ne, %parallel_loop3A_718, %parallel_loop3A_720 : vector<16xi32>
        %parallel_loop3A_722 = arith.constant 0 : i32
        %parallel_loop3A_723 = vector.broadcast %parallel_loop3A_722 : i32 to vector<16xi32>
        %parallel_loop3A_724 = arith.cmpi slt, %parallel_loop3A_718, %parallel_loop3A_723 : vector<16xi32>
        %parallel_loop3A_725 = arith.constant 0 : i32
        %parallel_loop3A_726 = arith.cmpi slt, %parallel_loop3A_716, %parallel_loop3A_725 : i32
        %parallel_loop3A_727 = vector.broadcast %parallel_loop3A_726 : i1 to vector<16xi1>
        %parallel_loop3A_728 = vector.broadcast %parallel_loop3A_727 : vector<16xi1> to vector<16xi1>
        %parallel_loop3A_729 = arith.xori %parallel_loop3A_724, %parallel_loop3A_728 : vector<16xi1>
        %parallel_loop3A_730 = arith.andi %parallel_loop3A_729, %parallel_loop3A_721 : vector<16xi1>
        %parallel_loop3A_731 = vector.broadcast %parallel_loop3A_716 : i32 to vector<16xi32>
        %parallel_loop3A_732 = arith.addi %parallel_loop3A_718, %parallel_loop3A_731 : vector<16xi32>
        %parallel_loop3A_733 = arith.select %parallel_loop3A_730, %parallel_loop3A_732, %parallel_loop3A_718 : vector<16xi1>, vector<16xi32>
        %parallel_loop3A_734 = vector.shape_cast %parallel_loop3A_733 : vector<16xi32> to vector<16x1xi32>
        %parallel_loop3A_735 = vector.shape_cast %parallel_loop3A_734 : vector<16x1xi32> to vector<16xi32>
        %parallel_loop3A_736 = tpu.dynamic_gather %parallel_loop3A_711[%parallel_loop3A_735] in [0] : vector<16xf32>, vector<16xi32> -> vector<16xf32>
        %parallel_loop3A_737 = arith.select %parallel_loop3A_394, %parallel_loop3A_689, %parallel_loop3A_736 : vector<16xi1>, vector<16xf32>
        %parallel_loop3A_738 = arith.constant 2048 : i32
        %parallel_loop3A_739 = arith.subi %parallel_loop3A_738, %parallel_loop3A_380 : i32
        %parallel_loop3A_740 = arith.constant 96 : i32
        %parallel_loop3A_741 = arith.subi %parallel_loop3A_739, %parallel_loop3A_740 : i32
        %parallel_loop3A_742 = vector.broadcast %parallel_loop3A_741 : i32 to vector<16xi32>
        %parallel_loop3A_743 = arith.cmpi slt, %add3A_334, %parallel_loop3A_742 : vector<16xi32>
        %parallel_loop3A_744 = arith.constant 0.000000e+00 : f32
        %parallel_loop3A_745 = vector.broadcast %parallel_loop3A_744 : f32 to vector<16xf32>
        %parallel_loop3A_746 = arith.select %parallel_loop3A_743, %parallel_loop3A_737, %parallel_loop3A_745 : vector<16xi1>, vector<16xf32>
        %parallel_loop3A_747 = arith.addi %mul3A_332, %parallel_loop3A_380 : i32
        %parallel_loop3A_748 = arith.index_cast %parallel_loop3A_747 : i32 to index
        %parallel_loop3A_749 = arith.constant 96 : index
        %parallel_loop3A_750 = tpu.vector_load %arg6[%parallel_loop3A_748, %parallel_loop3A_749] {strides = array<i32>} : memref<256x256xf32, #tpu.memory_space<vmem>>, vector<1x16xf32>,
        %parallel_loop3A_751 = vector.shape_cast %parallel_loop3A_750 : vector<1x16xf32> to vector<16xf32>
        %parallel_loop3A_752 = vector.shape_cast %parallel_loop3A_746 : vector<16xf32> to vector<1x16xf32>
        tpu.vector_store %arg6[%parallel_loop3A_748, %parallel_loop3A_749], %parallel_loop3A_752 {strides = array<i32>} : memref<256x256xf32, #tpu.memory_space<vmem>>, vector<1x16xf32>,
        %parallel_loop3A_753 = arith.constant 128 : i32
        %parallel_loop3A_754 = arith.addi %parallel_loop3A_385, %parallel_loop3A_753 : i32
        %parallel_loop3A_755 = arith.index_cast %parallel_loop3A_380 : i32 to index
        %parallel_loop3A_756 = arith.index_cast %parallel_loop3A_754 : i32 to index
        %parallel_loop3A_757 = tpu.vector_load %arg5[%parallel_loop3A_755, %parallel_loop3A_756] {strides = array<i32>} : memref<32x640xf32, #tpu.memory_space<vmem>>, vector<1x16xf32>,
        %parallel_loop3A_758 = vector.shape_cast %parallel_loop3A_757 : vector<1x16xf32> to vector<16xf32>
        %parallel_loop3A_759 = arith.constant 16 : i32
        %parallel_loop3A_760 = arith.constant 0 : i32
        %parallel_loop3A_761 = arith.cmpi eq, %parallel_loop3A_759, %parallel_loop3A_760 : i32
        %parallel_loop3A_762 = arith.constant 1 : i32
        %parallel_loop3A_763 = arith.select %parallel_loop3A_761, %parallel_loop3A_762, %parallel_loop3A_759 : i32
        %parallel_loop3A_764 = vector.broadcast %parallel_loop3A_763 : i32 to vector<16xi32>
        %parallel_loop3A_765 = arith.remsi %parallel_loop3A_390, %parallel_loop3A_764 : vector<16xi32>
        %parallel_loop3A_766 = arith.constant 0 : i32
        %parallel_loop3A_767 = vector.broadcast %parallel_loop3A_766 : i32 to vector<16xi32>
        %parallel_loop3A_768 = arith.cmpi ne, %parallel_loop3A_765, %parallel_loop3A_767 : vector<16xi32>
        %parallel_loop3A_769 = arith.constant 0 : i32
        %parallel_loop3A_770 = vector.broadcast %parallel_loop3A_769 : i32 to vector<16xi32>
        %parallel_loop3A_771 = arith.cmpi slt, %parallel_loop3A_765, %parallel_loop3A_770 : vector<16xi32>
        %parallel_loop3A_772 = arith.constant 0 : i32
        %parallel_loop3A_773 = arith.cmpi slt, %parallel_loop3A_763, %parallel_loop3A_772 : i32
        %parallel_loop3A_774 = vector.broadcast %parallel_loop3A_773 : i1 to vector<16xi1>
        %parallel_loop3A_775 = vector.broadcast %parallel_loop3A_774 : vector<16xi1> to vector<16xi1>
        %parallel_loop3A_776 = arith.xori %parallel_loop3A_771, %parallel_loop3A_775 : vector<16xi1>
        %parallel_loop3A_777 = arith.andi %parallel_loop3A_776, %parallel_loop3A_768 : vector<16xi1>
        %parallel_loop3A_778 = vector.broadcast %parallel_loop3A_763 : i32 to vector<16xi32>
        %parallel_loop3A_779 = arith.addi %parallel_loop3A_765, %parallel_loop3A_778 : vector<16xi32>
        %parallel_loop3A_780 = arith.select %parallel_loop3A_777, %parallel_loop3A_779, %parallel_loop3A_765 : vector<16xi1>, vector<16xi32>
        %parallel_loop3A_781 = vector.shape_cast %parallel_loop3A_780 : vector<16xi32> to vector<16x1xi32>
        %parallel_loop3A_782 = vector.shape_cast %parallel_loop3A_781 : vector<16x1xi32> to vector<16xi32>
        %parallel_loop3A_783 = tpu.dynamic_gather %parallel_loop3A_758[%parallel_loop3A_782] in [0] : vector<16xf32>, vector<16xi32> -> vector<16xf32>
        %parallel_loop3A_784 = arith.select %parallel_loop3A_394, %parallel_loop3A_736, %parallel_loop3A_783 : vector<16xi1>, vector<16xf32>
        %parallel_loop3A_785 = arith.constant 2048 : i32
        %parallel_loop3A_786 = arith.subi %parallel_loop3A_785, %parallel_loop3A_380 : i32
        %parallel_loop3A_787 = arith.constant 112 : i32
        %parallel_loop3A_788 = arith.subi %parallel_loop3A_786, %parallel_loop3A_787 : i32
        %parallel_loop3A_789 = vector.broadcast %parallel_loop3A_788 : i32 to vector<16xi32>
        %parallel_loop3A_790 = arith.cmpi slt, %add3A_334, %parallel_loop3A_789 : vector<16xi32>
        %parallel_loop3A_791 = arith.constant 0.000000e+00 : f32
        %parallel_loop3A_792 = vector.broadcast %parallel_loop3A_791 : f32 to vector<16xf32>
        %parallel_loop3A_793 = arith.select %parallel_loop3A_790, %parallel_loop3A_784, %parallel_loop3A_792 : vector<16xi1>, vector<16xf32>
        %parallel_loop3A_794 = arith.addi %mul3A_332, %parallel_loop3A_380 : i32
        %parallel_loop3A_795 = arith.index_cast %parallel_loop3A_794 : i32 to index
        %parallel_loop3A_796 = arith.constant 112 : index
        %parallel_loop3A_797 = tpu.vector_load %arg6[%parallel_loop3A_795, %parallel_loop3A_796] {strides = array<i32>} : memref<256x256xf32, #tpu.memory_space<vmem>>, vector<1x16xf32>,
        %parallel_loop3A_798 = vector.shape_cast %parallel_loop3A_797 : vector<1x16xf32> to vector<16xf32>
        %parallel_loop3A_799 = vector.shape_cast %parallel_loop3A_793 : vector<16xf32> to vector<1x16xf32>
        tpu.vector_store %arg6[%parallel_loop3A_795, %parallel_loop3A_796], %parallel_loop3A_799 {strides = array<i32>} : memref<256x256xf32, #tpu.memory_space<vmem>>, vector<1x16xf32>,
        %parallel_loop3A_800 = arith.constant 144 : i32
        %parallel_loop3A_801 = arith.addi %parallel_loop3A_385, %parallel_loop3A_800 : i32
        %parallel_loop3A_802 = arith.index_cast %parallel_loop3A_380 : i32 to index
        %parallel_loop3A_803 = arith.index_cast %parallel_loop3A_801 : i32 to index
        %parallel_loop3A_804 = tpu.vector_load %arg5[%parallel_loop3A_802, %parallel_loop3A_803] {strides = array<i32>} : memref<32x640xf32, #tpu.memory_space<vmem>>, vector<1x16xf32>,
        %parallel_loop3A_805 = vector.shape_cast %parallel_loop3A_804 : vector<1x16xf32> to vector<16xf32>
        %parallel_loop3A_806 = arith.constant 16 : i32
        %parallel_loop3A_807 = arith.constant 0 : i32
        %parallel_loop3A_808 = arith.cmpi eq, %parallel_loop3A_806, %parallel_loop3A_807 : i32
        %parallel_loop3A_809 = arith.constant 1 : i32
        %parallel_loop3A_810 = arith.select %parallel_loop3A_808, %parallel_loop3A_809, %parallel_loop3A_806 : i32
        %parallel_loop3A_811 = vector.broadcast %parallel_loop3A_810 : i32 to vector<16xi32>
        %parallel_loop3A_812 = arith.remsi %parallel_loop3A_390, %parallel_loop3A_811 : vector<16xi32>
        %parallel_loop3A_813 = arith.constant 0 : i32
        %parallel_loop3A_814 = vector.broadcast %parallel_loop3A_813 : i32 to vector<16xi32>
        %parallel_loop3A_815 = arith.cmpi ne, %parallel_loop3A_812, %parallel_loop3A_814 : vector<16xi32>
        %parallel_loop3A_816 = arith.constant 0 : i32
        %parallel_loop3A_817 = vector.broadcast %parallel_loop3A_816 : i32 to vector<16xi32>
        %parallel_loop3A_818 = arith.cmpi slt, %parallel_loop3A_812, %parallel_loop3A_817 : vector<16xi32>
        %parallel_loop3A_819 = arith.constant 0 : i32
        %parallel_loop3A_820 = arith.cmpi slt, %parallel_loop3A_810, %parallel_loop3A_819 : i32
        %parallel_loop3A_821 = vector.broadcast %parallel_loop3A_820 : i1 to vector<16xi1>
        %parallel_loop3A_822 = vector.broadcast %parallel_loop3A_821 : vector<16xi1> to vector<16xi1>
        %parallel_loop3A_823 = arith.xori %parallel_loop3A_818, %parallel_loop3A_822 : vector<16xi1>
        %parallel_loop3A_824 = arith.andi %parallel_loop3A_823, %parallel_loop3A_815 : vector<16xi1>
        %parallel_loop3A_825 = vector.broadcast %parallel_loop3A_810 : i32 to vector<16xi32>
        %parallel_loop3A_826 = arith.addi %parallel_loop3A_812, %parallel_loop3A_825 : vector<16xi32>
        %parallel_loop3A_827 = arith.select %parallel_loop3A_824, %parallel_loop3A_826, %parallel_loop3A_812 : vector<16xi1>, vector<16xi32>
        %parallel_loop3A_828 = vector.shape_cast %parallel_loop3A_827 : vector<16xi32> to vector<16x1xi32>
        %parallel_loop3A_829 = vector.shape_cast %parallel_loop3A_828 : vector<16x1xi32> to vector<16xi32>
        %parallel_loop3A_830 = tpu.dynamic_gather %parallel_loop3A_805[%parallel_loop3A_829] in [0] : vector<16xf32>, vector<16xi32> -> vector<16xf32>
        %parallel_loop3A_831 = arith.select %parallel_loop3A_394, %parallel_loop3A_783, %parallel_loop3A_830 : vector<16xi1>, vector<16xf32>
        %parallel_loop3A_832 = arith.constant 2048 : i32
        %parallel_loop3A_833 = arith.subi %parallel_loop3A_832, %parallel_loop3A_380 : i32
        %parallel_loop3A_834 = arith.constant 128 : i32
        %parallel_loop3A_835 = arith.subi %parallel_loop3A_833, %parallel_loop3A_834 : i32
        %parallel_loop3A_836 = vector.broadcast %parallel_loop3A_835 : i32 to vector<16xi32>
        %parallel_loop3A_837 = arith.cmpi slt, %add3A_334, %parallel_loop3A_836 : vector<16xi32>
        %parallel_loop3A_838 = arith.constant 0.000000e+00 : f32
        %parallel_loop3A_839 = vector.broadcast %parallel_loop3A_838 : f32 to vector<16xf32>
        %parallel_loop3A_840 = arith.select %parallel_loop3A_837, %parallel_loop3A_831, %parallel_loop3A_839 : vector<16xi1>, vector<16xf32>
        %parallel_loop3A_841 = arith.addi %mul3A_332, %parallel_loop3A_380 : i32
        %parallel_loop3A_842 = arith.index_cast %parallel_loop3A_841 : i32 to index
        %parallel_loop3A_843 = arith.constant 128 : index
        %parallel_loop3A_844 = tpu.vector_load %arg6[%parallel_loop3A_842, %parallel_loop3A_843] {strides = array<i32>} : memref<256x256xf32, #tpu.memory_space<vmem>>, vector<1x16xf32>,
        %parallel_loop3A_845 = vector.shape_cast %parallel_loop3A_844 : vector<1x16xf32> to vector<16xf32>
        %parallel_loop3A_846 = vector.shape_cast %parallel_loop3A_840 : vector<16xf32> to vector<1x16xf32>
        tpu.vector_store %arg6[%parallel_loop3A_842, %parallel_loop3A_843], %parallel_loop3A_846 {strides = array<i32>} : memref<256x256xf32, #tpu.memory_space<vmem>>, vector<1x16xf32>,
        %parallel_loop3A_847 = arith.constant 160 : i32
        %parallel_loop3A_848 = arith.addi %parallel_loop3A_385, %parallel_loop3A_847 : i32
        %parallel_loop3A_849 = arith.index_cast %parallel_loop3A_380 : i32 to index
        %parallel_loop3A_850 = arith.index_cast %parallel_loop3A_848 : i32 to index
        %parallel_loop3A_851 = tpu.vector_load %arg5[%parallel_loop3A_849, %parallel_loop3A_850] {strides = array<i32>} : memref<32x640xf32, #tpu.memory_space<vmem>>, vector<1x16xf32>,
        %parallel_loop3A_852 = vector.shape_cast %parallel_loop3A_851 : vector<1x16xf32> to vector<16xf32>
        %parallel_loop3A_853 = arith.constant 16 : i32
        %parallel_loop3A_854 = arith.constant 0 : i32
        %parallel_loop3A_855 = arith.cmpi eq, %parallel_loop3A_853, %parallel_loop3A_854 : i32
        %parallel_loop3A_856 = arith.constant 1 : i32
        %parallel_loop3A_857 = arith.select %parallel_loop3A_855, %parallel_loop3A_856, %parallel_loop3A_853 : i32
        %parallel_loop3A_858 = vector.broadcast %parallel_loop3A_857 : i32 to vector<16xi32>
        %parallel_loop3A_859 = arith.remsi %parallel_loop3A_390, %parallel_loop3A_858 : vector<16xi32>
        %parallel_loop3A_860 = arith.constant 0 : i32
        %parallel_loop3A_861 = vector.broadcast %parallel_loop3A_860 : i32 to vector<16xi32>
        %parallel_loop3A_862 = arith.cmpi ne, %parallel_loop3A_859, %parallel_loop3A_861 : vector<16xi32>
        %parallel_loop3A_863 = arith.constant 0 : i32
        %parallel_loop3A_864 = vector.broadcast %parallel_loop3A_863 : i32 to vector<16xi32>
        %parallel_loop3A_865 = arith.cmpi slt, %parallel_loop3A_859, %parallel_loop3A_864 : vector<16xi32>
        %parallel_loop3A_866 = arith.constant 0 : i32
        %parallel_loop3A_867 = arith.cmpi slt, %parallel_loop3A_857, %parallel_loop3A_866 : i32
        %parallel_loop3A_868 = vector.broadcast %parallel_loop3A_867 : i1 to vector<16xi1>
        %parallel_loop3A_869 = vector.broadcast %parallel_loop3A_868 : vector<16xi1> to vector<16xi1>
        %parallel_loop3A_870 = arith.xori %parallel_loop3A_865, %parallel_loop3A_869 : vector<16xi1>
        %parallel_loop3A_871 = arith.andi %parallel_loop3A_870, %parallel_loop3A_862 : vector<16xi1>
        %parallel_loop3A_872 = vector.broadcast %parallel_loop3A_857 : i32 to vector<16xi32>
        %parallel_loop3A_873 = arith.addi %parallel_loop3A_859, %parallel_loop3A_872 : vector<16xi32>
        %parallel_loop3A_874 = arith.select %parallel_loop3A_871, %parallel_loop3A_873, %parallel_loop3A_859 : vector<16xi1>, vector<16xi32>
        %parallel_loop3A_875 = vector.shape_cast %parallel_loop3A_874 : vector<16xi32> to vector<16x1xi32>
        %parallel_loop3A_876 = vector.shape_cast %parallel_loop3A_875 : vector<16x1xi32> to vector<16xi32>
        %parallel_loop3A_877 = tpu.dynamic_gather %parallel_loop3A_852[%parallel_loop3A_876] in [0] : vector<16xf32>, vector<16xi32> -> vector<16xf32>
        %parallel_loop3A_878 = arith.select %parallel_loop3A_394, %parallel_loop3A_830, %parallel_loop3A_877 : vector<16xi1>, vector<16xf32>
        %parallel_loop3A_879 = arith.constant 2048 : i32
        %parallel_loop3A_880 = arith.subi %parallel_loop3A_879, %parallel_loop3A_380 : i32
        %parallel_loop3A_881 = arith.constant 144 : i32
        %parallel_loop3A_882 = arith.subi %parallel_loop3A_880, %parallel_loop3A_881 : i32
        %parallel_loop3A_883 = vector.broadcast %parallel_loop3A_882 : i32 to vector<16xi32>
        %parallel_loop3A_884 = arith.cmpi slt, %add3A_334, %parallel_loop3A_883 : vector<16xi32>
        %parallel_loop3A_885 = arith.constant 0.000000e+00 : f32
        %parallel_loop3A_886 = vector.broadcast %parallel_loop3A_885 : f32 to vector<16xf32>
        %parallel_loop3A_887 = arith.select %parallel_loop3A_884, %parallel_loop3A_878, %parallel_loop3A_886 : vector<16xi1>, vector<16xf32>
        %parallel_loop3A_888 = arith.addi %mul3A_332, %parallel_loop3A_380 : i32
        %parallel_loop3A_889 = arith.index_cast %parallel_loop3A_888 : i32 to index
        %parallel_loop3A_890 = arith.constant 144 : index
        %parallel_loop3A_891 = tpu.vector_load %arg6[%parallel_loop3A_889, %parallel_loop3A_890] {strides = array<i32>} : memref<256x256xf32, #tpu.memory_space<vmem>>, vector<1x16xf32>,
        %parallel_loop3A_892 = vector.shape_cast %parallel_loop3A_891 : vector<1x16xf32> to vector<16xf32>
        %parallel_loop3A_893 = vector.shape_cast %parallel_loop3A_887 : vector<16xf32> to vector<1x16xf32>
        tpu.vector_store %arg6[%parallel_loop3A_889, %parallel_loop3A_890], %parallel_loop3A_893 {strides = array<i32>} : memref<256x256xf32, #tpu.memory_space<vmem>>, vector<1x16xf32>,
        %parallel_loop3A_894 = arith.constant 176 : i32
        %parallel_loop3A_895 = arith.addi %parallel_loop3A_385, %parallel_loop3A_894 : i32
        %parallel_loop3A_896 = arith.index_cast %parallel_loop3A_380 : i32 to index
        %parallel_loop3A_897 = arith.index_cast %parallel_loop3A_895 : i32 to index
        %parallel_loop3A_898 = tpu.vector_load %arg5[%parallel_loop3A_896, %parallel_loop3A_897] {strides = array<i32>} : memref<32x640xf32, #tpu.memory_space<vmem>>, vector<1x16xf32>,
        %parallel_loop3A_899 = vector.shape_cast %parallel_loop3A_898 : vector<1x16xf32> to vector<16xf32>
        %parallel_loop3A_900 = arith.constant 16 : i32
        %parallel_loop3A_901 = arith.constant 0 : i32
        %parallel_loop3A_902 = arith.cmpi eq, %parallel_loop3A_900, %parallel_loop3A_901 : i32
        %parallel_loop3A_903 = arith.constant 1 : i32
        %parallel_loop3A_904 = arith.select %parallel_loop3A_902, %parallel_loop3A_903, %parallel_loop3A_900 : i32
        %parallel_loop3A_905 = vector.broadcast %parallel_loop3A_904 : i32 to vector<16xi32>
        %parallel_loop3A_906 = arith.remsi %parallel_loop3A_390, %parallel_loop3A_905 : vector<16xi32>
        %parallel_loop3A_907 = arith.constant 0 : i32
        %parallel_loop3A_908 = vector.broadcast %parallel_loop3A_907 : i32 to vector<16xi32>
        %parallel_loop3A_909 = arith.cmpi ne, %parallel_loop3A_906, %parallel_loop3A_908 : vector<16xi32>
        %parallel_loop3A_910 = arith.constant 0 : i32
        %parallel_loop3A_911 = vector.broadcast %parallel_loop3A_910 : i32 to vector<16xi32>
        %parallel_loop3A_912 = arith.cmpi slt, %parallel_loop3A_906, %parallel_loop3A_911 : vector<16xi32>
        %parallel_loop3A_913 = arith.constant 0 : i32
        %parallel_loop3A_914 = arith.cmpi slt, %parallel_loop3A_904, %parallel_loop3A_913 : i32
        %parallel_loop3A_915 = vector.broadcast %parallel_loop3A_914 : i1 to vector<16xi1>
        %parallel_loop3A_916 = vector.broadcast %parallel_loop3A_915 : vector<16xi1> to vector<16xi1>
        %parallel_loop3A_917 = arith.xori %parallel_loop3A_912, %parallel_loop3A_916 : vector<16xi1>
        %parallel_loop3A_918 = arith.andi %parallel_loop3A_917, %parallel_loop3A_909 : vector<16xi1>
        %parallel_loop3A_919 = vector.broadcast %parallel_loop3A_904 : i32 to vector<16xi32>
        %parallel_loop3A_920 = arith.addi %parallel_loop3A_906, %parallel_loop3A_919 : vector<16xi32>
        %parallel_loop3A_921 = arith.select %parallel_loop3A_918, %parallel_loop3A_920, %parallel_loop3A_906 : vector<16xi1>, vector<16xi32>
        %parallel_loop3A_922 = vector.shape_cast %parallel_loop3A_921 : vector<16xi32> to vector<16x1xi32>
        %parallel_loop3A_923 = vector.shape_cast %parallel_loop3A_922 : vector<16x1xi32> to vector<16xi32>
        %parallel_loop3A_924 = tpu.dynamic_gather %parallel_loop3A_899[%parallel_loop3A_923] in [0] : vector<16xf32>, vector<16xi32> -> vector<16xf32>
        %parallel_loop3A_925 = arith.select %parallel_loop3A_394, %parallel_loop3A_877, %parallel_loop3A_924 : vector<16xi1>, vector<16xf32>
        %parallel_loop3A_926 = arith.constant 2048 : i32
        %parallel_loop3A_927 = arith.subi %parallel_loop3A_926, %parallel_loop3A_380 : i32
        %parallel_loop3A_928 = arith.constant 160 : i32
        %parallel_loop3A_929 = arith.subi %parallel_loop3A_927, %parallel_loop3A_928 : i32
        %parallel_loop3A_930 = vector.broadcast %parallel_loop3A_929 : i32 to vector<16xi32>
        %parallel_loop3A_931 = arith.cmpi slt, %add3A_334, %parallel_loop3A_930 : vector<16xi32>
        %parallel_loop3A_932 = arith.constant 0.000000e+00 : f32
        %parallel_loop3A_933 = vector.broadcast %parallel_loop3A_932 : f32 to vector<16xf32>
        %parallel_loop3A_934 = arith.select %parallel_loop3A_931, %parallel_loop3A_925, %parallel_loop3A_933 : vector<16xi1>, vector<16xf32>
        %parallel_loop3A_935 = arith.addi %mul3A_332, %parallel_loop3A_380 : i32
        %parallel_loop3A_936 = arith.index_cast %parallel_loop3A_935 : i32 to index
        %parallel_loop3A_937 = arith.constant 160 : index
        %parallel_loop3A_938 = tpu.vector_load %arg6[%parallel_loop3A_936, %parallel_loop3A_937] {strides = array<i32>} : memref<256x256xf32, #tpu.memory_space<vmem>>, vector<1x16xf32>,
        %parallel_loop3A_939 = vector.shape_cast %parallel_loop3A_938 : vector<1x16xf32> to vector<16xf32>
        %parallel_loop3A_940 = vector.shape_cast %parallel_loop3A_934 : vector<16xf32> to vector<1x16xf32>
        tpu.vector_store %arg6[%parallel_loop3A_936, %parallel_loop3A_937], %parallel_loop3A_940 {strides = array<i32>} : memref<256x256xf32, #tpu.memory_space<vmem>>, vector<1x16xf32>,
        %parallel_loop3A_941 = arith.constant 192 : i32
        %parallel_loop3A_942 = arith.addi %parallel_loop3A_385, %parallel_loop3A_941 : i32
        %parallel_loop3A_943 = arith.index_cast %parallel_loop3A_380 : i32 to index
        %parallel_loop3A_944 = arith.index_cast %parallel_loop3A_942 : i32 to index
        %parallel_loop3A_945 = tpu.vector_load %arg5[%parallel_loop3A_943, %parallel_loop3A_944] {strides = array<i32>} : memref<32x640xf32, #tpu.memory_space<vmem>>, vector<1x16xf32>,
        %parallel_loop3A_946 = vector.shape_cast %parallel_loop3A_945 : vector<1x16xf32> to vector<16xf32>
        %parallel_loop3A_947 = arith.constant 16 : i32
        %parallel_loop3A_948 = arith.constant 0 : i32
        %parallel_loop3A_949 = arith.cmpi eq, %parallel_loop3A_947, %parallel_loop3A_948 : i32
        %parallel_loop3A_950 = arith.constant 1 : i32
        %parallel_loop3A_951 = arith.select %parallel_loop3A_949, %parallel_loop3A_950, %parallel_loop3A_947 : i32
        %parallel_loop3A_952 = vector.broadcast %parallel_loop3A_951 : i32 to vector<16xi32>
        %parallel_loop3A_953 = arith.remsi %parallel_loop3A_390, %parallel_loop3A_952 : vector<16xi32>
        %parallel_loop3A_954 = arith.constant 0 : i32
        %parallel_loop3A_955 = vector.broadcast %parallel_loop3A_954 : i32 to vector<16xi32>
        %parallel_loop3A_956 = arith.cmpi ne, %parallel_loop3A_953, %parallel_loop3A_955 : vector<16xi32>
        %parallel_loop3A_957 = arith.constant 0 : i32
        %parallel_loop3A_958 = vector.broadcast %parallel_loop3A_957 : i32 to vector<16xi32>
        %parallel_loop3A_959 = arith.cmpi slt, %parallel_loop3A_953, %parallel_loop3A_958 : vector<16xi32>
        %parallel_loop3A_960 = arith.constant 0 : i32
        %parallel_loop3A_961 = arith.cmpi slt, %parallel_loop3A_951, %parallel_loop3A_960 : i32
        %parallel_loop3A_962 = vector.broadcast %parallel_loop3A_961 : i1 to vector<16xi1>
        %parallel_loop3A_963 = vector.broadcast %parallel_loop3A_962 : vector<16xi1> to vector<16xi1>
        %parallel_loop3A_964 = arith.xori %parallel_loop3A_959, %parallel_loop3A_963 : vector<16xi1>
        %parallel_loop3A_965 = arith.andi %parallel_loop3A_964, %parallel_loop3A_956 : vector<16xi1>
        %parallel_loop3A_966 = vector.broadcast %parallel_loop3A_951 : i32 to vector<16xi32>
        %parallel_loop3A_967 = arith.addi %parallel_loop3A_953, %parallel_loop3A_966 : vector<16xi32>
        %parallel_loop3A_968 = arith.select %parallel_loop3A_965, %parallel_loop3A_967, %parallel_loop3A_953 : vector<16xi1>, vector<16xi32>
        %parallel_loop3A_969 = vector.shape_cast %parallel_loop3A_968 : vector<16xi32> to vector<16x1xi32>
        %parallel_loop3A_970 = vector.shape_cast %parallel_loop3A_969 : vector<16x1xi32> to vector<16xi32>
        %parallel_loop3A_971 = tpu.dynamic_gather %parallel_loop3A_946[%parallel_loop3A_970] in [0] : vector<16xf32>, vector<16xi32> -> vector<16xf32>
        %parallel_loop3A_972 = arith.select %parallel_loop3A_394, %parallel_loop3A_924, %parallel_loop3A_971 : vector<16xi1>, vector<16xf32>
        %parallel_loop3A_973 = arith.constant 2048 : i32
        %parallel_loop3A_974 = arith.subi %parallel_loop3A_973, %parallel_loop3A_380 : i32
        %parallel_loop3A_975 = arith.constant 176 : i32
        %parallel_loop3A_976 = arith.subi %parallel_loop3A_974, %parallel_loop3A_975 : i32
        %parallel_loop3A_977 = vector.broadcast %parallel_loop3A_976 : i32 to vector<16xi32>
        %parallel_loop3A_978 = arith.cmpi slt, %add3A_334, %parallel_loop3A_977 : vector<16xi32>
        %parallel_loop3A_979 = arith.constant 0.000000e+00 : f32
        %parallel_loop3A_980 = vector.broadcast %parallel_loop3A_979 : f32 to vector<16xf32>
        %parallel_loop3A_981 = arith.select %parallel_loop3A_978, %parallel_loop3A_972, %parallel_loop3A_980 : vector<16xi1>, vector<16xf32>
        %parallel_loop3A_982 = arith.addi %mul3A_332, %parallel_loop3A_380 : i32
        %parallel_loop3A_983 = arith.index_cast %parallel_loop3A_982 : i32 to index
        %parallel_loop3A_984 = arith.constant 176 : index
        %parallel_loop3A_985 = tpu.vector_load %arg6[%parallel_loop3A_983, %parallel_loop3A_984] {strides = array<i32>} : memref<256x256xf32, #tpu.memory_space<vmem>>, vector<1x16xf32>,
        %parallel_loop3A_986 = vector.shape_cast %parallel_loop3A_985 : vector<1x16xf32> to vector<16xf32>
        %parallel_loop3A_987 = vector.shape_cast %parallel_loop3A_981 : vector<16xf32> to vector<1x16xf32>
        tpu.vector_store %arg6[%parallel_loop3A_983, %parallel_loop3A_984], %parallel_loop3A_987 {strides = array<i32>} : memref<256x256xf32, #tpu.memory_space<vmem>>, vector<1x16xf32>,
        %parallel_loop3A_988 = arith.constant 208 : i32
        %parallel_loop3A_989 = arith.addi %parallel_loop3A_385, %parallel_loop3A_988 : i32
        %parallel_loop3A_990 = arith.index_cast %parallel_loop3A_380 : i32 to index
        %parallel_loop3A_991 = arith.index_cast %parallel_loop3A_989 : i32 to index
        %parallel_loop3A_992 = tpu.vector_load %arg5[%parallel_loop3A_990, %parallel_loop3A_991] {strides = array<i32>} : memref<32x640xf32, #tpu.memory_space<vmem>>, vector<1x16xf32>,
        %parallel_loop3A_993 = vector.shape_cast %parallel_loop3A_992 : vector<1x16xf32> to vector<16xf32>
        %parallel_loop3A_994 = arith.constant 16 : i32
        %parallel_loop3A_995 = arith.constant 0 : i32
        %parallel_loop3A_996 = arith.cmpi eq, %parallel_loop3A_994, %parallel_loop3A_995 : i32
        %parallel_loop3A_997 = arith.constant 1 : i32
        %parallel_loop3A_998 = arith.select %parallel_loop3A_996, %parallel_loop3A_997, %parallel_loop3A_994 : i32
        %parallel_loop3A_999 = vector.broadcast %parallel_loop3A_998 : i32 to vector<16xi32>
        %parallel_loop3A_1000 = arith.remsi %parallel_loop3A_390, %parallel_loop3A_999 : vector<16xi32>
        %parallel_loop3A_1001 = arith.constant 0 : i32
        %parallel_loop3A_1002 = vector.broadcast %parallel_loop3A_1001 : i32 to vector<16xi32>
        %parallel_loop3A_1003 = arith.cmpi ne, %parallel_loop3A_1000, %parallel_loop3A_1002 : vector<16xi32>
        %parallel_loop3A_1004 = arith.constant 0 : i32
        %parallel_loop3A_1005 = vector.broadcast %parallel_loop3A_1004 : i32 to vector<16xi32>
        %parallel_loop3A_1006 = arith.cmpi slt, %parallel_loop3A_1000, %parallel_loop3A_1005 : vector<16xi32>
        %parallel_loop3A_1007 = arith.constant 0 : i32
        %parallel_loop3A_1008 = arith.cmpi slt, %parallel_loop3A_998, %parallel_loop3A_1007 : i32
        %parallel_loop3A_1009 = vector.broadcast %parallel_loop3A_1008 : i1 to vector<16xi1>
        %parallel_loop3A_1010 = vector.broadcast %parallel_loop3A_1009 : vector<16xi1> to vector<16xi1>
        %parallel_loop3A_1011 = arith.xori %parallel_loop3A_1006, %parallel_loop3A_1010 : vector<16xi1>
        %parallel_loop3A_1012 = arith.andi %parallel_loop3A_1011, %parallel_loop3A_1003 : vector<16xi1>
        %parallel_loop3A_1013 = vector.broadcast %parallel_loop3A_998 : i32 to vector<16xi32>
        %parallel_loop3A_1014 = arith.addi %parallel_loop3A_1000, %parallel_loop3A_1013 : vector<16xi32>
        %parallel_loop3A_1015 = arith.select %parallel_loop3A_1012, %parallel_loop3A_1014, %parallel_loop3A_1000 : vector<16xi1>, vector<16xi32>
        %parallel_loop3A_1016 = vector.shape_cast %parallel_loop3A_1015 : vector<16xi32> to vector<16x1xi32>
        %parallel_loop3A_1017 = vector.shape_cast %parallel_loop3A_1016 : vector<16x1xi32> to vector<16xi32>
        %parallel_loop3A_1018 = tpu.dynamic_gather %parallel_loop3A_993[%parallel_loop3A_1017] in [0] : vector<16xf32>, vector<16xi32> -> vector<16xf32>
        %parallel_loop3A_1019 = arith.select %parallel_loop3A_394, %parallel_loop3A_971, %parallel_loop3A_1018 : vector<16xi1>, vector<16xf32>
        %parallel_loop3A_1020 = arith.constant 2048 : i32
        %parallel_loop3A_1021 = arith.subi %parallel_loop3A_1020, %parallel_loop3A_380 : i32
        %parallel_loop3A_1022 = arith.constant 192 : i32
        %parallel_loop3A_1023 = arith.subi %parallel_loop3A_1021, %parallel_loop3A_1022 : i32
        %parallel_loop3A_1024 = vector.broadcast %parallel_loop3A_1023 : i32 to vector<16xi32>
        %parallel_loop3A_1025 = arith.cmpi slt, %add3A_334, %parallel_loop3A_1024 : vector<16xi32>
        %parallel_loop3A_1026 = arith.constant 0.000000e+00 : f32
        %parallel_loop3A_1027 = vector.broadcast %parallel_loop3A_1026 : f32 to vector<16xf32>
        %parallel_loop3A_1028 = arith.select %parallel_loop3A_1025, %parallel_loop3A_1019, %parallel_loop3A_1027 : vector<16xi1>, vector<16xf32>
        %parallel_loop3A_1029 = arith.addi %mul3A_332, %parallel_loop3A_380 : i32
        %parallel_loop3A_1030 = arith.index_cast %parallel_loop3A_1029 : i32 to index
        %parallel_loop3A_1031 = arith.constant 192 : index
        %parallel_loop3A_1032 = tpu.vector_load %arg6[%parallel_loop3A_1030, %parallel_loop3A_1031] {strides = array<i32>} : memref<256x256xf32, #tpu.memory_space<vmem>>, vector<1x16xf32>,
        %parallel_loop3A_1033 = vector.shape_cast %parallel_loop3A_1032 : vector<1x16xf32> to vector<16xf32>
        %parallel_loop3A_1034 = vector.shape_cast %parallel_loop3A_1028 : vector<16xf32> to vector<1x16xf32>
        tpu.vector_store %arg6[%parallel_loop3A_1030, %parallel_loop3A_1031], %parallel_loop3A_1034 {strides = array<i32>} : memref<256x256xf32, #tpu.memory_space<vmem>>, vector<1x16xf32>,
        %parallel_loop3A_1035 = arith.constant 224 : i32
        %parallel_loop3A_1036 = arith.addi %parallel_loop3A_385, %parallel_loop3A_1035 : i32
        %parallel_loop3A_1037 = arith.index_cast %parallel_loop3A_380 : i32 to index
        %parallel_loop3A_1038 = arith.index_cast %parallel_loop3A_1036 : i32 to index
        %parallel_loop3A_1039 = tpu.vector_load %arg5[%parallel_loop3A_1037, %parallel_loop3A_1038] {strides = array<i32>} : memref<32x640xf32, #tpu.memory_space<vmem>>, vector<1x16xf32>,
        %parallel_loop3A_1040 = vector.shape_cast %parallel_loop3A_1039 : vector<1x16xf32> to vector<16xf32>
        %parallel_loop3A_1041 = arith.constant 16 : i32
        %parallel_loop3A_1042 = arith.constant 0 : i32
        %parallel_loop3A_1043 = arith.cmpi eq, %parallel_loop3A_1041, %parallel_loop3A_1042 : i32
        %parallel_loop3A_1044 = arith.constant 1 : i32
        %parallel_loop3A_1045 = arith.select %parallel_loop3A_1043, %parallel_loop3A_1044, %parallel_loop3A_1041 : i32
        %parallel_loop3A_1046 = vector.broadcast %parallel_loop3A_1045 : i32 to vector<16xi32>
        %parallel_loop3A_1047 = arith.remsi %parallel_loop3A_390, %parallel_loop3A_1046 : vector<16xi32>
        %parallel_loop3A_1048 = arith.constant 0 : i32
        %parallel_loop3A_1049 = vector.broadcast %parallel_loop3A_1048 : i32 to vector<16xi32>
        %parallel_loop3A_1050 = arith.cmpi ne, %parallel_loop3A_1047, %parallel_loop3A_1049 : vector<16xi32>
        %parallel_loop3A_1051 = arith.constant 0 : i32
        %parallel_loop3A_1052 = vector.broadcast %parallel_loop3A_1051 : i32 to vector<16xi32>
        %parallel_loop3A_1053 = arith.cmpi slt, %parallel_loop3A_1047, %parallel_loop3A_1052 : vector<16xi32>
        %parallel_loop3A_1054 = arith.constant 0 : i32
        %parallel_loop3A_1055 = arith.cmpi slt, %parallel_loop3A_1045, %parallel_loop3A_1054 : i32
        %parallel_loop3A_1056 = vector.broadcast %parallel_loop3A_1055 : i1 to vector<16xi1>
        %parallel_loop3A_1057 = vector.broadcast %parallel_loop3A_1056 : vector<16xi1> to vector<16xi1>
        %parallel_loop3A_1058 = arith.xori %parallel_loop3A_1053, %parallel_loop3A_1057 : vector<16xi1>
        %parallel_loop3A_1059 = arith.andi %parallel_loop3A_1058, %parallel_loop3A_1050 : vector<16xi1>
        %parallel_loop3A_1060 = vector.broadcast %parallel_loop3A_1045 : i32 to vector<16xi32>
        %parallel_loop3A_1061 = arith.addi %parallel_loop3A_1047, %parallel_loop3A_1060 : vector<16xi32>
        %parallel_loop3A_1062 = arith.select %parallel_loop3A_1059, %parallel_loop3A_1061, %parallel_loop3A_1047 : vector<16xi1>, vector<16xi32>
        %parallel_loop3A_1063 = vector.shape_cast %parallel_loop3A_1062 : vector<16xi32> to vector<16x1xi32>
        %parallel_loop3A_1064 = vector.shape_cast %parallel_loop3A_1063 : vector<16x1xi32> to vector<16xi32>
        %parallel_loop3A_1065 = tpu.dynamic_gather %parallel_loop3A_1040[%parallel_loop3A_1064] in [0] : vector<16xf32>, vector<16xi32> -> vector<16xf32>
        %parallel_loop3A_1066 = arith.select %parallel_loop3A_394, %parallel_loop3A_1018, %parallel_loop3A_1065 : vector<16xi1>, vector<16xf32>
        %parallel_loop3A_1067 = arith.constant 2048 : i32
        %parallel_loop3A_1068 = arith.subi %parallel_loop3A_1067, %parallel_loop3A_380 : i32
        %parallel_loop3A_1069 = arith.constant 208 : i32
        %parallel_loop3A_1070 = arith.subi %parallel_loop3A_1068, %parallel_loop3A_1069 : i32
        %parallel_loop3A_1071 = vector.broadcast %parallel_loop3A_1070 : i32 to vector<16xi32>
        %parallel_loop3A_1072 = arith.cmpi slt, %add3A_334, %parallel_loop3A_1071 : vector<16xi32>
        %parallel_loop3A_1073 = arith.constant 0.000000e+00 : f32
        %parallel_loop3A_1074 = vector.broadcast %parallel_loop3A_1073 : f32 to vector<16xf32>
        %parallel_loop3A_1075 = arith.select %parallel_loop3A_1072, %parallel_loop3A_1066, %parallel_loop3A_1074 : vector<16xi1>, vector<16xf32>
        %parallel_loop3A_1076 = arith.addi %mul3A_332, %parallel_loop3A_380 : i32
        %parallel_loop3A_1077 = arith.index_cast %parallel_loop3A_1076 : i32 to index
        %parallel_loop3A_1078 = arith.constant 208 : index
        %parallel_loop3A_1079 = tpu.vector_load %arg6[%parallel_loop3A_1077, %parallel_loop3A_1078] {strides = array<i32>} : memref<256x256xf32, #tpu.memory_space<vmem>>, vector<1x16xf32>,
        %parallel_loop3A_1080 = vector.shape_cast %parallel_loop3A_1079 : vector<1x16xf32> to vector<16xf32>
        %parallel_loop3A_1081 = vector.shape_cast %parallel_loop3A_1075 : vector<16xf32> to vector<1x16xf32>
        tpu.vector_store %arg6[%parallel_loop3A_1077, %parallel_loop3A_1078], %parallel_loop3A_1081 {strides = array<i32>} : memref<256x256xf32, #tpu.memory_space<vmem>>, vector<1x16xf32>,
        %parallel_loop3A_1082 = arith.constant 240 : i32
        %parallel_loop3A_1083 = arith.addi %parallel_loop3A_385, %parallel_loop3A_1082 : i32
        %parallel_loop3A_1084 = arith.index_cast %parallel_loop3A_380 : i32 to index
        %parallel_loop3A_1085 = arith.index_cast %parallel_loop3A_1083 : i32 to index
        %parallel_loop3A_1086 = tpu.vector_load %arg5[%parallel_loop3A_1084, %parallel_loop3A_1085] {strides = array<i32>} : memref<32x640xf32, #tpu.memory_space<vmem>>, vector<1x16xf32>,
        %parallel_loop3A_1087 = vector.shape_cast %parallel_loop3A_1086 : vector<1x16xf32> to vector<16xf32>
        %parallel_loop3A_1088 = arith.constant 16 : i32
        %parallel_loop3A_1089 = arith.constant 0 : i32
        %parallel_loop3A_1090 = arith.cmpi eq, %parallel_loop3A_1088, %parallel_loop3A_1089 : i32
        %parallel_loop3A_1091 = arith.constant 1 : i32
        %parallel_loop3A_1092 = arith.select %parallel_loop3A_1090, %parallel_loop3A_1091, %parallel_loop3A_1088 : i32
        %parallel_loop3A_1093 = vector.broadcast %parallel_loop3A_1092 : i32 to vector<16xi32>
        %parallel_loop3A_1094 = arith.remsi %parallel_loop3A_390, %parallel_loop3A_1093 : vector<16xi32>
        %parallel_loop3A_1095 = arith.constant 0 : i32
        %parallel_loop3A_1096 = vector.broadcast %parallel_loop3A_1095 : i32 to vector<16xi32>
        %parallel_loop3A_1097 = arith.cmpi ne, %parallel_loop3A_1094, %parallel_loop3A_1096 : vector<16xi32>
        %parallel_loop3A_1098 = arith.constant 0 : i32
        %parallel_loop3A_1099 = vector.broadcast %parallel_loop3A_1098 : i32 to vector<16xi32>
        %parallel_loop3A_1100 = arith.cmpi slt, %parallel_loop3A_1094, %parallel_loop3A_1099 : vector<16xi32>
        %parallel_loop3A_1101 = arith.constant 0 : i32
        %parallel_loop3A_1102 = arith.cmpi slt, %parallel_loop3A_1092, %parallel_loop3A_1101 : i32
        %parallel_loop3A_1103 = vector.broadcast %parallel_loop3A_1102 : i1 to vector<16xi1>
        %parallel_loop3A_1104 = vector.broadcast %parallel_loop3A_1103 : vector<16xi1> to vector<16xi1>
        %parallel_loop3A_1105 = arith.xori %parallel_loop3A_1100, %parallel_loop3A_1104 : vector<16xi1>
        %parallel_loop3A_1106 = arith.andi %parallel_loop3A_1105, %parallel_loop3A_1097 : vector<16xi1>
        %parallel_loop3A_1107 = vector.broadcast %parallel_loop3A_1092 : i32 to vector<16xi32>
        %parallel_loop3A_1108 = arith.addi %parallel_loop3A_1094, %parallel_loop3A_1107 : vector<16xi32>
        %parallel_loop3A_1109 = arith.select %parallel_loop3A_1106, %parallel_loop3A_1108, %parallel_loop3A_1094 : vector<16xi1>, vector<16xi32>
        %parallel_loop3A_1110 = vector.shape_cast %parallel_loop3A_1109 : vector<16xi32> to vector<16x1xi32>
        %parallel_loop3A_1111 = vector.shape_cast %parallel_loop3A_1110 : vector<16x1xi32> to vector<16xi32>
        %parallel_loop3A_1112 = tpu.dynamic_gather %parallel_loop3A_1087[%parallel_loop3A_1111] in [0] : vector<16xf32>, vector<16xi32> -> vector<16xf32>
        %parallel_loop3A_1113 = arith.select %parallel_loop3A_394, %parallel_loop3A_1065, %parallel_loop3A_1112 : vector<16xi1>, vector<16xf32>
        %parallel_loop3A_1114 = arith.constant 2048 : i32
        %parallel_loop3A_1115 = arith.subi %parallel_loop3A_1114, %parallel_loop3A_380 : i32
        %parallel_loop3A_1116 = arith.constant 224 : i32
        %parallel_loop3A_1117 = arith.subi %parallel_loop3A_1115, %parallel_loop3A_1116 : i32
        %parallel_loop3A_1118 = vector.broadcast %parallel_loop3A_1117 : i32 to vector<16xi32>
        %parallel_loop3A_1119 = arith.cmpi slt, %add3A_334, %parallel_loop3A_1118 : vector<16xi32>
        %parallel_loop3A_1120 = arith.constant 0.000000e+00 : f32
        %parallel_loop3A_1121 = vector.broadcast %parallel_loop3A_1120 : f32 to vector<16xf32>
        %parallel_loop3A_1122 = arith.select %parallel_loop3A_1119, %parallel_loop3A_1113, %parallel_loop3A_1121 : vector<16xi1>, vector<16xf32>
        %parallel_loop3A_1123 = arith.addi %mul3A_332, %parallel_loop3A_380 : i32
        %parallel_loop3A_1124 = arith.index_cast %parallel_loop3A_1123 : i32 to index
        %parallel_loop3A_1125 = arith.constant 224 : index
        %parallel_loop3A_1126 = tpu.vector_load %arg6[%parallel_loop3A_1124, %parallel_loop3A_1125] {strides = array<i32>} : memref<256x256xf32, #tpu.memory_space<vmem>>, vector<1x16xf32>,
        %parallel_loop3A_1127 = vector.shape_cast %parallel_loop3A_1126 : vector<1x16xf32> to vector<16xf32>
        %parallel_loop3A_1128 = vector.shape_cast %parallel_loop3A_1122 : vector<16xf32> to vector<1x16xf32>
        tpu.vector_store %arg6[%parallel_loop3A_1124, %parallel_loop3A_1125], %parallel_loop3A_1128 {strides = array<i32>} : memref<256x256xf32, #tpu.memory_space<vmem>>, vector<1x16xf32>,
        %parallel_loop3A_1129 = arith.constant 256 : i32
        %parallel_loop3A_1130 = arith.addi %parallel_loop3A_385, %parallel_loop3A_1129 : i32
        %parallel_loop3A_1131 = arith.index_cast %parallel_loop3A_380 : i32 to index
        %parallel_loop3A_1132 = arith.index_cast %parallel_loop3A_1130 : i32 to index
        %parallel_loop3A_1133 = tpu.vector_load %arg5[%parallel_loop3A_1131, %parallel_loop3A_1132] {strides = array<i32>} : memref<32x640xf32, #tpu.memory_space<vmem>>, vector<1x16xf32>,
        %parallel_loop3A_1134 = vector.shape_cast %parallel_loop3A_1133 : vector<1x16xf32> to vector<16xf32>
        %parallel_loop3A_1135 = arith.constant 16 : i32
        %parallel_loop3A_1136 = arith.constant 0 : i32
        %parallel_loop3A_1137 = arith.cmpi eq, %parallel_loop3A_1135, %parallel_loop3A_1136 : i32
        %parallel_loop3A_1138 = arith.constant 1 : i32
        %parallel_loop3A_1139 = arith.select %parallel_loop3A_1137, %parallel_loop3A_1138, %parallel_loop3A_1135 : i32
        %parallel_loop3A_1140 = vector.broadcast %parallel_loop3A_1139 : i32 to vector<16xi32>
        %parallel_loop3A_1141 = arith.remsi %parallel_loop3A_390, %parallel_loop3A_1140 : vector<16xi32>
        %parallel_loop3A_1142 = arith.constant 0 : i32
        %parallel_loop3A_1143 = vector.broadcast %parallel_loop3A_1142 : i32 to vector<16xi32>
        %parallel_loop3A_1144 = arith.cmpi ne, %parallel_loop3A_1141, %parallel_loop3A_1143 : vector<16xi32>
        %parallel_loop3A_1145 = arith.constant 0 : i32
        %parallel_loop3A_1146 = vector.broadcast %parallel_loop3A_1145 : i32 to vector<16xi32>
        %parallel_loop3A_1147 = arith.cmpi slt, %parallel_loop3A_1141, %parallel_loop3A_1146 : vector<16xi32>
        %parallel_loop3A_1148 = arith.constant 0 : i32
        %parallel_loop3A_1149 = arith.cmpi slt, %parallel_loop3A_1139, %parallel_loop3A_1148 : i32
        %parallel_loop3A_1150 = vector.broadcast %parallel_loop3A_1149 : i1 to vector<16xi1>
        %parallel_loop3A_1151 = vector.broadcast %parallel_loop3A_1150 : vector<16xi1> to vector<16xi1>
        %parallel_loop3A_1152 = arith.xori %parallel_loop3A_1147, %parallel_loop3A_1151 : vector<16xi1>
        %parallel_loop3A_1153 = arith.andi %parallel_loop3A_1152, %parallel_loop3A_1144 : vector<16xi1>
        %parallel_loop3A_1154 = vector.broadcast %parallel_loop3A_1139 : i32 to vector<16xi32>
        %parallel_loop3A_1155 = arith.addi %parallel_loop3A_1141, %parallel_loop3A_1154 : vector<16xi32>
        %parallel_loop3A_1156 = arith.select %parallel_loop3A_1153, %parallel_loop3A_1155, %parallel_loop3A_1141 : vector<16xi1>, vector<16xi32>
        %parallel_loop3A_1157 = vector.shape_cast %parallel_loop3A_1156 : vector<16xi32> to vector<16x1xi32>
        %parallel_loop3A_1158 = vector.shape_cast %parallel_loop3A_1157 : vector<16x1xi32> to vector<16xi32>
        %parallel_loop3A_1159 = tpu.dynamic_gather %parallel_loop3A_1134[%parallel_loop3A_1158] in [0] : vector<16xf32>, vector<16xi32> -> vector<16xf32>
        %parallel_loop3A_1160 = arith.select %parallel_loop3A_394, %parallel_loop3A_1112, %parallel_loop3A_1159 : vector<16xi1>, vector<16xf32>
        %parallel_loop3A_1161 = arith.constant 2048 : i32
        %parallel_loop3A_1162 = arith.subi %parallel_loop3A_1161, %parallel_loop3A_380 : i32
        %parallel_loop3A_1163 = arith.constant 240 : i32
        %parallel_loop3A_1164 = arith.subi %parallel_loop3A_1162, %parallel_loop3A_1163 : i32
        %parallel_loop3A_1165 = vector.broadcast %parallel_loop3A_1164 : i32 to vector<16xi32>
        %parallel_loop3A_1166 = arith.cmpi slt, %add3A_334, %parallel_loop3A_1165 : vector<16xi32>
        %parallel_loop3A_1167 = arith.constant 0.000000e+00 : f32
        %parallel_loop3A_1168 = vector.broadcast %parallel_loop3A_1167 : f32 to vector<16xf32>
        %parallel_loop3A_1169 = arith.select %parallel_loop3A_1166, %parallel_loop3A_1160, %parallel_loop3A_1168 : vector<16xi1>, vector<16xf32>
        %parallel_loop3A_1170 = arith.addi %mul3A_332, %parallel_loop3A_380 : i32
        %parallel_loop3A_1171 = arith.index_cast %parallel_loop3A_1170 : i32 to index
        %parallel_loop3A_1172 = arith.constant 240 : index
        %parallel_loop3A_1173 = tpu.vector_load %arg6[%parallel_loop3A_1171, %parallel_loop3A_1172] {strides = array<i32>} : memref<256x256xf32, #tpu.memory_space<vmem>>, vector<1x16xf32>,
        %parallel_loop3A_1174 = vector.shape_cast %parallel_loop3A_1173 : vector<1x16xf32> to vector<16xf32>
        %parallel_loop3A_1175 = vector.shape_cast %parallel_loop3A_1169 : vector<16xf32> to vector<1x16xf32>
        tpu.vector_store %arg6[%parallel_loop3A_1171, %parallel_loop3A_1172], %parallel_loop3A_1175 {strides = array<i32>} : memref<256x256xf32, #tpu.memory_space<vmem>>, vector<1x16xf32>,
      } {sc.loop_unroll_factor = 8 : i64, sc.parallel_access}
      %add3A_338 = arith.constant 2 : i32
      %add3A_339 = arith.addi %add3A_302, %add3A_338 : i32
      %min3A_340 = arith.constant 7 : i32
      %min3A_341 = arith.minsi %add3A_339, %min3A_340 : i32
      %mul3A_342 = arith.constant 32 : i32
      %mul3A_343 = arith.muli %mul3A_342, %min3A_341 : i32
      %add3A_344 = arith.addi %add3A, %mul3A_343 : i32
      %mul3A_345 = arith.constant 32 : i32
      %mul3A_346 = arith.muli %add3A_344, %mul3A_345 : i32
      %multiple_of3A_347 = tpu.assume_multiple %mul3A_346, 32 : i32
      %rem3A_348 = arith.constant 2048 : i32
      %rem3A_349 = arith.remsi %multiple_of3A_347, %rem3A_348 : i32
      %rem3A_350 = arith.constant 128 : i32
      %rem3A_351 = arith.remsi %rem3A_349, %rem3A_350 : i32
      %sub3A_352 = arith.subi %rem3A_349, %rem3A_351 : i32
      %min3A_353 = arith.constant 1664 : i32
      %min3A_354 = arith.minsi %sub3A_352, %min3A_353 : i32
      %multiple_of3A_355 = tpu.assume_multiple %min3A_354, 128 : i32
      %dma_start3A_356 = arith.constant 0 : i32
      %dma_start3A_357 = arith.constant 0 : i32
      %dma_start3A_358 = tpu.memref_slice %arg5[%dma_start3A_356, %dma_start3A_357] : memref<32x640xf32, #tpu.memory_space<vmem>> -> memref<32x384xf32, #tpu.memory_space<vmem>>
      %dma_start3A_359 = tpu.memref_slice %arg2[%multiple_of3A_347, %multiple_of3A_355] : memref<8192x2048xf32, #tpu.memory_space<hbm>> -> memref<32x384xf32, #tpu.memory_space<hbm>>
      %dma_start3A_360 = arith.constant 0 : i32
      %dma_start3A_361 = arith.constant 0 : i32
      %dma_start3A_362 = tpu.memref_slice %arg5[%dma_start3A_360, %dma_start3A_361] : memref<32x640xf32, #tpu.memory_space<vmem>> -> memref<32x384xf32, #tpu.memory_space<vmem>>
      %dma_start3A_363 = tpu.memref_slice %arg2[%multiple_of3A_347, %multiple_of3A_355] : memref<8192x2048xf32, #tpu.memory_space<hbm>> -> memref<32x384xf32, #tpu.memory_space<hbm>>
      tpu.enqueue_dma source(%dma_start3A_363 : memref<32x384xf32, #tpu.memory_space<hbm>>) target(%dma_start3A_362 : memref<32x384xf32, #tpu.memory_space<vmem>>) target_semaphore(%arg8 : memref<!tpu.dma_semaphore, #tpu.memory_space<semaphore_mem>>)
      %mul3A_364 = arith.constant 32 : i32
      %mul3A_365 = arith.muli %mul3A_364, %add3A_302 : i32
      %add3A_366 = arith.addi %add3A, %mul3A_365 : i32
      %mul3A_367 = arith.constant 32 : i32
      %mul3A_368 = arith.muli %add3A_366, %mul3A_367 : i32
      %multiple_of3A_369 = tpu.assume_multiple %mul3A_368, 32 : i32
      %mul3A_370 = arith.constant 32 : i32
      %mul3A_371 = arith.muli %add3A_302, %mul3A_370 : i32
      %dma_start3A_372 = arith.constant 0 : i32
      %dma_start3A_373 = tpu.memref_slice %arg6[%mul3A_371, %dma_start3A_372] : memref<256x256xf32, #tpu.memory_space<vmem>> -> memref<32x256xf32, #tpu.memory_space<vmem>>
      %dma_start3A_374 = arith.constant 0 : i32
      %dma_start3A_375 = tpu.memref_slice %arg3[%multiple_of3A_369, %dma_start3A_374] : memref<8192x256xf32, #tpu.memory_space<hbm>> -> memref<32x256xf32, #tpu.memory_space<hbm>>
      %dma_start3A_376 = arith.constant 0 : i32
      %dma_start3A_377 = tpu.memref_slice %arg3[%multiple_of3A_369, %dma_start3A_376] : memref<8192x256xf32, #tpu.memory_space<hbm>> -> memref<32x256xf32, #tpu.memory_space<hbm>>
      %dma_start3A_378 = arith.constant 0 : i32
      %dma_start3A_379 = tpu.memref_slice %arg6[%mul3A_371, %dma_start3A_378] : memref<256x256xf32, #tpu.memory_space<vmem>> -> memref<32x256xf32, #tpu.memory_space<vmem>>
      tpu.enqueue_dma source(%dma_start3A_379 : memref<32x256xf32, #tpu.memory_space<vmem>>) target(%dma_start3A_377 : memref<32x256xf32, #tpu.memory_space<hbm>>) target_semaphore(%arg9 : memref<!tpu.dma_semaphore, #tpu.memory_space<semaphore_mem>>)
    }
    %scan3A_50 = arith.constant 4 : i32
    %dma_wait3A = arith.constant 0 : i32
    %dma_wait3A_51 = arith.constant 0 : i32
    %dma_wait3A_52 = tpu.memref_slice %arg4[%dma_wait3A, %dma_wait3A_51] : memref<32x640xf32, #tpu.memory_space<vmem>> -> memref<32x384xf32, #tpu.memory_space<vmem>>
    %dma_wait3A_53 = arith.constant 0 : i32
    %dma_wait3A_54 = arith.constant 0 : i32
    %dma_wait3A_55 = tpu.memref_slice %arg2[%dma_wait3A_53, %dma_wait3A_54] : memref<8192x2048xf32, #tpu.memory_space<hbm>> -> memref<32x384xf32, #tpu.memory_space<hbm>>
    %dma_wait3A_56 = arith.constant 0 : i32
    %dma_wait3A_57 = arith.constant 0 : i32
    %dma_wait3A_58 = tpu.memref_slice %arg4[%dma_wait3A_56, %dma_wait3A_57] : memref<32x640xf32, #tpu.memory_space<vmem>> -> memref<32x384xf32, #tpu.memory_space<vmem>>
    %dma_wait3A_59 = arith.constant 0 : i32
    %dma_wait3A_60 = arith.constant 0 : i32
    %dma_wait3A_61 = tpu.memref_slice %arg2[%dma_wait3A_59, %dma_wait3A_60] : memref<8192x2048xf32, #tpu.memory_space<hbm>> -> memref<32x384xf32, #tpu.memory_space<hbm>>
    tpu.wait_dma2 semaphore(%arg7 : memref<!tpu.dma_semaphore, #tpu.memory_space<semaphore_mem>>) src(%dma_wait3A_61 : memref<32x384xf32, #tpu.memory_space<hbm>>) dst(%dma_wait3A_58 : memref<32x384xf32, #tpu.memory_space<vmem>>)
    %dma_wait3A_62 = arith.constant 0 : i32
    %dma_wait3A_63 = arith.constant 0 : i32
    %dma_wait3A_64 = tpu.memref_slice %arg5[%dma_wait3A_62, %dma_wait3A_63] : memref<32x640xf32, #tpu.memory_space<vmem>> -> memref<32x384xf32, #tpu.memory_space<vmem>>
    %dma_wait3A_65 = arith.constant 0 : i32
    %dma_wait3A_66 = arith.constant 0 : i32
    %dma_wait3A_67 = tpu.memref_slice %arg2[%dma_wait3A_65, %dma_wait3A_66] : memref<8192x2048xf32, #tpu.memory_space<hbm>> -> memref<32x384xf32, #tpu.memory_space<hbm>>
    %dma_wait3A_68 = arith.constant 0 : i32
    %dma_wait3A_69 = arith.constant 0 : i32
    %dma_wait3A_70 = tpu.memref_slice %arg5[%dma_wait3A_68, %dma_wait3A_69] : memref<32x640xf32, #tpu.memory_space<vmem>> -> memref<32x384xf32, #tpu.memory_space<vmem>>
    %dma_wait3A_71 = arith.constant 0 : i32
    %dma_wait3A_72 = arith.constant 0 : i32
    %dma_wait3A_73 = tpu.memref_slice %arg2[%dma_wait3A_71, %dma_wait3A_72] : memref<8192x2048xf32, #tpu.memory_space<hbm>> -> memref<32x384xf32, #tpu.memory_space<hbm>>
    tpu.wait_dma2 semaphore(%arg8 : memref<!tpu.dma_semaphore, #tpu.memory_space<semaphore_mem>>) src(%dma_wait3A_73 : memref<32x384xf32, #tpu.memory_space<hbm>>) dst(%dma_wait3A_70 : memref<32x384xf32, #tpu.memory_space<vmem>>)
    %mul3A_74 = arith.constant 32 : i32
    %mul3A_75 = arith.constant 0 : i32
    %mul3A_76 = arith.muli %mul3A_74, %mul3A_75 : i32
    %add3A_77 = arith.addi %add3A, %mul3A_76 : i32
    %mul3A_78 = arith.constant 32 : i32
    %mul3A_79 = arith.muli %add3A_77, %mul3A_78 : i32
    %multiple_of3A_80 = tpu.assume_multiple %mul3A_79, 32 : i32
    %mul3A_81 = arith.constant 0 : i32
    %mul3A_82 = arith.constant 32 : i32
    %mul3A_83 = arith.muli %mul3A_81, %mul3A_82 : i32
    %dma_wait3A_84 = arith.constant 0 : i32
    %dma_wait3A_85 = tpu.memref_slice %arg6[%mul3A_83, %dma_wait3A_84] : memref<256x256xf32, #tpu.memory_space<vmem>> -> memref<32x256xf32, #tpu.memory_space<vmem>>
    %dma_wait3A_86 = arith.constant 0 : i32
    %dma_wait3A_87 = tpu.memref_slice %arg3[%multiple_of3A_80, %dma_wait3A_86] : memref<8192x256xf32, #tpu.memory_space<hbm>> -> memref<32x256xf32, #tpu.memory_space<hbm>>
    %dma_wait3A_88 = arith.constant 0 : i32
    %dma_wait3A_89 = tpu.memref_slice %arg3[%multiple_of3A_80, %dma_wait3A_88] : memref<8192x256xf32, #tpu.memory_space<hbm>> -> memref<32x256xf32, #tpu.memory_space<hbm>>
    %dma_wait3A_90 = arith.constant 0 : i32
    %dma_wait3A_91 = tpu.memref_slice %arg6[%mul3A_83, %dma_wait3A_90] : memref<256x256xf32, #tpu.memory_space<vmem>> -> memref<32x256xf32, #tpu.memory_space<vmem>>
    tpu.wait_dma2 semaphore(%arg9 : memref<!tpu.dma_semaphore, #tpu.memory_space<semaphore_mem>>) src(%dma_wait3A_91 : memref<32x256xf32, #tpu.memory_space<vmem>>) dst(%dma_wait3A_89 : memref<32x256xf32, #tpu.memory_space<hbm>>)
    %mul3A_92 = arith.constant 32 : i32
    %mul3A_93 = arith.constant 1 : i32
    %mul3A_94 = arith.muli %mul3A_92, %mul3A_93 : i32
    %add3A_95 = arith.addi %add3A, %mul3A_94 : i32
    %mul3A_96 = arith.constant 32 : i32
    %mul3A_97 = arith.muli %add3A_95, %mul3A_96 : i32
    %multiple_of3A_98 = tpu.assume_multiple %mul3A_97, 32 : i32
    %mul3A_99 = arith.constant 1 : i32
    %mul3A_100 = arith.constant 32 : i32
    %mul3A_101 = arith.muli %mul3A_99, %mul3A_100 : i32
    %dma_wait3A_102 = arith.constant 0 : i32
    %dma_wait3A_103 = tpu.memref_slice %arg6[%mul3A_101, %dma_wait3A_102] : memref<256x256xf32, #tpu.memory_space<vmem>> -> memref<32x256xf32, #tpu.memory_space<vmem>>
    %dma_wait3A_104 = arith.constant 0 : i32
    %dma_wait3A_105 = tpu.memref_slice %arg3[%multiple_of3A_98, %dma_wait3A_104] : memref<8192x256xf32, #tpu.memory_space<hbm>> -> memref<32x256xf32, #tpu.memory_space<hbm>>
    %dma_wait3A_106 = arith.constant 0 : i32
    %dma_wait3A_107 = tpu.memref_slice %arg3[%multiple_of3A_98, %dma_wait3A_106] : memref<8192x256xf32, #tpu.memory_space<hbm>> -> memref<32x256xf32, #tpu.memory_space<hbm>>
    %dma_wait3A_108 = arith.constant 0 : i32
    %dma_wait3A_109 = tpu.memref_slice %arg6[%mul3A_101, %dma_wait3A_108] : memref<256x256xf32, #tpu.memory_space<vmem>> -> memref<32x256xf32, #tpu.memory_space<vmem>>
    tpu.wait_dma2 semaphore(%arg9 : memref<!tpu.dma_semaphore, #tpu.memory_space<semaphore_mem>>) src(%dma_wait3A_109 : memref<32x256xf32, #tpu.memory_space<vmem>>) dst(%dma_wait3A_107 : memref<32x256xf32, #tpu.memory_space<hbm>>)
    %mul3A_110 = arith.constant 32 : i32
    %mul3A_111 = arith.constant 2 : i32
    %mul3A_112 = arith.muli %mul3A_110, %mul3A_111 : i32
    %add3A_113 = arith.addi %add3A, %mul3A_112 : i32
    %mul3A_114 = arith.constant 32 : i32
    %mul3A_115 = arith.muli %add3A_113, %mul3A_114 : i32
    %multiple_of3A_116 = tpu.assume_multiple %mul3A_115, 32 : i32
    %mul3A_117 = arith.constant 2 : i32
    %mul3A_118 = arith.constant 32 : i32
    %mul3A_119 = arith.muli %mul3A_117, %mul3A_118 : i32
    %dma_wait3A_120 = arith.constant 0 : i32
    %dma_wait3A_121 = tpu.memref_slice %arg6[%mul3A_119, %dma_wait3A_120] : memref<256x256xf32, #tpu.memory_space<vmem>> -> memref<32x256xf32, #tpu.memory_space<vmem>>
    %dma_wait3A_122 = arith.constant 0 : i32
    %dma_wait3A_123 = tpu.memref_slice %arg3[%multiple_of3A_116, %dma_wait3A_122] : memref<8192x256xf32, #tpu.memory_space<hbm>> -> memref<32x256xf32, #tpu.memory_space<hbm>>
    %dma_wait3A_124 = arith.constant 0 : i32
    %dma_wait3A_125 = tpu.memref_slice %arg3[%multiple_of3A_116, %dma_wait3A_124] : memref<8192x256xf32, #tpu.memory_space<hbm>> -> memref<32x256xf32, #tpu.memory_space<hbm>>
    %dma_wait3A_126 = arith.constant 0 : i32
    %dma_wait3A_127 = tpu.memref_slice %arg6[%mul3A_119, %dma_wait3A_126] : memref<256x256xf32, #tpu.memory_space<vmem>> -> memref<32x256xf32, #tpu.memory_space<vmem>>
    tpu.wait_dma2 semaphore(%arg9 : memref<!tpu.dma_semaphore, #tpu.memory_space<semaphore_mem>>) src(%dma_wait3A_127 : memref<32x256xf32, #tpu.memory_space<vmem>>) dst(%dma_wait3A_125 : memref<32x256xf32, #tpu.memory_space<hbm>>)
    %mul3A_128 = arith.constant 32 : i32
    %mul3A_129 = arith.constant 3 : i32
    %mul3A_130 = arith.muli %mul3A_128, %mul3A_129 : i32
    %add3A_131 = arith.addi %add3A, %mul3A_130 : i32
    %mul3A_132 = arith.constant 32 : i32
    %mul3A_133 = arith.muli %add3A_131, %mul3A_132 : i32
    %multiple_of3A_134 = tpu.assume_multiple %mul3A_133, 32 : i32
    %mul3A_135 = arith.constant 3 : i32
    %mul3A_136 = arith.constant 32 : i32
    %mul3A_137 = arith.muli %mul3A_135, %mul3A_136 : i32
    %dma_wait3A_138 = arith.constant 0 : i32
    %dma_wait3A_139 = tpu.memref_slice %arg6[%mul3A_137, %dma_wait3A_138] : memref<256x256xf32, #tpu.memory_space<vmem>> -> memref<32x256xf32, #tpu.memory_space<vmem>>
    %dma_wait3A_140 = arith.constant 0 : i32
    %dma_wait3A_141 = tpu.memref_slice %arg3[%multiple_of3A_134, %dma_wait3A_140] : memref<8192x256xf32, #tpu.memory_space<hbm>> -> memref<32x256xf32, #tpu.memory_space<hbm>>
    %dma_wait3A_142 = arith.constant 0 : i32
    %dma_wait3A_143 = tpu.memref_slice %arg3[%multiple_of3A_134, %dma_wait3A_142] : memref<8192x256xf32, #tpu.memory_space<hbm>> -> memref<32x256xf32, #tpu.memory_space<hbm>>
    %dma_wait3A_144 = arith.constant 0 : i32
    %dma_wait3A_145 = tpu.memref_slice %arg6[%mul3A_137, %dma_wait3A_144] : memref<256x256xf32, #tpu.memory_space<vmem>> -> memref<32x256xf32, #tpu.memory_space<vmem>>
    tpu.wait_dma2 semaphore(%arg9 : memref<!tpu.dma_semaphore, #tpu.memory_space<semaphore_mem>>) src(%dma_wait3A_145 : memref<32x256xf32, #tpu.memory_space<vmem>>) dst(%dma_wait3A_143 : memref<32x256xf32, #tpu.memory_space<hbm>>)
    %mul3A_146 = arith.constant 32 : i32
    %mul3A_147 = arith.constant 4 : i32
    %mul3A_148 = arith.muli %mul3A_146, %mul3A_147 : i32
    %add3A_149 = arith.addi %add3A, %mul3A_148 : i32
    %mul3A_150 = arith.constant 32 : i32
    %mul3A_151 = arith.muli %add3A_149, %mul3A_150 : i32
    %multiple_of3A_152 = tpu.assume_multiple %mul3A_151, 32 : i32
    %mul3A_153 = arith.constant 4 : i32
    %mul3A_154 = arith.constant 32 : i32
    %mul3A_155 = arith.muli %mul3A_153, %mul3A_154 : i32
    %dma_wait3A_156 = arith.constant 0 : i32
    %dma_wait3A_157 = tpu.memref_slice %arg6[%mul3A_155, %dma_wait3A_156] : memref<256x256xf32, #tpu.memory_space<vmem>> -> memref<32x256xf32, #tpu.memory_space<vmem>>
    %dma_wait3A_158 = arith.constant 0 : i32
    %dma_wait3A_159 = tpu.memref_slice %arg3[%multiple_of3A_152, %dma_wait3A_158] : memref<8192x256xf32, #tpu.memory_space<hbm>> -> memref<32x256xf32, #tpu.memory_space<hbm>>
    %dma_wait3A_160 = arith.constant 0 : i32
    %dma_wait3A_161 = tpu.memref_slice %arg3[%multiple_of3A_152, %dma_wait3A_160] : memref<8192x256xf32, #tpu.memory_space<hbm>> -> memref<32x256xf32, #tpu.memory_space<hbm>>
    %dma_wait3A_162 = arith.constant 0 : i32
    %dma_wait3A_163 = tpu.memref_slice %arg6[%mul3A_155, %dma_wait3A_162] : memref<256x256xf32, #tpu.memory_space<vmem>> -> memref<32x256xf32, #tpu.memory_space<vmem>>
    tpu.wait_dma2 semaphore(%arg9 : memref<!tpu.dma_semaphore, #tpu.memory_space<semaphore_mem>>) src(%dma_wait3A_163 : memref<32x256xf32, #tpu.memory_space<vmem>>) dst(%dma_wait3A_161 : memref<32x256xf32, #tpu.memory_space<hbm>>)
    %mul3A_164 = arith.constant 32 : i32
    %mul3A_165 = arith.constant 5 : i32
    %mul3A_166 = arith.muli %mul3A_164, %mul3A_165 : i32
    %add3A_167 = arith.addi %add3A, %mul3A_166 : i32
    %mul3A_168 = arith.constant 32 : i32
    %mul3A_169 = arith.muli %add3A_167, %mul3A_168 : i32
    %multiple_of3A_170 = tpu.assume_multiple %mul3A_169, 32 : i32
    %mul3A_171 = arith.constant 5 : i32
    %mul3A_172 = arith.constant 32 : i32
    %mul3A_173 = arith.muli %mul3A_171, %mul3A_172 : i32
    %dma_wait3A_174 = arith.constant 0 : i32
    %dma_wait3A_175 = tpu.memref_slice %arg6[%mul3A_173, %dma_wait3A_174] : memref<256x256xf32, #tpu.memory_space<vmem>> -> memref<32x256xf32, #tpu.memory_space<vmem>>
    %dma_wait3A_176 = arith.constant 0 : i32
    %dma_wait3A_177 = tpu.memref_slice %arg3[%multiple_of3A_170, %dma_wait3A_176] : memref<8192x256xf32, #tpu.memory_space<hbm>> -> memref<32x256xf32, #tpu.memory_space<hbm>>
    %dma_wait3A_178 = arith.constant 0 : i32
    %dma_wait3A_179 = tpu.memref_slice %arg3[%multiple_of3A_170, %dma_wait3A_178] : memref<8192x256xf32, #tpu.memory_space<hbm>> -> memref<32x256xf32, #tpu.memory_space<hbm>>
    %dma_wait3A_180 = arith.constant 0 : i32
    %dma_wait3A_181 = tpu.memref_slice %arg6[%mul3A_173, %dma_wait3A_180] : memref<256x256xf32, #tpu.memory_space<vmem>> -> memref<32x256xf32, #tpu.memory_space<vmem>>
    tpu.wait_dma2 semaphore(%arg9 : memref<!tpu.dma_semaphore, #tpu.memory_space<semaphore_mem>>) src(%dma_wait3A_181 : memref<32x256xf32, #tpu.memory_space<vmem>>) dst(%dma_wait3A_179 : memref<32x256xf32, #tpu.memory_space<hbm>>)
    %mul3A_182 = arith.constant 32 : i32
    %mul3A_183 = arith.constant 6 : i32
    %mul3A_184 = arith.muli %mul3A_182, %mul3A_183 : i32
    %add3A_185 = arith.addi %add3A, %mul3A_184 : i32
    %mul3A_186 = arith.constant 32 : i32
    %mul3A_187 = arith.muli %add3A_185, %mul3A_186 : i32
    %multiple_of3A_188 = tpu.assume_multiple %mul3A_187, 32 : i32
    %mul3A_189 = arith.constant 6 : i32
    %mul3A_190 = arith.constant 32 : i32
    %mul3A_191 = arith.muli %mul3A_189, %mul3A_190 : i32
    %dma_wait3A_192 = arith.constant 0 : i32
    %dma_wait3A_193 = tpu.memref_slice %arg6[%mul3A_191, %dma_wait3A_192] : memref<256x256xf32, #tpu.memory_space<vmem>> -> memref<32x256xf32, #tpu.memory_space<vmem>>
    %dma_wait3A_194 = arith.constant 0 : i32
    %dma_wait3A_195 = tpu.memref_slice %arg3[%multiple_of3A_188, %dma_wait3A_194] : memref<8192x256xf32, #tpu.memory_space<hbm>> -> memref<32x256xf32, #tpu.memory_space<hbm>>
    %dma_wait3A_196 = arith.constant 0 : i32
    %dma_wait3A_197 = tpu.memref_slice %arg3[%multiple_of3A_188, %dma_wait3A_196] : memref<8192x256xf32, #tpu.memory_space<hbm>> -> memref<32x256xf32, #tpu.memory_space<hbm>>
    %dma_wait3A_198 = arith.constant 0 : i32
    %dma_wait3A_199 = tpu.memref_slice %arg6[%mul3A_191, %dma_wait3A_198] : memref<256x256xf32, #tpu.memory_space<vmem>> -> memref<32x256xf32, #tpu.memory_space<vmem>>
    tpu.wait_dma2 semaphore(%arg9 : memref<!tpu.dma_semaphore, #tpu.memory_space<semaphore_mem>>) src(%dma_wait3A_199 : memref<32x256xf32, #tpu.memory_space<vmem>>) dst(%dma_wait3A_197 : memref<32x256xf32, #tpu.memory_space<hbm>>)
    %mul3A_200 = arith.constant 32 : i32
    %mul3A_201 = arith.constant 7 : i32
    %mul3A_202 = arith.muli %mul3A_200, %mul3A_201 : i32
    %add3A_203 = arith.addi %add3A, %mul3A_202 : i32
    %mul3A_204 = arith.constant 32 : i32
    %mul3A_205 = arith.muli %add3A_203, %mul3A_204 : i32
    %multiple_of3A_206 = tpu.assume_multiple %mul3A_205, 32 : i32
    %mul3A_207 = arith.constant 7 : i32
    %mul3A_208 = arith.constant 32 : i32
    %mul3A_209 = arith.muli %mul3A_207, %mul3A_208 : i32
    %dma_wait3A_210 = arith.constant 0 : i32
    %dma_wait3A_211 = tpu.memref_slice %arg6[%mul3A_209, %dma_wait3A_210] : memref<256x256xf32, #tpu.memory_space<vmem>> -> memref<32x256xf32, #tpu.memory_space<vmem>>
    %dma_wait3A_212 = arith.constant 0 : i32
    %dma_wait3A_213 = tpu.memref_slice %arg3[%multiple_of3A_206, %dma_wait3A_212] : memref<8192x256xf32, #tpu.memory_space<hbm>> -> memref<32x256xf32, #tpu.memory_space<hbm>>
    %dma_wait3A_214 = arith.constant 0 : i32
    %dma_wait3A_215 = tpu.memref_slice %arg3[%multiple_of3A_206, %dma_wait3A_214] : memref<8192x256xf32, #tpu.memory_space<hbm>> -> memref<32x256xf32, #tpu.memory_space<hbm>>
    %dma_wait3A_216 = arith.constant 0 : i32
    %dma_wait3A_217 = tpu.memref_slice %arg6[%mul3A_209, %dma_wait3A_216] : memref<256x256xf32, #tpu.memory_space<vmem>> -> memref<32x256xf32, #tpu.memory_space<vmem>>
    tpu.wait_dma2 semaphore(%arg9 : memref<!tpu.dma_semaphore, #tpu.memory_space<semaphore_mem>>) src(%dma_wait3A_217 : memref<32x256xf32, #tpu.memory_space<vmem>>) dst(%dma_wait3A_215 : memref<32x256xf32, #tpu.memory_space<hbm>>)
    return
  }
}

</mosaic_0001>

<sc_bundles>
// kernel: _run.3.cloned.1.call-start
scs
__scs_entry_jumppad:
0x0: {  	(pc) =	sbr.rel $0x88, $3  }
0x1: {  	(tag) =	ssettag $0x0;
	lr =	simm.s32 $0x1  }
0x2: {  	[smem:$0x3FA0] =	sst lr;
	_ =	strace $0xD0000000  }
0x3: {  	_ = 	snop  }
0x4: {  	_ = 	snop  }
0x5: {  	_ = 	snop  }
0x6: {  	_ = 	snop  }
0x7: {  	_ = 	snop  }
__scs_overlays_trampoline_lowered:
0x8: {  	[smem:$0x3FAF] =	sst s0  }
0x9: {  	[smem:$0x3FB0] =	sst s1  }
0xa: {  	[smem:$0x3FB1] =	sst s2  }
0xb: {  	[smem:$0x3FB2] =	sst s3  }
0xc: {  	[smem:$0x3FB3] =	sst s4  }
0xd: {  	[smem:$0x3FB4] =	sst s5  }
0xe: {  	[smem:$0x3FB5] =	sst s6  }
0xf: {  	[smem:$0x3FB6] =	sst s7  }
0x10: {  	[smem:$0x3FB7] =	sst s8  }
0x11: {  	[smem:$0x3FB8] =	sst s9;
	s0 =	simm.s32 @!p0 $0x0  }
0x12: {  	s1 =	sld [smem:$0x3F9E];
	s0 =	simm.s32 @p0 $0x1  }
0x13: {  	[smem:$0x3FB9] =	sst s0;
	s0 =	simm.s32 @!p1 $0x0  }
0x14: {  	s2 =	sld [smem:$0x3F9D];
	s0 =	simm.s32 @p1 $0x1  }
0x15: {  	[smem:$0x3FBA] =	sst s0;
	s0 =	simm.s32 @!p2 $0x0  }
0x16: {  	s3 =	sld [smem:$0x3FDB];
	s0 =	simm.s32 @p2 $0x1  }
0x17: {  	s4 =	simm.s32 $0x1BF5;
	[smem:$0x3FBC] =	sst s0  }
0x18: {  	s0 =	sld [smem:$0x3F9F];
	_ =	swait.ge [sflag:s4], $0x0  }
0x19: {  	s7 =	sld [smem:$0x3FA0]  }
0x1a: {  	s8 =	sadd.s32 $0xFFFFE003, lr  }
0x1b: {  	s9 =	sadd.s32 $0xFFFFFEF7, lr;
	s5 =	simm.s32 $0xFFFFFFFF;
	p2 =	slt.u32 s8, $0xFFFFF086  }
0x1c: {  	p1 =	slt.u32 s9, $0xF7A;
	s5 =	simm.s32 @!p2 $0x0  }
0x1d: {  	s5 =	simm.s32 @p1 $0x1;
	p0 =	seq.s32 s7, s2  }
0x1e: {  	s7 =	smul.u32 @!p0 $0xF7A, s2;
	p2 =	seq.s32 @!p0 s5, $0x0  }
0x1f: {  	s9 =	smul.u32 $0xF7A, s1;
	s8 =	simm.s32 @!p0 $0x1BF5;
	p2 =	por !p2, p0  }
0x20: {  	[sflag:s8] =	ssyncset.s32 @!p0 $0xFFFFF086;
	s6 =	sadd.s32 @!p0 s3, s7;
	s7 =	simm.s32 @!p0 $0x108  }
0x21: {  	s3 =	sadd.s32 s3, s9;
	s6 =	sadd.s32 @!p0 $0x88, s6;
	s7 =	simm.s32 @p2 $0x1082  }
0x22: {  	[simem:s7], [sflag:s8] =	dma.local @!p0 [hbm:s6], $0xF7A  }
0x23: {  	s9 =	sor.u32 $0xD0000000, s2;
	s6 =	simm.s32 $0x108;
	_ =	swait.ge @!p0 [sflag:s8], $0x0  }
0x24: {  	s3 =	sadd.s32 $0x88, s3;
	s6 =	simm.s32 @!p1 $0x1082;
	[sflag:s4] =	ssyncset.s32 $0xFFFFF086  }
0x25: {  	[simem:s6], [sflag:s4] =	dma.local [hbm:s3], $0xF7A  }
0x26: {  	[smem:$0x3FA0] =	sst s1;
	(tag) =	ssettag s2;
	_ =	strace s9  }
0x27: {  	s1 =	sld [smem:$0x3FB0]  }
0x28: {  	s2 =	sld [smem:$0x3FB1]  }
0x29: {  	s4 =	sld [smem:$0x3FB3]  }
0x2a: {  	p0 =	seq.s32 s5, $0x0;
	s5 =	sld [smem:$0x3FB4]  }
0x2b: {  	s6 =	sld [smem:$0x3FB5]  }
0x2c: {  	s7 =	sld [smem:$0x3FB6]  }
0x2d: {  	s3 =	simm.s32 $0x108;
	s8 =	sld [smem:$0x3FB7]  }
0x2e: {  	s3 =	simm.s32 @!p0 $0x1082;
	s9 =	sld [smem:$0x3FB8]  }
0x2f: {  	lr =	sadd.s32 s0, s3;
	s0 =	sld [smem:$0x3FAF]  }
0x30: {  	s3 =	sld [smem:$0x3FB2]  }
0x31: {  	[smem:$0x3FBB] =	sst s10  }
0x32: {  	s10 =	sld [smem:$0x3FB9];
	_ =	sdelay $0x3  }
0x33: {  	p0 =	seq.s32 s10, $0x1;
	s10 =	sld [smem:$0x3FBB];
	_ =	sdelay $0x3  }
0x34: {  	[smem:$0x3FBB] =	sst s10  }
0x35: {  	s10 =	sld [smem:$0x3FBA];
	_ =	sdelay $0x3  }
0x36: {  	p1 =	seq.s32 s10, $0x1;
	s10 =	sld [smem:$0x3FBB];
	_ =	sdelay $0x3  }
0x37: {  	[smem:$0x3FBB] =	sst s10  }
0x38: {  	s10 =	sld [smem:$0x3FBC]  }
0x39: {  	_ = 	snop;
	(pc) =	sbr.ind lr, $3  }
0x3a: {  	_ = 	snop  }
0x3b: {  	_ = 	snop  }
0x3c: {  	p2 =	seq.s32 s10, $0x1;
	s10 =	sld [smem:$0x3FBB]  }
0x3d: {  	_ =	shalt  }
0x3e: {  	_ =	shalt  }
0x3f: {  	_ =	shalt  }
0x40: {  	_ =	shalt  }
0x41: {  	_ =	shalt  }
0x42: {  	_ =	shalt  }
0x43: {  	_ =	shalt  }
0x44: {  	_ =	shalt  }
0x45: {  	_ =	shalt  }
0x46: {  	_ =	shalt  }
0x47: {  	_ =	shalt  }
0x48: {  	_ =	shalt  }
0x49: {  	_ =	shalt  }
0x4a: {  	_ =	shalt  }
0x4b: {  	_ =	shalt  }
0x4c: {  	_ =	shalt  }
0x4d: {  	_ =	shalt  }
0x4e: {  	_ =	shalt  }
0x4f: {  	_ =	shalt  }
0x50: {  	_ =	shalt  }
0x51: {  	_ =	shalt  }
0x52: {  	_ =	shalt  }
0x53: {  	_ =	shalt  }
0x54: {  	_ =	shalt  }
0x55: {  	_ =	shalt  }
0x56: {  	_ =	shalt  }
0x57: {  	_ =	shalt  }
0x58: {  	_ =	shalt  }
0x59: {  	_ =	shalt  }
0x5a: {  	_ =	shalt  }
0x5b: {  	_ =	shalt  }
0x5c: {  	_ =	shalt  }
0x5d: {  	_ =	shalt  }
0x5e: {  	_ =	shalt  }
0x5f: {  	_ =	shalt  }
0x60: {  	_ =	shalt  }
0x61: {  	_ =	shalt  }
0x62: {  	_ =	shalt  }
0x63: {  	_ =	shalt  }
0x64: {  	_ =	shalt  }
0x65: {  	_ =	shalt  }
0x66: {  	_ =	shalt  }
0x67: {  	_ =	shalt  }
0x68: {  	_ =	shalt  }
0x69: {  	_ =	shalt  }
0x6a: {  	_ =	shalt  }
0x6b: {  	_ =	shalt  }
0x6c: {  	_ =	shalt  }
0x6d: {  	_ =	shalt  }
0x6e: {  	_ =	shalt  }
0x6f: {  	_ =	shalt  }
0x70: {  	_ =	shalt  }
0x71: {  	_ =	shalt  }
0x72: {  	_ =	shalt  }
0x73: {  	_ =	shalt  }
0x74: {  	_ =	shalt  }
0x75: {  	_ =	shalt  }
0x76: {  	_ =	shalt  }
0x77: {  	_ =	shalt  }
0x78: {  	_ =	shalt  }
0x79: {  	_ =	shalt  }
0x7a: {  	_ =	shalt  }
0x7b: {  	_ =	shalt  }
0x7c: {  	_ =	shalt  }
0x7d: {  	_ =	shalt  }
0x7e: {  	_ =	shalt  }
0x7f: {  	_ =	shalt  }
0x80: {  	_ =	shalt  }
0x81: {  	_ =	shalt  }
0x82: {  	_ =	shalt  }
0x83: {  	_ =	shalt  }
0x84: {  	_ =	shalt  }
0x85: {  	_ =	shalt  }
0x86: {  	_ =	shalt  }
0x87: {  	_ =	shalt  }
.Lfunc_end0:
.L_simem_size_0:
called_computation_lowered:
.L_overlay_start_0:
0x88: {  	s2 =	sld [smem:$0x3FD9]  }
0x89: {  	s3 =	sld [smem:$0x3FFE];
	_ =	sdelay $0x1  }
0x8a: {  	s1 =	srdreg.scid  }
0x8b: {  	s0 =	sand.u32 $0x1, s1  }
0x8c: {  	s18 =	sshll.u32 s0, $0xA;
	s2 =	sadd.s32 s3, s2  }
0x8d: {  	s2 =	sadd.s32 s2, s18  }
0x8e: {  	[smem:$0x3FC7] =	sst s2  }
0x8f: {  	_ = 	snop  }
0x90: {  	s2 =	sld [smem:$0x3FC9]  }
0x91: {  	s19 =	sld [smem:$0x3FD0];
	(tm) =	ssettm $0x1  }
0x92: {  	s4 =	sld [smem:$0x3FFB];
	_ =	sdelay $0x3  }
0x93: {  	_ =	strace s4  }
0x94: {  	s4 =	sld [smem:$0x3FFC];
	_ =	sdelay $0x3  }
0x95: {  	_ =	strace s4  }
0x96: {  	s4 =	sld [smem:$0x3FFD];
	_ =	sdelay $0x3  }
0x97: {  	_ =	strace s4  }
0x98: {  	_ =	strace $0x8FFFFFFF  }
0x99: {  	s20 =	sld [smem:$0x3FDB];
	_ =	sdelay $0x1  }
0x9a: {  	s5 =	simm.s32 $_scs_section_size  }
0x9b: {  	s6 =	simm.s32 $_size__tile_overlayer_lowered;
	s7 =	simm.s32 $_tile_overlayer_lowered  }
0x9c: {  	s23 =	simm.s32 $0x1BFF;
	s22 =	sshll.u32 s7, $0x1;
	s4 =	sadd.s32 s5, s20  }
0x9d: {  	s8 =	simm.s32 $0x0;
	s21 =	sshll.u32 s6, $0x1;
	s6 =	sadd.s32 s22, s4  }
0x9e: {  	[timem:s8], [sflag:s23] =	dma.local [hbm:s6], s21  }
0x9f: {  	_ =	swait.ge [sflag:s23], s21  }
0xa0: {  	s5 =	ssub.s32 $0x0, s21;
	[sflag:s23] =	ssyncset.done $0x0  }
0xa1: {  	[sflag:s23] =	ssyncadd.s32 s5;
	_ =	sdelay $0x1  }
0xa2: {  	s24 =	simm.s32 $0x1B8B  }
0xa3: {  	_ =	swait.ge [sflag:s24], $0x1  }
0xa4: {  	[sflag:s24] =	ssyncset.done $0x0  }
0xa5: {  	s25 =	simm.s32 $0x1B8E;
	[sflag:s24] =	ssyncadd.s32 $0xFFFFFFFF  }
0xa6: {  	s26 =	simm.s32 $execute0_lowered;
	[smem:$0x3FD2] =	sst s25  }
0xa7: {  	s5 =	sshll.u32 s26, $0x1;
	_ =	strace $0x80000046;
	[dreg:$0x1] =	wrdreg $0xFFFFFFFF  }
0xa8: {  	s28 =	simm.s32 $_size_execute0_lowered;
	s4 =	sadd.s32 s4, s5;
	[dreg:$0x0] =	wrdreg $0x0  }
0xa9: {  	s5 =	sshll.u32 s28, $0x1;
	[dreg:$0x2] =	wrdreg s4  }
0xaa: {  	[dreg:$0x3] =	wrdreg s5  }
0xab: {  	[dreg:$0x4] =	wrdreg $0xC0  }
0xac: {  	_ =	task [dreg:s8], $0x5FFFF  }
0xad: {  	[dreg:$0x1] =	wrdreg $0xFFFFFFFF  }
0xae: {  	[dreg:$0x0] =	wrdreg $0x60  }
0xaf: {  	[dreg:$0x2] =	wrdreg s2  }
0xb0: {  	[dreg:$0x3] =	wrdreg s19  }
0xb1: {  	[dreg:$0x4] =	wrdreg $0x9  }
0xb2: {  	_ =	task.clear_ibuf [dreg:s8], $0x5FFFF;
	_ =	strace $0x90000046  }
0xb3: {  	s29 =	simm.s32 $0x9;
	_ =	strace $0x80000048  }
0xb4: {  	_ =	swait.ge [sflag:s29], $0x1  }
0xb5: {  	[sflag:s29] =	ssyncadd.s32 $0xFFFFFFFF  }
0xb6: {  	_ =	strace $0x90000048  }
0xb7: {  	_ =	sfence  }
0xb8: {  	s30 =	sld [smem:$0x0];
	_ =	sdelay $0x2  }
0xb9: {  	s31 =	sshll.u32 s1, $0xD;
	s1 =	sshrl.u32 s1, $0x2  }
0xba: {  	s3 =	sand.u32 $0x4000, s31;
	s1 =	sadd.s32 s1, s30  }
0xbb: {  	s0 =	sor.u32 s3, s0;
	s1 =	sshll.u32 s1, $0x11  }
0xbc: {  	s0 =	sor.u32 s1, s0  }
0xbd: {  	s0 =	sadd.s32 $0x8F2B, s0  }
0xbe: {  	[sflag:s0] =	ssyncadd.remote.s32 $0x1  }
0xbf: {  	_ =	sfence.sel $0xFFFF  }
0xc0: {  	[dreg:$0x0] =	wrdreg $0xFFFFFFFF;
	(pc) =	sbr.abs _section_cstart, $3  }
0xc1: {  	[dreg:$0x1] =	wrdreg $0xFFFFFFFF  }
0xc2: {  	_ =	task.clear_ibuf [dreg:s8], $0x2FFFF;
	_ =	strace $0x9FFFFFFF  }
0xc3: {  	(tm) =	ssettm $0x7FFFFFFF  }
tec
execute0_lowered:
.L_overlay_start_1:
0x0: {  	(tag) =	ssettag $0x1  }
0x1: {  	s10 =	rddreg [dreg:$0x0]  }
0x2: {  	s17 =	rddreg [dreg:$0x1]  }
0x3: {  	s0 =	srdreg.scid;
	s9 =	stileid.u32  }
0x4: {  	s4 =	simm.s32 $0x0;
	s0 =	sand.u32 $0x1, s0;
	s1 =	sshll.u32 s9, $0x1  }
0x5: {  	[smem:$0x7FF] =	sst s4;
	s20 =	sshll.u32 s9, $0x6;
	s5 =	sor.u32 s0, s1  }
0x6: {  	_ =	strace $0x80000047;
	s0 =	ssub.s32 $0x2, s0;
	s1 =	sshll.u32 s5, $0x5  }
0x7: {  	s2 =	sshrl.u32 s0, $0x1;
	s8 =	sshll.u32 s5, $0xD;
	s3 =	sor.u32 $0x400, s1  }
0x8: {  	s6 =	sand.u32 $0x60, s1;
	s0 =	ssub.s32 s0, s2;
	s19 =	sand.u32 $0x380, s1  }
0x9: {  	s8 =	sadd.s32 s10, s8;
	s21 =	sor.u32 $0x800, s1;
	s22 =	sor.u32 $0xC00, s1  }
0xa: {  	s2 =	sand.u32 $0x380, s20;
	s7 =	ssub.s32 s3, s6;
	s3 =	sshll.u32 s3, $0x8  }
0xb: {  	s8 =	sadd.s32 s19, s8;
	[dreg:$0x6] =	wrdreg s21;
	s0 =	smax.u32 s0, $0x1  }
0xc: {  	s2 =	sor.u32 $0x400, s2;
	s26 =	sand.u32 $0x7E0, s22;
	[dreg:$0x7] =	wrdreg s0  }
0xd: {  	s7 =	smin.u32 s7, $0x680;
	s23 =	sadd.s32 $0x800, s8;
	[dreg:$0x4] =	wrdreg s8  }
0xe: {  	s3 =	sadd.s32 s10, s3;
	s24 =	sadd.s32 $0x1000, s8;
	[dreg:$0x8] =	wrdreg s23  }
0xf: {  	s25 =	sadd.s32 $0x1800, s8;
	s0 =	ssub.s32 s26, s6;
	[dreg:$0x9] =	wrdreg s24  }
0x10: {  	s2 =	smin.u32 s2, $0x680;
	s7 =	sand.u32 $0x780, s7;
	[dreg:$0xa] =	wrdreg s25  }
0x11: {  	s0 =	smin.u32 s0, $0x680;
	[dreg:$0xe] =	wrdreg s2;
	s7 =	sadd.s32 s7, s3  }
0x12: {  	s3 =	sshll.u32 s22, $0x8;
	s29 =	sadd.s32 $0x800, s7;
	[dreg:$0x5] =	wrdreg s7  }
0x13: {  	s0 =	sand.u32 $0x780, s0;
	s30 =	sadd.s32 $0x1000, s7;
	[dreg:$0xb] =	wrdreg s29  }
0x14: {  	s7 =	sadd.s32 $0x1800, s7;
	s31 =	sadd.s32 s10, s3;
	[dreg:$0xc] =	wrdreg s30  }
0x15: {  	v0 =	vlaneseq.u32;
	[dreg:$0xd] =	wrdreg s7;
	s0 =	sadd.s32 s0, s31  }
0x16: {  	s28 =	simm.s32 $0x2;
	v1 =	vor.u32 s1, v0;
	s2 =	simm.s32 $0x0;
	[dreg:$0xf] =	wrdreg s0  }
.LBB2_1:
0x17: {  	[dreg:$0x10] =	wrdreg s2  }
0x18: {  	s0 =	rddreg [dreg:$0x4]  }
0x19: {  	[tilespmem:s4], [sflag:$0x1] =	stream.linear.gather [hbm4b:s0+s4], $0xC00, $0x38;
	[tilespmem:$0x1A000] =	vst v63  }
0x1a: {  	s15 =	rddreg [dreg:$0x8];
	s1 =	simm.s32 $0x1400  }
0x1b: {  	[tilespmem:s1], [sflag:$0x1] =	stream.linear.gather [hbm4b:s15+s4], $0xC00, $0x38;
	[tilespmem:$0x1A000] =	vst v63  }
0x1c: {  	s16 =	rddreg [dreg:$0x9];
	s18 =	simm.s32 $0x2800  }
0x1d: {  	[tilespmem:s18], [sflag:$0x1] =	stream.linear.gather [hbm4b:s16+s4], $0xC00, $0x38;
	[tilespmem:$0x1A000] =	vst v63  }
0x1e: {  	s19 =	rddreg [dreg:$0xa];
	s20 =	simm.s32 $0x3C00  }
0x1f: {  	[tilespmem:s20], [sflag:$0x1] =	stream.linear.gather [hbm4b:s19+s4], $0xC00, $0x38;
	[tilespmem:$0x1A000] =	vst v63  }
0x20: {  	s21 =	rddreg [dreg:$0x5];
	s22 =	simm.s32 $0x5000  }
0x21: {  	[tilespmem:s22], [sflag:$0x2] =	stream.linear.gather [hbm4b:s21+s4], $0xC00, $0x38;
	[tilespmem:$0x1A000] =	vst v63  }
0x22: {  	s23 =	rddreg [dreg:$0xb];
	s24 =	simm.s32 $0x6400  }
0x23: {  	[tilespmem:s24], [sflag:$0x2] =	stream.linear.gather [hbm4b:s23+s4], $0xC00, $0x38;
	[tilespmem:$0x1A000] =	vst v63  }
0x24: {  	s25 =	rddreg [dreg:$0xc];
	s26 =	simm.s32 $0x7800  }
0x25: {  	[tilespmem:s26], [sflag:$0x2] =	stream.linear.gather [hbm4b:s25+s4], $0xC00, $0x38;
	[tilespmem:$0x1A000] =	vst v63  }
0x26: {  	s29 =	rddreg [dreg:$0xd];
	s30 =	simm.s32 $0x8C00;
	s31 =	simm.s32 $0x0  }
0x27: {  	[tilespmem:s30], [sflag:$0x2] =	stream.linear.gather [hbm4b:s29+s4], $0xC00, $0x38;
	[tilespmem:$0x1A000] =	vst v63  }
.LBB2_2:
0x28: {  	s0 =	simm.s32 $0x1  }
0x29: {  	_ =	swait.ge [sflag:s0], $0x3000  }
0x2a: {  	[sflag:s0] =	ssyncset.done $0x0  }
0x2b: {  	s1 =	sshll.u32 s31, $0x6;
	[sflag:s0] =	ssyncadd.s32 $0xFFFFD000;
	s0 =	simm.s32 $0x0  }
.LBB2_3:
0x2c: {  	s2 =	sand.u32 $0x10, s0  }
0x2d: {  	s21 =	sshrl.u32 s0, $0x3;
	s13 =	sor.u32 s6, s2  }
0x2e: {  	s2 =	smul.u32 $0x5000, s21;
	s3 =	sadd.s32 $0x10, s13  }
0x2f: {  	s7 =	sshll.u32 s3, $0x3  }
0x30: {  	s12 =	sshra.s32 s2, $0x2;
	s22 =	sand.u32 $0x400, s7  }
0x31: {  	s3 =	sand.u32 $0x70, s3;
	s11 =	sor.u32 s13, s12;
	s2 =	sadd.s32 s22, s12  }
0x32: {  	v3 =	vld [tilespmem:s11+$0x0];
	s7 =	sor.u32 s3, s2  }
0x33: {  	v4 =	vld [tilespmem:s7+$0x0];
	_ =	sdelay $0x1  }
0x34: {  	s8 =	sand.u32 $0x8, s0  }
0x35: {  	v2 =	vadd.s32 s8, v0  }
0x36: {  	s23 =	ssub.s32 $0x10, s8;
	v2 =	vand.u32 $0xF, v2  }
0x37: {  	v5 =	vmov s23;
	s24 =	sadd.s32 $0x20, s13;
	v3 =	vperm.xlane v3, v2;
	v4 =	vperm.xlane v4, v2  }
0x38: {  	s25 =	ssub.s32 $0x800, s0;
	s10 =	sadd.s32 s1, s0;
	vm0 =	vgt.u32 v5, v0;
	s14 =	sshll.u32 s24, $0x3  }
0x39: {  	vm1 =	vlt.u32 v1, s25;
	s26 =	sshll.u32 s10, $0x8;
	s14 =	sand.u32 $0x400, s14;
	v3 =	vsel vm0, v3, v4  }
0x3a: {  	s10 =	sand.u32 $0x3FFFFF00, s26;
	s29 =	sadd.s32 s14, s12;
	s2 =	sand.u32 $0x70, s24;
	v3 =	vnsel vm1, $0x0, v3  }
0x3b: {  	v36 =	vld [tilespmem:s11+$0x80];
	s3 =	sor.u32 s2, s29;
	[tilespmem:s10+$0xA000] =	vst v3  }
0x3c: {  	v3 =	vld [tilespmem:s3+$0x0]  }
0x3d: {  	v6 =	vld [tilespmem:s7+$0x80];
	_ =	sdelay $0x1  }
0x3e: {  	s30 =	sor.u32 $0x1, s8  }
0x3f: {  	v7 =	vadd.s32 s30, v0  }
0x40: {  	s18 =	sxor.u32 $0xF, s8;
	v8 =	vperm.xlane v3, v2;
	v3 =	vand.u32 $0xF, v7  }
0x41: {  	v37 =	vmov s18;
	v5 =	vperm.xlane v36, v3;
	v6 =	vperm.xlane v6, v3  }
0x42: {  	s20 =	sxor.u32 $0x7FF, s0;
	vm1 =	vgt.u32 v37, v0  }
0x43: {  	s15 =	ssub.s32 $0x7F0, s0;
	vm11 =	vlt.u32 v1, s20;
	v5 =	vsel vm1, v5, v6  }
0x44: {  	vm2 =	vlt.u32 v1, s15;
	v4 =	vsel vm0, v4, v8;
	v38 =	vnsel vm11, $0x0, v5  }
0x45: {  	v4 =	vnsel vm2, $0x0, v4;
	[tilespmem:s10+$0xA080] =	vst v38  }
0x46: {  	s9 =	sadd.s32 $0x30, s13;
	[tilespmem:s10+$0xA010] =	vst v4;
	v4 =	vld [tilespmem:s3+$0x80]  }
0x47: {  	s16 =	sshll.u32 s9, $0x3  }
0x48: {  	s19 =	sand.u32 $0x400, s16  }
0x49: {  	s14 =	sadd.s32 s19, s12;
	s2 =	sand.u32 $0x70, s9  }
0x4a: {  	s23 =	sor.u32 s2, s14  }
0x4b: {  	v39 =	vld [tilespmem:s23+$0x0];
	v4 =	vperm.xlane v4, v3  }
0x4c: {  	s26 =	ssub.s32 $0x7EF, s0  }
0x4d: {  	vm13 =	vlt.u32 v1, s26;
	v6 =	vsel vm1, v6, v4  }
0x4e: {  	v6 =	vnsel vm13, $0x0, v6  }
0x4f: {  	[tilespmem:s10+$0xA090] =	vst v6  }
0x50: {  	s21 =	sadd.s32 $0x40, s13;
	v5 =	vperm.xlane v39, v2;
	v6 =	vld [tilespmem:s23+$0x80]  }
0x51: {  	s22 =	ssub.s32 $0x7E0, s0;
	s24 =	sshll.u32 s21, $0x3  }
0x52: {  	vm12 =	vlt.u32 v1, s22;
	s25 =	sand.u32 $0x400, s24;
	v40 =	vsel vm0, v8, v5  }
0x53: {  	s2 =	sand.u32 $0x70, s21;
	s14 =	sadd.s32 s25, s12;
	v7 =	vnsel vm12, $0x0, v40  }
0x54: {  	s22 =	sor.u32 s2, s14;
	[tilespmem:s10+$0xA020] =	vst v7  }
0x55: {  	v7 =	vld [tilespmem:s22+$0x0];
	v6 =	vperm.xlane v6, v3  }
0x56: {  	s18 =	ssub.s32 $0x7DF, s0  }
0x57: {  	vm15 =	vlt.u32 v1, s18;
	v4 =	vsel vm1, v4, v6  }
0x58: {  	v4 =	vnsel vm15, $0x0, v4  }
0x59: {  	[tilespmem:s10+$0xA0A0] =	vst v4  }
0x5a: {  	s29 =	sadd.s32 $0x50, s13;
	v7 =	vperm.xlane v7, v2;
	v4 =	vld [tilespmem:s22+$0x80]  }
0x5b: {  	s30 =	ssub.s32 $0x7D0, s0;
	s9 =	sshll.u32 s29, $0x3  }
0x5c: {  	vm14 =	vlt.u32 v1, s30;
	s16 =	sand.u32 $0x400, s9;
	v5 =	vsel vm0, v5, v7  }
0x5d: {  	s2 =	sand.u32 $0x70, s29;
	s14 =	sadd.s32 s16, s12;
	v5 =	vnsel vm14, $0x0, v5  }
0x5e: {  	s21 =	sor.u32 s2, s14;
	[tilespmem:s10+$0xA030] =	vst v5  }
0x5f: {  	v5 =	vld [tilespmem:s21+$0x0];
	v4 =	vperm.xlane v4, v3  }
0x60: {  	s26 =	ssub.s32 $0x7CF, s0  }
0x61: {  	vm5 =	vlt.u32 v1, s26;
	v6 =	vsel vm1, v6, v4  }
0x62: {  	v6 =	vnsel vm5, $0x0, v6  }
0x63: {  	[tilespmem:s10+$0xA0B0] =	vst v6  }
0x64: {  	s19 =	sadd.s32 $0x60, s13;
	v5 =	vperm.xlane v5, v2;
	v6 =	vld [tilespmem:s21+$0x80]  }
0x65: {  	s20 =	ssub.s32 $0x7C0, s0;
	s24 =	sshll.u32 s19, $0x3  }
0x66: {  	vm4 =	vlt.u32 v1, s20;
	s25 =	sand.u32 $0x400, s24;
	v7 =	vsel vm0, v7, v5  }
0x67: {  	s2 =	sand.u32 $0x70, s19;
	s14 =	sadd.s32 s25, s12;
	v7 =	vnsel vm4, $0x0, v7  }
0x68: {  	s2 =	sor.u32 s2, s14;
	[tilespmem:s10+$0xA040] =	vst v7  }
0x69: {  	v7 =	vld [tilespmem:s2+$0x0];
	v6 =	vperm.xlane v6, v3  }
0x6a: {  	s19 =	ssub.s32 $0x7BF, s0  }
0x6b: {  	vm7 =	vlt.u32 v1, s19;
	v4 =	vsel vm1, v4, v6  }
0x6c: {  	v4 =	vnsel vm7, $0x0, v4  }
0x6d: {  	[tilespmem:s10+$0xA0C0] =	vst v4  }
0x6e: {  	s29 =	sadd.s32 $0x70, s13;
	v7 =	vperm.xlane v7, v2;
	v4 =	vld [tilespmem:s2+$0x80]  }
0x6f: {  	s30 =	ssub.s32 $0x7B0, s0;
	s9 =	sshll.u32 s29, $0x3  }
0x70: {  	vm6 =	vlt.u32 v1, s30;
	s18 =	sand.u32 $0x400, s9;
	v5 =	vsel vm0, v5, v7  }
0x71: {  	s14 =	sand.u32 $0x70, s29;
	s15 =	sadd.s32 s18, s12;
	v5 =	vnsel vm6, $0x0, v5  }
0x72: {  	s16 =	sor.u32 s14, s15;
	[tilespmem:s10+$0xA050] =	vst v5  }
0x73: {  	v5 =	vld [tilespmem:s16+$0x0];
	v4 =	vperm.xlane v4, v3  }
0x74: {  	s24 =	ssub.s32 $0x7AF, s0  }
0x75: {  	vm9 =	vlt.u32 v1, s24;
	v6 =	vsel vm1, v6, v4  }
0x76: {  	v6 =	vnsel vm9, $0x0, v6  }
0x77: {  	[tilespmem:s10+$0xA0D0] =	vst v6  }
0x78: {  	v5 =	vperm.xlane v5, v2;
	v6 =	vld [tilespmem:s16+$0x80]  }
0x79: {  	s20 =	ssub.s32 $0x7A0, s0  }
0x7a: {  	vm8 =	vlt.u32 v1, s20;
	v41 =	vld [tilespmem:s11+$0x100];
	v7 =	vsel vm0, v7, v5  }
0x7b: {  	v9 =	vld [tilespmem:s7+$0x100];
	v7 =	vnsel vm8, $0x0, v7  }
0x7c: {  	s30 =	sxor.u32 $0xE, s8;
	[tilespmem:s10+$0xA060] =	vst v7  }
0x7d: {  	s26 =	ssub.s32 $0x79F, s0;
	v43 =	vmov s30;
	s30 =	ssub.s32 $0x7FD, s0;
	s25 =	sor.u32 $0x2, s8;
	v7 =	vld [tilespmem:s11+$0x400];
	v6 =	vperm.xlane v6, v3  }
0x7e: {  	vm10 =	vlt.u32 v1, s26;
	v46 =	vld [tilespmem:s11+$0x200];
	s24 =	sxor.u32 $0xD, s8;
	v42 =	vadd.s32 s25, v0;
	s29 =	sadd.s32 $0x90, s13;
	s19 =	ssub.s32 $0x790, s0  }
0x7f: {  	v15 =	vld [tilespmem:s7+$0x180];
	s18 =	ssub.s32 $0x7FE, s0;
	s25 =	sor.u32 $0x4, s0;
	s20 =	sshll.u32 s29, $0x3;
	vm3 =	vlt.u32 v1, s19;
	v10 =	vsel vm1, v4, v6;
	v4 =	vand.u32 $0xF, v42  }
0x80: {  	v16 =	vld [tilespmem:s7+$0x200];
	s14 =	sand.u32 $0x70, s29;
	s19 =	ssub.s32 $0x78F, s0;
	s26 =	sand.u32 $0xC, s25;
	v8 =	vperm.xlane v41, v4;
	v9 =	vperm.xlane v9, v4;
	v10 =	vnsel vm10, $0x0, v10  }
0x81: {  	v53 =	vld [tilespmem:s7+$0x280];
	v48 =	vmov s24;
	s24 =	sor.u32 s1, s25;
	s9 =	sand.u32 $0xC00, s20;
	s20 =	sor.u32 $0x3, s8;
	v52 =	vadd.s32 s26, v0;
	vm2 =	vgt.u32 v43, v0;
	[tilespmem:s10+$0xA0E0] =	vst v10  }
0x82: {  	s15 =	sadd.s32 s9, s12;
	s9 =	sor.u32 $0x5, s8;
	s8 =	sxor.u32 $0xB, s8;
	vm11 =	vlt.u32 v1, s18;
	v11 =	vperm.xlane v7, v2;
	v7 =	vsel vm2, v8, v9;
	v44 =	vld [tilespmem:s11+$0x480]  }
0x83: {  	v21 =	vld [tilespmem:s7+$0x300];
	v47 =	vadd.s32 s20, v0;
	s15 =	sor.u32 s14, s15;
	s14 =	ssub.s32 $0x10, s26;
	v22 =	vmov s8;
	s8 =	sor.u32 $0x6, s0;
	v7 =	vnsel vm11, $0x0, v7  }
0x84: {  	s25 =	ssub.s32 $0x7FB, s0;
	v55 =	vadd.s32 s9, v0;
	v54 =	vmov s14;
	s26 =	sand.u32 $0xE, s8;
	vm5 =	vlt.u32 v1, s30;
	s30 =	sor.u32 $0x7, s0;
	[tilespmem:s10+$0xA100] =	vst v7  }
0x85: {  	s14 =	sshll.u32 s24, $0x8;
	s24 =	ssub.s32 $0x7F9, s0;
	v60 =	vadd.s32 s26, v0;
	vm12 =	vlt.u32 v1, s19;
	vm13 =	vlt.u32 v1, s25;
	s9 =	sand.u32 $0xF, s30;
	v7 =	vld [tilespmem:s3+$0x100]  }
0x86: {  	v58 =	vld [tilespmem:s7+$0x380];
	vm15 =	vlt.u32 v1, s24;
	vm4 =	vgt.u32 v54, v0;
	v27 =	vadd.s32 s9, v0;
	s7 =	ssub.s32 $0x10, s9  }
0x87: {  	v14 =	vld [tilespmem:s11+$0x180];
	s29 =	ssub.s32 $0x7EE, s0;
	s18 =	ssub.s32 $0x7FC, s0;
	v29 =	vmov s7;
	v5 =	vsel vm0, v5, v11;
	v12 =	vperm.xlane v44, v3  }
0x88: {  	v51 =	vld [tilespmem:s11+$0x280];
	vm6 =	vlt.u32 v1, s18;
	vm8 =	vlt.u32 v1, s29;
	s29 =	ssub.s32 $0x10, s26;
	v5 =	vnsel vm3, $0x0, v5  }
0x89: {  	vm7 =	vgt.u32 v29, v0;
	v62 =	vmov s29;
	[tilespmem:s10+$0xA070] =	vst v5;
	v5 =	vsel vm1, v6, v12  }
0x8a: {  	v6 =	vand.u32 $0xF, v52;
	v17 =	vnsel vm12, $0x0, v5;
	v13 =	vperm.xlane v7, v4  }
0x8b: {  	v5 =	vand.u32 $0xF, v47;
	v8 =	vperm.xlane v46, v6;
	v16 =	vperm.xlane v16, v6  }
0x8c: {  	v20 =	vld [tilespmem:s11+$0x300];
	v7 =	vand.u32 $0xF, v55;
	v49 =	vperm.xlane v14, v5;
	v50 =	vperm.xlane v15, v5  }
0x8d: {  	v24 =	vld [tilespmem:s11+$0x380];
	vm3 =	vgt.u32 v48, v0;
	v15 =	vperm.xlane v51, v7;
	v23 =	vperm.xlane v53, v7  }
0x8e: {  	v18 =	vsel vm2, v9, v13;
	v8 =	vsel vm4, v8, v16;
	v9 =	vand.u32 $0xF, v27  }
0x8f: {  	s20 =	sand.u32 $0xD800, s14;
	v45 =	vld [tilespmem:s15+$0x0];
	v19 =	vsel vm3, v49, v50;
	v57 =	vnsel vm6, $0x0, v8;
	v8 =	vand.u32 $0xF, v60  }
0x90: {  	vm6 =	vgt.u32 v62, v0;
	v18 =	vnsel vm8, $0x0, v18;
	v56 =	vnsel vm5, $0x0, v19;
	[tilespmem:s20+$0xA200] =	vst v57  }
0x91: {  	vm5 =	vgt.u32 v22, v0;
	v63 =	vperm.xlane v20, v8;
	v21 =	vperm.xlane v21, v8;
	[tilespmem:s10+$0xA180] =	vst v56;
	v28 =	vld [tilespmem:s3+$0x200]  }
0x92: {  	s8 =	sor.u32 s1, s8;
	s18 =	ssub.s32 $0x7FA, s0;
	v24 =	vperm.xlane v24, v9;
	v22 =	vperm.xlane v58, v9;
	[tilespmem:s10+$0xA110] =	vst v18;
	v59 =	vsel vm5, v15, v23;
	v25 =	vld [tilespmem:s3+$0x180]  }
0x93: {  	s19 =	sor.u32 s1, s30;
	s7 =	sshll.u32 s8, $0x8;
	vm14 =	vlt.u32 v1, s18;
	[tilespmem:s10+$0xA0F0] =	vst v17;
	v32 =	vld [tilespmem:s23+$0x100];
	v61 =	vnsel vm13, $0x0, v59;
	v15 =	vsel vm6, v63, v21  }
0x94: {  	s8 =	sshll.u32 s19, $0x8;
	s18 =	ssub.s32 $0x780, s0;
	s29 =	sand.u32 $0xD800, s7;
	v10 =	vperm.xlane v45, v2;
	v17 =	vld [tilespmem:s15+$0x80];
	v31 =	vsel vm7, v24, v22;
	[tilespmem:s10+$0xA280] =	vst v61;
	v15 =	vnsel vm14, $0x0, v15  }
0x95: {  	s25 =	ssub.s32 $0x7ED, s0;
	s24 =	sadd.s32 $0xA0, s13;
	s30 =	sand.u32 $0xD800, s8;
	vm9 =	vlt.u32 v1, s18;
	v33 =	vnsel vm15, $0x0, v31;
	v30 =	vld [tilespmem:s3+$0x280];
	[tilespmem:s29+$0xA300] =	vst v15  }
0x96: {  	v34 =	vsel vm0, v11, v10;
	vm12 =	vlt.u32 v1, s25;
	s25 =	sshll.u32 s24, $0x3;
	[tilespmem:s30+$0xA380] =	vst v33;
	v36 =	vld [tilespmem:s3+$0x300];
	v35 =	vperm.xlane v28, v6  }
0x97: {  	s26 =	ssub.s32 $0x7EC, s0;
	v18 =	vnsel vm9, $0x0, v34;
	v38 =	vld [tilespmem:s3+$0x380];
	s3 =	sand.u32 $0xC00, s25;
	v25 =	vperm.xlane v25, v5  }
0x98: {  	s24 =	sand.u32 $0x70, s24;
	vm13 =	vlt.u32 v1, s26;
	s26 =	ssub.s32 $0x7DE, s0;
	v41 =	vperm.xlane v32, v4;
	s3 =	sadd.s32 s3, s12;
	v16 =	vsel vm4, v16, v35  }
0x99: {  	[tilespmem:s10+$0xA400] =	vst v18;
	vm15 =	vlt.u32 v1, s26;
	s19 =	sor.u32 s24, s3;
	v14 =	vsel vm3, v50, v25;
	v39 =	vnsel vm13, $0x0, v16  }
0x9a: {  	v13 =	vsel vm2, v13, v41;
	v47 =	vld [tilespmem:s19+$0x0];
	v37 =	vperm.xlane v30, v7;
	v14 =	vnsel vm12, $0x0, v14;
	[tilespmem:s20+$0xA210] =	vst v39  }
0x9b: {  	s9 =	ssub.s32 $0x7EB, s0;
	v11 =	vperm.xlane v17, v3;
	v13 =	vnsel vm15, $0x0, v13;
	v44 =	vperm.xlane v36, v8;
	[tilespmem:s10+$0xA190] =	vst v14;
	v43 =	vld [tilespmem:s23+$0x200]  }
0x9c: {  	vm14 =	vlt.u32 v1, s9;
	s25 =	ssub.s32 $0x7EA, s0;
	v19 =	vperm.xlane v38, v9;
	[tilespmem:s10+$0xA120] =	vst v13;
	v40 =	vsel vm5, v23, v37;
	v42 =	vld [tilespmem:s23+$0x180]  }
0x9d: {  	s9 =	ssub.s32 $0x7E9, s0;
	vm12 =	vlt.u32 v1, s25;
	v50 =	vld [tilespmem:s22+$0x100];
	v16 =	vnsel vm14, $0x0, v40;
	v46 =	vsel vm6, v21, v44  }
0x9e: {  	s18 =	ssub.s32 $0x77F, s0;
	vm13 =	vlt.u32 v1, s9;
	v49 =	vsel vm7, v22, v19;
	[tilespmem:s10+$0xA290] =	vst v16;
	v48 =	vnsel vm12, $0x0, v46  }
0x9f: {  	v12 =	vsel vm1, v12, v11;
	s24 =	ssub.s32 $0x7DD, s0;
	vm14 =	vlt.u32 v1, s18;
	v18 =	vnsel vm13, $0x0, v49;
	v45 =	vld [tilespmem:s23+$0x280];
	[tilespmem:s29+$0xA310] =	vst v48  }
0xa0: {  	s26 =	ssub.s32 $0x7DB, s0;
	vm15 =	vlt.u32 v1, s24;
	s25 =	ssub.s32 $0x7DC, s0;
	v12 =	vnsel vm14, $0x0, v12;
	[tilespmem:s30+$0xA390] =	vst v18;
	v52 =	vld [tilespmem:s23+$0x300];
	v51 =	vperm.xlane v43, v6  }
0xa1: {  	vm12 =	vlt.u32 v1, s25;
	vm13 =	vlt.u32 v1, s26;
	v54 =	vld [tilespmem:s23+$0x380];
	v14 =	vperm.xlane v42, v5  }
0xa2: {  	s9 =	ssub.s32 $0x7CE, s0;
	v60 =	vperm.xlane v47, v2;
	[tilespmem:s10+$0xA480] =	vst v12;
	v13 =	vperm.xlane v50, v4;
	v17 =	vsel vm4, v35, v51  }
0xa3: {  	vm14 =	vlt.u32 v1, s9;
	v56 =	vld [tilespmem:s19+$0x80];
	v53 =	vsel vm3, v25, v14;
	v57 =	vnsel vm12, $0x0, v17  }
0xa4: {  	v23 =	vsel vm2, v41, v13;
	v20 =	vperm.xlane v45, v7;
	v55 =	vnsel vm15, $0x0, v53;
	[tilespmem:s20+$0xA220] =	vst v57  }
0xa5: {  	s23 =	ssub.s32 $0x7D9, s0;
	v29 =	vsel vm0, v10, v60;
	v23 =	vnsel vm14, $0x0, v23;
	v62 =	vperm.xlane v52, v8;
	[tilespmem:s10+$0xA1A0] =	vst v55;
	v61 =	vld [tilespmem:s22+$0x200]  }
0xa6: {  	s18 =	ssub.s32 $0x7DA, s0;
	vm12 =	vlt.u32 v1, s23;
	v25 =	vperm.xlane v54, v9;
	v15 =	vsel vm5, v37, v20;
	v58 =	vld [tilespmem:s22+$0x180]  }
0xa7: {  	vm15 =	vlt.u32 v1, s18;
	[tilespmem:s10+$0xA130] =	vst v23;
	v59 =	vnsel vm13, $0x0, v15;
	v16 =	vsel vm6, v44, v62  }
0xa8: {  	s25 =	ssub.s32 $0x7CC, s0;
	v10 =	vperm.xlane v56, v3;
	v23 =	vld [tilespmem:s21+$0x100];
	v19 =	vsel vm7, v19, v25;
	[tilespmem:s10+$0xA2A0] =	vst v59;
	v16 =	vnsel vm15, $0x0, v16  }
0xa9: {  	s24 =	ssub.s32 $0x7CD, s0;
	vm14 =	vlt.u32 v1, s25;
	s18 =	sadd.s32 $0xB0, s13;
	v28 =	vnsel vm12, $0x0, v19;
	v63 =	vld [tilespmem:s22+$0x280];
	[tilespmem:s29+$0xA320] =	vst v16  }
0xaa: {  	s26 =	ssub.s32 $0x7CB, s0;
	s9 =	ssub.s32 $0x770, s0;
	vm13 =	vlt.u32 v1, s24;
	s24 =	sshll.u32 s18, $0x3;
	v11 =	vsel vm1, v11, v10;
	[tilespmem:s30+$0xA3A0] =	vst v28;
	v31 =	vld [tilespmem:s22+$0x300];
	v30 =	vperm.xlane v61, v6  }
0xab: {  	s23 =	sand.u32 $0x70, s18;
	s18 =	ssub.s32 $0x76F, s0;
	vm15 =	vlt.u32 v1, s26;
	vm12 =	vlt.u32 v1, s9;
	s3 =	sand.u32 $0xC00, s24;
	v33 =	vld [tilespmem:s22+$0x380];
	v17 =	vperm.xlane v58, v5  }
0xac: {  	v19 =	vnsel vm12, $0x0, v29;
	s3 =	sadd.s32 s3, s12;
	vm12 =	vlt.u32 v1, s18;
	v22 =	vsel vm4, v51, v30  }
0xad: {  	[tilespmem:s10+$0xA410] =	vst v19;
	s22 =	sor.u32 s23, s3;
	v35 =	vperm.xlane v23, v4;
	v14 =	vsel vm3, v14, v17;
	v34 =	vnsel vm14, $0x0, v22  }
0xae: {  	s25 =	ssub.s32 $0x7BE, s0;
	v11 =	vnsel vm12, $0x0, v11;
	v19 =	vld [tilespmem:s22+$0x0];
	v32 =	vperm.xlane v63, v7;
	v14 =	vnsel vm13, $0x0, v14;
	[tilespmem:s20+$0xA230] =	vst v34  }
0xaf: {  	v13 =	vsel vm2, v13, v35;
	v38 =	vperm.xlane v31, v8;
	vm13 =	vlt.u32 v1, s25;
	[tilespmem:s10+$0xA1B0] =	vst v14;
	v37 =	vld [tilespmem:s21+$0x200]  }
0xb0: {  	s26 =	ssub.s32 $0x7CA, s0;
	[tilespmem:s10+$0xA490] =	vst v11;
	v24 =	vperm.xlane v33, v9;
	v20 =	vsel vm5, v20, v32;
	v13 =	vnsel vm13, $0x0, v13;
	v36 =	vld [tilespmem:s21+$0x180]  }
0xb1: {  	s9 =	ssub.s32 $0x7C9, s0;
	v48 =	vld [tilespmem:s22+$0x80];
	vm14 =	vlt.u32 v1, s26;
	v20 =	vnsel vm15, $0x0, v20;
	v12 =	vsel vm6, v62, v38;
	[tilespmem:s10+$0xA140] =	vst v13  }
0xb2: {  	v40 =	vsel vm7, v25, v24;
	vm15 =	vlt.u32 v1, s9;
	[tilespmem:s10+$0xA2B0] =	vst v20;
	v12 =	vnsel vm14, $0x0, v12;
	v41 =	vld [tilespmem:s2+$0x100]  }
0xb3: {  	v13 =	vnsel vm15, $0x0, v40;
	v39 =	vld [tilespmem:s21+$0x280];
	[tilespmem:s29+$0xA330] =	vst v12  }
0xb4: {  	s23 =	ssub.s32 $0x7BD, s0;
	s26 =	ssub.s32 $0x7AE, s0;
	[tilespmem:s30+$0xA3B0] =	vst v13;
	v42 =	vld [tilespmem:s21+$0x300];
	v23 =	vperm.xlane v37, v6  }
0xb5: {  	s24 =	ssub.s32 $0x7BC, s0;
	s25 =	ssub.s32 $0x7BB, s0;
	vm12 =	vlt.u32 v1, s26;
	vm13 =	vlt.u32 v1, s23;
	v45 =	vld [tilespmem:s21+$0x380];
	v14 =	vperm.xlane v36, v5  }
0xb6: {  	vm14 =	vlt.u32 v1, s24;
	vm15 =	vlt.u32 v1, s25;
	v47 =	vsel vm4, v30, v23  }
0xb7: {  	v51 =	vperm.xlane v41, v4;
	v43 =	vsel vm3, v17, v14;
	v49 =	vnsel vm14, $0x0, v47  }
0xb8: {  	v13 =	vperm.xlane v19, v2;
	v44 =	vperm.xlane v39, v7;
	v46 =	vnsel vm13, $0x0, v43;
	[tilespmem:s20+$0xA240] =	vst v49  }
0xb9: {  	v12 =	vperm.xlane v48, v3;
	v55 =	vperm.xlane v42, v8;
	v22 =	vsel vm2, v35, v51;
	[tilespmem:s10+$0xA1C0] =	vst v46;
	v54 =	vld [tilespmem:s2+$0x200]  }
0xba: {  	s9 =	ssub.s32 $0x7BA, s0;
	v21 =	vperm.xlane v45, v9;
	v50 =	vsel vm5, v32, v44;
	v22 =	vnsel vm12, $0x0, v22;
	v52 =	vld [tilespmem:s2+$0x180]  }
0xbb: {  	s18 =	ssub.s32 $0x7B9, s0;
	vm13 =	vlt.u32 v1, s9;
	v53 =	vnsel vm15, $0x0, v50;
	v20 =	vsel vm6, v38, v55;
	[tilespmem:s10+$0xA150] =	vst v22  }
0xbc: {  	vm14 =	vlt.u32 v1, s18;
	v57 =	vsel vm7, v24, v21;
	[tilespmem:s10+$0xA2C0] =	vst v53;
	v20 =	vnsel vm13, $0x0, v20;
	v58 =	vld [tilespmem:s16+$0x100]  }
0xbd: {  	s26 =	sadd.s32 $0xC0, s13;
	s23 =	ssub.s32 $0x7AC, s0;
	s21 =	ssub.s32 $0x7AD, s0;
	v15 =	vsel vm0, v60, v13;
	v10 =	vsel vm1, v10, v12;
	v59 =	vnsel vm14, $0x0, v57;
	v56 =	vld [tilespmem:s2+$0x280];
	[tilespmem:s29+$0xA340] =	vst v20  }
0xbe: {  	s24 =	ssub.s32 $0x7AB, s0;
	s25 =	ssub.s32 $0x760, s0;
	s9 =	sshll.u32 s26, $0x3;
	vm12 =	vlt.u32 v1, s23;
	vm15 =	vlt.u32 v1, s21;
	[tilespmem:s30+$0xA3C0] =	vst v59;
	v61 =	vld [tilespmem:s2+$0x300];
	v60 =	vperm.xlane v54, v6  }
0xbf: {  	vm13 =	vlt.u32 v1, s24;
	vm14 =	vlt.u32 v1, s25;
	s25 =	ssub.s32 $0x75F, s0;
	v63 =	vld [tilespmem:s2+$0x380];
	s2 =	sand.u32 $0xC00, s9;
	v26 =	vperm.xlane v52, v5  }
0xc0: {  	s21 =	sand.u32 $0x70, s26;
	v15 =	vnsel vm14, $0x0, v15;
	vm14 =	vlt.u32 v1, s25;
	s2 =	sadd.s32 s2, s12;
	v23 =	vsel vm4, v23, v60  }
0xc1: {  	[tilespmem:s10+$0xA420] =	vst v15;
	s2 =	sor.u32 s21, s2;
	v28 =	vperm.xlane v58, v4;
	v14 =	vsel vm3, v14, v26;
	v27 =	vnsel vm12, $0x0, v23  }
0xc2: {  	s18 =	ssub.s32 $0x79E, s0;
	v10 =	vnsel vm14, $0x0, v10;
	v34 =	vld [tilespmem:s2+$0x0];
	v62 =	vperm.xlane v56, v7;
	v14 =	vnsel vm15, $0x0, v14;
	[tilespmem:s20+$0xA250] =	vst v27  }
0xc3: {  	v31 =	vperm.xlane v61, v8;
	v16 =	vsel vm2, v51, v28;
	vm15 =	vlt.u32 v1, s18;
	[tilespmem:s10+$0xA1D0] =	vst v14;
	v30 =	vld [tilespmem:s16+$0x200]  }
0xc4: {  	s23 =	ssub.s32 $0x7AA, s0;
	[tilespmem:s10+$0xA4A0] =	vst v10;
	v22 =	vperm.xlane v63, v9;
	v17 =	vsel vm5, v44, v62;
	v33 =	vnsel vm15, $0x0, v16;
	v29 =	vld [tilespmem:s16+$0x180]  }
0xc5: {  	s24 =	ssub.s32 $0x7A9, s0;
	v43 =	vld [tilespmem:s2+$0x80];
	vm12 =	vlt.u32 v1, s23;
	v17 =	vnsel vm13, $0x0, v17;
	v11 =	vsel vm6, v55, v31;
	[tilespmem:s10+$0xA160] =	vst v33  }
0xc6: {  	v35 =	vsel vm7, v21, v22;
	vm13 =	vlt.u32 v1, s24;
	[tilespmem:s10+$0xA2D0] =	vst v17;
	v11 =	vnsel vm12, $0x0, v11;
	v36 =	vld [tilespmem:s11+$0x500]  }
0xc7: {  	v15 =	vnsel vm13, $0x0, v35;
	v32 =	vld [tilespmem:s16+$0x280];
	[tilespmem:s29+$0xA350] =	vst v11  }
0xc8: {  	s26 =	ssub.s32 $0x79D, s0;
	s18 =	ssub.s32 $0x78E, s0;
	[tilespmem:s30+$0xA3D0] =	vst v15;
	v38 =	vld [tilespmem:s16+$0x300];
	v37 =	vperm.xlane v30, v6  }
0xc9: {  	s9 =	ssub.s32 $0x79C, s0;
	vm15 =	vlt.u32 v1, s26;
	vm14 =	vlt.u32 v1, s18;
	v40 =	vld [tilespmem:s16+$0x380];
	v14 =	vperm.xlane v29, v5  }
0xca: {  	vm12 =	vlt.u32 v1, s9;
	v49 =	vperm.xlane v34, v2;
	v42 =	vsel vm4, v60, v37  }
0xcb: {  	v46 =	vperm.xlane v36, v4;
	v39 =	vsel vm3, v26, v14;
	v44 =	vnsel vm12, $0x0, v42  }
0xcc: {  	v11 =	vperm.xlane v43, v3;
	s16 =	ssub.s32 $0x79B, s0;
	v19 =	vperm.xlane v32, v7;
	v41 =	vnsel vm15, $0x0, v39;
	[tilespmem:s20+$0xA260] =	vst v44  }
0xcd: {  	vm13 =	vlt.u32 v1, s16;
	v51 =	vperm.xlane v38, v8;
	v23 =	vsel vm2, v28, v46;
	[tilespmem:s10+$0xA1E0] =	vst v41;
	v50 =	vld [tilespmem:s11+$0x600]  }
0xce: {  	s21 =	ssub.s32 $0x79A, s0;
	v25 =	vperm.xlane v40, v9;
	v45 =	vsel vm5, v62, v19;
	v23 =	vnsel vm14, $0x0, v23;
	v47 =	vld [tilespmem:s11+$0x580]  }
0xcf: {  	s23 =	ssub.s32 $0x799, s0;
	vm15 =	vlt.u32 v1, s21;
	v48 =	vnsel vm13, $0x0, v45;
	v17 =	vsel vm6, v31, v51;
	[tilespmem:s10+$0xA170] =	vst v23  }
0xd0: {  	vm12 =	vlt.u32 v1, s23;
	v22 =	vsel vm7, v22, v25;
	[tilespmem:s10+$0xA2E0] =	vst v48;
	v17 =	vnsel vm15, $0x0, v17;
	v23 =	vld [tilespmem:s15+$0x100]  }
0xd1: {  	s25 =	ssub.s32 $0x78C, s0;
	s18 =	sadd.s32 $0xD0, s13;
	s24 =	ssub.s32 $0x78D, s0;
	v13 =	vsel vm0, v13, v49;
	v12 =	vsel vm1, v12, v11;
	v54 =	vnsel vm12, $0x0, v22;
	v52 =	vld [tilespmem:s11+$0x680];
	[tilespmem:s29+$0xA360] =	vst v17  }
0xd2: {  	s26 =	ssub.s32 $0x78B, s0;
	s9 =	ssub.s32 $0x750, s0;
	s23 =	sshll.u32 s18, $0x3;
	vm14 =	vlt.u32 v1, s25;
	vm13 =	vlt.u32 v1, s24;
	[tilespmem:s30+$0xA3E0] =	vst v54;
	v55 =	vld [tilespmem:s11+$0x700];
	v16 =	vperm.xlane v50, v6  }
0xd3: {  	s3 =	sand.u32 $0xC00, s23;
	s25 =	sand.u32 $0x70, s18;
	s18 =	ssub.s32 $0x74F, s0;
	vm15 =	vlt.u32 v1, s26;
	vm12 =	vlt.u32 v1, s9;
	v57 =	vld [tilespmem:s11+$0x780];
	v53 =	vperm.xlane v47, v5  }
0xd4: {  	s3 =	sadd.s32 s3, s12;
	v13 =	vnsel vm12, $0x0, v13;
	vm12 =	vlt.u32 v1, s18;
	v21 =	vsel vm4, v37, v16  }
0xd5: {  	s3 =	sor.u32 s25, s3;
	[tilespmem:s10+$0xA430] =	vst v13;
	v59 =	vperm.xlane v23, v4;
	v14 =	vsel vm3, v14, v53;
	v58 =	vnsel vm14, $0x0, v21  }
0xd6: {  	s24 =	ssub.s32 $0x77E, s0;
	v12 =	vnsel vm12, $0x0, v12;
	v28 =	vld [tilespmem:s3+$0x0];
	v56 =	vperm.xlane v52, v7;
	v14 =	vnsel vm13, $0x0, v14;
	[tilespmem:s20+$0xA270] =	vst v58  }
0xd7: {  	v18 =	vperm.xlane v55, v8;
	v62 =	vsel vm2, v46, v59;
	vm13 =	vlt.u32 v1, s24;
	[tilespmem:s10+$0xA1F0] =	vst v14;
	v61 =	vld [tilespmem:s15+$0x200]  }
0xd8: {  	s26 =	ssub.s32 $0x78A, s0;
	[tilespmem:s10+$0xA4B0] =	vst v12;
	v22 =	vperm.xlane v57, v9;
	v19 =	vsel vm5, v19, v56;
	v27 =	vnsel vm13, $0x0, v62;
	v60 =	vld [tilespmem:s15+$0x180]  }
0xd9: {  	s9 =	ssub.s32 $0x789, s0;
	v36 =	vld [tilespmem:s3+$0x80];
	vm14 =	vlt.u32 v1, s26;
	v19 =	vnsel vm15, $0x0, v19;
	v10 =	vsel vm6, v51, v18;
	[tilespmem:s10+$0xA500] =	vst v27  }
0xda: {  	v29 =	vsel vm7, v25, v22;
	vm15 =	vlt.u32 v1, s9;
	[tilespmem:s10+$0xA2F0] =	vst v19;
	v10 =	vnsel vm14, $0x0, v10;
	v30 =	vld [tilespmem:s19+$0x100]  }
0xdb: {  	s20 =	ssub.s32 $0x77D, s0;
	v13 =	vnsel vm15, $0x0, v29;
	v63 =	vld [tilespmem:s15+$0x280];
	[tilespmem:s29+$0xA370] =	vst v10  }
0xdc: {  	s24 =	ssub.s32 $0x76E, s0;
	vm13 =	vlt.u32 v1, s20;
	[tilespmem:s30+$0xA3F0] =	vst v13;
	v31 =	vld [tilespmem:s15+$0x300];
	v23 =	vperm.xlane v61, v6  }
0xdd: {  	s21 =	ssub.s32 $0x77C, s0;
	s23 =	ssub.s32 $0x77B, s0;
	v41 =	vperm.xlane v28, v2;
	vm12 =	vlt.u32 v1, s24;
	v33 =	vld [tilespmem:s15+$0x380];
	v14 =	vperm.xlane v60, v5  }
0xde: {  	vm14 =	vlt.u32 v1, s21;
	vm15 =	vlt.u32 v1, s23;
	v35 =	vsel vm4, v16, v23  }
0xdf: {  	v39 =	vperm.xlane v30, v4;
	v32 =	vsel vm3, v53, v14;
	v37 =	vnsel vm14, $0x0, v35  }
0xe0: {  	v15 =	vsel vm0, v49, v41;
	v20 =	vperm.xlane v63, v7;
	v34 =	vnsel vm13, $0x0, v32;
	[tilespmem:s14+$0xA200] =	vst v37  }
0xe1: {  	v49 =	vperm.xlane v36, v3;
	v43 =	vperm.xlane v31, v8;
	v21 =	vsel vm2, v59, v39;
	[tilespmem:s10+$0xA580] =	vst v34;
	v42 =	vld [tilespmem:s19+$0x200]  }
0xe2: {  	s25 =	ssub.s32 $0x77A, s0;
	v25 =	vperm.xlane v33, v9;
	v38 =	vsel vm5, v56, v20;
	v21 =	vnsel vm12, $0x0, v21;
	v40 =	vld [tilespmem:s19+$0x180]  }
0xe3: {  	s26 =	ssub.s32 $0x779, s0;
	vm13 =	vlt.u32 v1, s25;
	v13 =	vnsel vm15, $0x0, v38;
	v18 =	vsel vm6, v18, v43;
	[tilespmem:s10+$0xA510] =	vst v21  }
0xe4: {  	s18 =	ssub.s32 $0x76C, s0;
	s29 =	sor.u32 $0x700, s7;
	vm14 =	vlt.u32 v1, s26;
	v45 =	vsel vm7, v22, v25;
	[tilespmem:s10+$0xA680] =	vst v13;
	v18 =	vnsel vm13, $0x0, v18;
	v46 =	vld [tilespmem:s22+$0x100]  }
0xe5: {  	s20 =	ssub.s32 $0x740, s0;
	s21 =	sadd.s32 $0xE0, s13;
	s30 =	sor.u32 $0x780, s8;
	v11 =	vsel vm1, v11, v49;
	v48 =	vnsel vm14, $0x0, v45;
	v44 =	vld [tilespmem:s19+$0x280];
	[tilespmem:s29+$0xA000] =	vst v18  }
0xe6: {  	s9 =	ssub.s32 $0x76D, s0;
	s23 =	sshll.u32 s21, $0x3;
	vm12 =	vlt.u32 v1, s18;
	vm14 =	vlt.u32 v1, s20;
	[tilespmem:s30+$0xA000] =	vst v48;
	v51 =	vld [tilespmem:s19+$0x300];
	v50 =	vperm.xlane v42, v6  }
0xe7: {  	s15 =	sand.u32 $0xC00, s23;
	vm15 =	vlt.u32 v1, s9;
	v15 =	vnsel vm14, $0x0, v15;
	s29 =	ssub.s32 $0x73F, s0;
	v53 =	vld [tilespmem:s19+$0x380];
	s19 =	ssub.s32 $0x76B, s0;
	v47 =	vperm.xlane v40, v5  }
0xe8: {  	s15 =	sadd.s32 s15, s12;
	vm14 =	vlt.u32 v1, s29;
	vm13 =	vlt.u32 v1, s19;
	s19 =	sand.u32 $0x70, s21;
	v23 =	vsel vm4, v23, v50  }
0xe9: {  	[tilespmem:s10+$0xA440] =	vst v15;
	s15 =	sor.u32 s19, s15;
	v22 =	vperm.xlane v46, v4;
	v14 =	vsel vm3, v14, v47;
	v54 =	vnsel vm12, $0x0, v23  }
0xea: {  	s24 =	ssub.s32 $0x75E, s0;
	v11 =	vnsel vm14, $0x0, v11;
	v58 =	vld [tilespmem:s15+$0x0];
	v52 =	vperm.xlane v44, v7;
	v14 =	vnsel vm15, $0x0, v14;
	[tilespmem:s14+$0xA210] =	vst v54  }
0xeb: {  	v19 =	vperm.xlane v51, v8;
	v17 =	vsel vm2, v39, v22;
	vm15 =	vlt.u32 v1, s24;
	[tilespmem:s10+$0xA590] =	vst v14;
	v56 =	vld [tilespmem:s22+$0x200]  }
0xec: {  	s25 =	ssub.s32 $0x76A, s0;
	[tilespmem:s10+$0xA4C0] =	vst v11;
	v21 =	vperm.xlane v53, v9;
	v20 =	vsel vm5, v20, v52;
	v57 =	vnsel vm15, $0x0, v17;
	v55 =	vld [tilespmem:s22+$0x180]  }
0xed: {  	s26 =	ssub.s32 $0x769, s0;
	v30 =	vld [tilespmem:s15+$0x80];
	vm12 =	vlt.u32 v1, s25;
	v20 =	vnsel vm13, $0x0, v20;
	v13 =	vsel vm6, v43, v19;
	[tilespmem:s10+$0xA520] =	vst v57  }
0xee: {  	s30 =	sor.u32 $0x710, s7;
	v59 =	vsel vm7, v25, v21;
	vm13 =	vlt.u32 v1, s26;
	[tilespmem:s10+$0xA690] =	vst v20;
	v13 =	vnsel vm12, $0x0, v13;
	v60 =	vld [tilespmem:s2+$0x100]  }
0xef: {  	s9 =	sor.u32 $0x790, s8;
	v15 =	vnsel vm13, $0x0, v59;
	v20 =	vld [tilespmem:s22+$0x280];
	[tilespmem:s30+$0xA000] =	vst v13  }
0xf0: {  	s18 =	ssub.s32 $0x75D, s0;
	s21 =	ssub.s32 $0x74E, s0;
	[tilespmem:s9+$0xA000] =	vst v15;
	v61 =	vld [tilespmem:s22+$0x300];
	v23 =	vperm.xlane v56, v6  }
0xf1: {  	s20 =	ssub.s32 $0x75B, s0;
	s19 =	ssub.s32 $0x75C, s0;
	vm14 =	vlt.u32 v1, s21;
	vm15 =	vlt.u32 v1, s18;
	v63 =	vld [tilespmem:s22+$0x380];
	v14 =	vperm.xlane v55, v5  }
0xf2: {  	vm12 =	vlt.u32 v1, s19;
	vm13 =	vlt.u32 v1, s20;
	v29 =	vsel vm4, v50, v23  }
0xf3: {  	v13 =	vperm.xlane v60, v4;
	v62 =	vsel vm3, v47, v14;
	v31 =	vnsel vm12, $0x0, v29  }
0xf4: {  	v11 =	vperm.xlane v58, v2;
	v20 =	vperm.xlane v20, v7;
	v28 =	vnsel vm15, $0x0, v62;
	[tilespmem:s14+$0xA220] =	vst v31  }
0xf5: {  	v16 =	vperm.xlane v30, v3;
	v35 =	vperm.xlane v61, v8;
	v22 =	vsel vm2, v22, v13;
	[tilespmem:s10+$0xA5A0] =	vst v28;
	v34 =	vld [tilespmem:s2+$0x200]  }
0xf6: {  	s22 =	ssub.s32 $0x75A, s0;
	v25 =	vperm.xlane v63, v9;
	v32 =	vsel vm5, v52, v20;
	v22 =	vnsel vm14, $0x0, v22;
	v33 =	vld [tilespmem:s2+$0x180]  }
0xf7: {  	s23 =	ssub.s32 $0x759, s0;
	vm15 =	vlt.u32 v1, s22;
	v15 =	vnsel vm13, $0x0, v32;
	v19 =	vsel vm6, v19, v35;
	[tilespmem:s10+$0xA530] =	vst v22  }
0xf8: {  	s24 =	sor.u32 $0x720, s7;
	s9 =	ssub.s32 $0x730, s0;
	vm12 =	vlt.u32 v1, s23;
	v21 =	vsel vm7, v21, v25;
	[tilespmem:s10+$0xA6A0] =	vst v15;
	v19 =	vnsel vm15, $0x0, v19;
	v22 =	vld [tilespmem:s3+$0x100]  }
0xf9: {  	s13 =	sadd.s32 $0xF0, s13;
	s29 =	ssub.s32 $0x74C, s0;
	s25 =	sor.u32 $0x7A0, s8;
	v12 =	vsel vm0, v41, v11;
	v37 =	vnsel vm12, $0x0, v21;
	vm12 =	vlt.u32 v1, s9;
	v36 =	vld [tilespmem:s2+$0x280];
	[tilespmem:s24+$0xA000] =	vst v19  }
0xfa: {  	s18 =	sshll.u32 s13, $0x3;
	v10 =	vsel vm1, v49, v16;
	s22 =	ssub.s32 $0x72F, s0;
	vm14 =	vlt.u32 v1, s29;
	[tilespmem:s25+$0xA000] =	vst v37;
	v12 =	vnsel vm12, $0x0, v12;
	v38 =	vld [tilespmem:s2+$0x300]  }
0xfb: {  	s26 =	ssub.s32 $0x74D, s0;
	s30 =	ssub.s32 $0x74B, s0;
	vm12 =	vlt.u32 v1, s22;
	v40 =	vld [tilespmem:s2+$0x380];
	s2 =	sand.u32 $0xC00, s18;
	v17 =	vperm.xlane v34, v6;
	v18 =	vperm.xlane v33, v5  }
0xfc: {  	s13 =	sand.u32 $0x70, s13;
	vm13 =	vlt.u32 v1, s26;
	vm15 =	vlt.u32 v1, s30;
	v10 =	vnsel vm12, $0x0, v10;
	s2 =	sadd.s32 s2, s12  }
0xfd: {  	[tilespmem:s10+$0xA450] =	vst v12;
	s2 =	sor.u32 s13, s2;
	v23 =	vsel vm4, v23, v17;
	v22 =	vperm.xlane v22, v4;
	v14 =	vsel vm3, v14, v18  }
0xfe: {  	s19 =	ssub.s32 $0x73E, s0;
	[tilespmem:s10+$0xA4D0] =	vst v10;
	v48 =	vld [tilespmem:s2+$0x0];
	v39 =	vperm.xlane v36, v7;
	v41 =	vnsel vm14, $0x0, v23;
	v14 =	vnsel vm13, $0x0, v14  }
0xff: {  	v58 =	vld [tilespmem:s2+$0x80];
	[tilespmem:s14+$0xA230] =	vst v41;
	v44 =	vperm.xlane v38, v8;
	v13 =	vsel vm2, v13, v22;
	vm13 =	vlt.u32 v1, s19  }
0x100: {  	s20 =	ssub.s32 $0x74A, s0;
	v24 =	vperm.xlane v40, v9;
	[tilespmem:s10+$0xA5B0] =	vst v14;
	v20 =	vsel vm5, v20, v39;
	v43 =	vld [tilespmem:s3+$0x200];
	v46 =	vnsel vm13, $0x0, v13  }
0x101: {  	s21 =	ssub.s32 $0x749, s0;
	vm14 =	vlt.u32 v1, s20;
	v42 =	vld [tilespmem:s3+$0x180];
	v20 =	vnsel vm15, $0x0, v20;
	v47 =	vsel vm6, v35, v44;
	[tilespmem:s10+$0xA540] =	vst v46  }
0x102: {  	s23 =	sor.u32 $0x730, s7;
	v50 =	vsel vm7, v25, v24;
	vm15 =	vlt.u32 v1, s21;
	[tilespmem:s10+$0xA6B0] =	vst v20;
	v49 =	vnsel vm14, $0x0, v47;
	v51 =	vld [tilespmem:s15+$0x100]  }
0x103: {  	s24 =	sor.u32 $0x7B0, s8;
	v13 =	vnsel vm15, $0x0, v50;
	v45 =	vld [tilespmem:s3+$0x280];
	[tilespmem:s23+$0xA000] =	vst v49  }
0x104: {  	[tilespmem:s24+$0xA000] =	vst v13;
	v52 =	vld [tilespmem:s3+$0x300]  }
0x105: {  	s26 =	ssub.s32 $0x73C, s0;
	s25 =	ssub.s32 $0x73D, s0;
	v55 =	vld [tilespmem:s3+$0x380];
	v23 =	vperm.xlane v43, v6  }
0x106: {  	s29 =	ssub.s32 $0x73B, s0;
	vm13 =	vlt.u32 v1, s25;
	vm14 =	vlt.u32 v1, s26;
	v14 =	vperm.xlane v42, v5  }
0x107: {  	vm15 =	vlt.u32 v1, s29;
	v63 =	vperm.xlane v48, v2;
	v57 =	vsel vm4, v17, v23  }
0x108: {  	v53 =	vsel vm3, v18, v14;
	v54 =	vperm.xlane v45, v7;
	v59 =	vnsel vm14, $0x0, v57  }
0x109: {  	v12 =	vperm.xlane v51, v4;
	v56 =	vnsel vm13, $0x0, v53;
	[tilespmem:s14+$0xA240] =	vst v59;
	v29 =	vperm.xlane v52, v8  }
0x10a: {  	s9 =	ssub.s32 $0x73A, s0;
	v17 =	vperm.xlane v58, v3;
	v21 =	vperm.xlane v55, v9;
	[tilespmem:s10+$0xA5C0] =	vst v56;
	v60 =	vsel vm5, v39, v54;
	v28 =	vld [tilespmem:s15+$0x200]  }
0x10b: {  	s12 =	ssub.s32 $0x739, s0;
	vm13 =	vlt.u32 v1, s9;
	v61 =	vld [tilespmem:s15+$0x180];
	v62 =	vnsel vm15, $0x0, v60;
	v20 =	vsel vm6, v44, v29  }
0x10c: {  	s30 =	ssub.s32 $0x72E, s0;
	s13 =	sor.u32 $0x740, s7;
	vm14 =	vlt.u32 v1, s12;
	v31 =	vsel vm7, v24, v21;
	[tilespmem:s10+$0xA6C0] =	vst v62;
	v20 =	vnsel vm13, $0x0, v20  }
0x10d: {  	s16 =	sor.u32 $0x7C0, s8;
	vm12 =	vlt.u32 v1, s30;
	v33 =	vnsel vm14, $0x0, v31;
	v30 =	vld [tilespmem:s15+$0x280];
	[tilespmem:s13+$0xA000] =	vst v20  }
0x10e: {  	s19 =	ssub.s32 $0x72C, s0;
	v11 =	vsel vm0, v11, v63;
	v22 =	vsel vm2, v22, v12;
	v16 =	vsel vm1, v16, v17;
	[tilespmem:s16+$0xA000] =	vst v33;
	v34 =	vld [tilespmem:s15+$0x300]  }
0x10f: {  	s18 =	ssub.s32 $0x72D, s0;
	s21 =	ssub.s32 $0x720, s0;
	v22 =	vnsel vm12, $0x0, v22;
	vm12 =	vlt.u32 v1, s19;
	v36 =	vld [tilespmem:s15+$0x380];
	v15 =	vperm.xlane v28, v6  }
0x110: {  	s20 =	ssub.s32 $0x72B, s0;
	vm15 =	vlt.u32 v1, s18;
	vm14 =	vlt.u32 v1, s21;
	v19 =	vperm.xlane v61, v5  }
0x111: {  	[tilespmem:s10+$0xA550] =	vst v22;
	vm13 =	vlt.u32 v1, s20;
	v11 =	vnsel vm14, $0x0, v11;
	v23 =	vsel vm4, v23, v15  }
0x112: {  	s22 =	ssub.s32 $0x71F, s0;
	v32 =	vld [tilespmem:s2+$0x100];
	[tilespmem:s10+$0xA460] =	vst v11;
	v14 =	vsel vm3, v14, v19;
	v35 =	vperm.xlane v30, v7;
	v37 =	vnsel vm12, $0x0, v23  }
0x113: {  	v14 =	vnsel vm15, $0x0, v14;
	[tilespmem:s14+$0xA250] =	vst v37;
	vm15 =	vlt.u32 v1, s22;
	v22 =	vperm.xlane v34, v8  }
0x114: {  	s23 =	ssub.s32 $0x72A, s0;
	v44 =	vld [tilespmem:s11+$0x800];
	v41 =	vperm.xlane v36, v9;
	[tilespmem:s10+$0xA5D0] =	vst v14;
	v18 =	vsel vm5, v54, v35;
	v16 =	vnsel vm15, $0x0, v16  }
0x115: {  	s24 =	ssub.s32 $0x729, s0;
	vm12 =	vlt.u32 v1, s23;
	v18 =	vnsel vm13, $0x0, v18;
	v38 =	vld [tilespmem:s2+$0x180];
	v10 =	vsel vm6, v29, v22;
	[tilespmem:s10+$0xA4E0] =	vst v16  }
0x116: {  	s26 =	sor.u32 $0x750, s7;
	v40 =	vld [tilespmem:s2+$0x200];
	v45 =	vsel vm7, v21, v41;
	vm13 =	vlt.u32 v1, s24;
	[tilespmem:s10+$0xA6D0] =	vst v18;
	v10 =	vnsel vm12, $0x0, v10  }
0x117: {  	s29 =	sor.u32 $0x7D0, s8;
	v39 =	vperm.xlane v32, v4;
	v16 =	vnsel vm13, $0x0, v45;
	v43 =	vld [tilespmem:s2+$0x280];
	[tilespmem:s26+$0xA000] =	vst v10  }
0x118: {  	s25 =	ssub.s32 $0x71E, s0;
	s19 =	ssub.s32 $0x70F, s0;
	[tilespmem:s29+$0xA000] =	vst v16;
	v48 =	vld [tilespmem:s2+$0x300]  }
0x119: {  	s30 =	ssub.s32 $0x71D, s0;
	vm9 =	vlt.u32 v1, s19;
	vm14 =	vlt.u32 v1, s25;
	v42 =	vsel vm2, v12, v39;
	v51 =	vld [tilespmem:s2+$0x380]  }
0x11a: {  	s3 =	ssub.s32 $0x71C, s0;
	v47 =	vnsel vm14, $0x0, v42;
	vm15 =	vlt.u32 v1, s30;
	v23 =	vperm.xlane v38, v5  }
0x11b: {  	s9 =	ssub.s32 $0x71B, s0;
	v2 =	vperm.xlane v44, v2;
	vm12 =	vlt.u32 v1, s3;
	v50 =	vperm.xlane v40, v6  }
0x11c: {  	[tilespmem:s10+$0xA560] =	vst v47;
	v46 =	vld [tilespmem:s11+$0x880];
	vm13 =	vlt.u32 v1, s9;
	v49 =	vsel vm3, v19, v23;
	v12 =	vperm.xlane v43, v7  }
0x11d: {  	v52 =	vld [tilespmem:s11+$0x900];
	v53 =	vsel vm4, v15, v50;
	v10 =	vnsel vm15, $0x0, v49;
	v11 =	vperm.xlane v48, v8  }
0x11e: {  	s12 =	ssub.s32 $0x71A, s0;
	v19 =	vperm.xlane v51, v9;
	[tilespmem:s10+$0xA5E0] =	vst v10;
	v10 =	vnsel vm12, $0x0, v53;
	v20 =	vsel vm5, v35, v12  }
0x11f: {  	s13 =	ssub.s32 $0x719, s0;
	vm14 =	vlt.u32 v1, s12;
	v54 =	vld [tilespmem:s11+$0x980];
	[tilespmem:s14+$0xA260] =	vst v10;
	v55 =	vnsel vm13, $0x0, v20;
	v58 =	vsel vm6, v22, v11  }
0x120: {  	s18 =	ssub.s32 $0x710, s0;
	s15 =	sor.u32 $0x760, s7;
	vm15 =	vlt.u32 v1, s13;
	v18 =	vsel vm7, v41, v19;
	[tilespmem:s10+$0xA6E0] =	vst v55;
	v56 =	vld [tilespmem:s11+$0xA00];
	v21 =	vnsel vm14, $0x0, v58  }
0x121: {  	vm8 =	vlt.u32 v1, s18;
	s20 =	ssub.s32 $0x70E, s0;
	s16 =	sor.u32 $0x7E0, s8;
	v3 =	vperm.xlane v46, v3;
	v18 =	vnsel vm15, $0x0, v18;
	v57 =	vld [tilespmem:s11+$0xA80];
	[tilespmem:s15+$0xA000] =	vst v21  }
0x122: {  	s21 =	ssub.s32 $0x70D, s0;
	vm10 =	vlt.u32 v1, s20;
	v2 =	vsel vm0, v63, v2;
	v4 =	vperm.xlane v52, v4;
	[tilespmem:s16+$0xA000] =	vst v18;
	v59 =	vld [tilespmem:s11+$0xB00]  }
0x123: {  	vm11 =	vlt.u32 v1, s21;
	v2 =	vnsel vm8, $0x0, v2;
	v3 =	vsel vm1, v17, v3;
	v60 =	vld [tilespmem:s11+$0xB80]  }
0x124: {  	s22 =	ssub.s32 $0x70C, s0;
	[tilespmem:s10+$0xA470] =	vst v2;
	v4 =	vsel vm2, v39, v4;
	v2 =	vnsel vm9, $0x0, v3;
	v5 =	vperm.xlane v54, v5  }
0x125: {  	s23 =	ssub.s32 $0x70B, s0;
	vm12 =	vlt.u32 v1, s22;
	[tilespmem:s10+$0xA4F0] =	vst v2;
	v2 =	vnsel vm10, $0x0, v4;
	v6 =	vperm.xlane v56, v6  }
0x126: {  	vm13 =	vlt.u32 v1, s23;
	v5 =	vsel vm3, v23, v5;
	v7 =	vperm.xlane v57, v7  }
0x127: {  	p0 =	slt.u32 s0, $0x18;
	[tilespmem:s10+$0xA570] =	vst v2;
	v6 =	vsel vm4, v50, v6;
	v2 =	vperm.xlane v59, v8;
	v61 =	vnsel vm11, $0x0, v5  }
.Ltmp0:
0x128: {  	s24 =	ssub.s32 $0x70A, s0;
	v62 =	vperm.xlane v60, v9;
	v3 =	vsel vm5, v12, v7;
	[tilespmem:s10+$0xA5F0] =	vst v61;
	v63 =	vnsel vm12, $0x0, v6;
	(pc) =	sbr.rel @p0 .LBB2_3-.Ltmp0, $4  }
0x129: {  	s25 =	ssub.s32 $0x709, s0;
	vm14 =	vlt.u32 v1, s24;
	v2 =	vsel vm6, v11, v2;
	[tilespmem:s14+$0xA270] =	vst v63;
	v3 =	vnsel vm13, $0x0, v3  }
0x12a: {  	s26 =	sor.u32 $0x770, s7;
	vm15 =	vlt.u32 v1, s25;
	[tilespmem:s10+$0xA6F0] =	vst v3;
	v2 =	vnsel vm14, $0x0, v2;
	v3 =	vsel vm7, v19, v62  }
0x12b: {  	s30 =	sadd.s32 $0x8, s0;
	s29 =	sor.u32 $0x7F0, s8;
	[tilespmem:s26+$0xA000] =	vst v2;
	v2 =	vnsel vm15, $0x0, v3  }
0x12c: {  	s0 =	smov.u32 s30;
	[tilespmem:s29+$0xA000] =	vst v2  }
0x12d: {  	s0 =	sshll.u32 s31, $0x1  }
0x12e: {  	s2 =	smin.u32 s0, $0x5  }
0x12f: {  	s3 =	rddreg [dreg:$0x6];
	s2 =	sshll.u32 s2, $0xA  }
0x130: {  	s2 =	sadd.s32 s3, s2  }
0x131: {  	s3 =	sand.u32 $0x7E0, s2  }
0x132: {  	s3 =	ssub.s32 s3, s6  }
0x133: {  	p0 =	slt.s32 s3, $0x680  }
0x134: {  	s7 =	rddreg [dreg:$0x0];
	s2 =	sshll.u32 s2, $0x8;
	s3 =	simm.s32 @!p0 $0x680  }
0x135: {  	s2 =	sadd.s32 s7, s2;
	s3 =	sand.u32 $0xFFFFF80, s3  }
0x136: {  	s10 =	simm.s32 $0x0;
	s2 =	sadd.s32 s3, s2  }
0x137: {  	[tilespmem:s10], [sflag:$0x1] =	stream.linear.gather [hbm4b:s2+s10], $0xC00, $0x38;
	[tilespmem:$0x1A000] =	vst v63  }
0x138: {  	s21 =	simm.s32 $0x1400;
	s23 =	simm.s32 $0x2800;
	s3 =	sadd.s32 $0x800, s2  }
0x139: {  	[tilespmem:s21], [sflag:$0x1] =	stream.linear.gather [hbm4b:s3+s10], $0xC00, $0x38;
	[tilespmem:$0x1A000] =	vst v63  }
0x13a: {  	s24 =	simm.s32 $0x3C00;
	s25 =	sor.u32 s5, s1;
	s22 =	sadd.s32 $0x1000, s2  }
0x13b: {  	[tilespmem:s23], [sflag:$0x1] =	stream.linear.gather [hbm4b:s22+s10], $0xC00, $0x38;
	[tilespmem:$0x1A000] =	vst v63  }
0x13c: {  	s26 =	sshll.u32 s31, $0xE;
	s11 =	sor.u32 $0x20, s1;
	s2 =	sadd.s32 $0x1800, s2  }
0x13d: {  	[tilespmem:s24], [sflag:$0x1] =	stream.linear.gather [hbm4b:s2+s10], $0xC00, $0x38;
	[tilespmem:$0x1A000] =	vst v63  }
0x13e: {  	s1 =	sor.u32 s5, s11;
	s3 =	sand.u32 $0x3FFFC000, s26;
	s2 =	sshll.u32 s25, $0xA  }
0x13f: {  	s29 =	sshll.u32 s1, $0x5;
	s3 =	sadd.s32 $0xA000, s3;
	s2 =	sadd.s32 s17, s2  }
0x140: {  	[hbm4b:s2+s10] =	stream.linear.scatter [tilespmem:s3], [sflag:$0x3], $0x2000, $0x38;
	[tilespmem:$0x1A000] =	vst v63  }
0x141: {  	s30 =	rddreg [dreg:$0xe];
	s2 =	sand.u32 $0x7E0, s29  }
0x142: {  	s12 =	ssub.s32 s2, s30  }
0x143: {  	_ =	swait.ge [sflag:s28], $0x3000;
	s3 =	sshll.u32 s12, $0x3  }
0x144: {  	[sflag:s28] =	ssyncset.done $0x0;
	s3 =	sand.u32 $0xFFFFFC00, s3  }
0x145: {  	s26 =	smov.u32 s17;
	v2 =	vor.u32 s2, v0;
	[sflag:s28] =	ssyncadd.s32 $0xFFFFD000;
	[dreg:$0x3] =	wrdreg s3  }
.LBB2_5:
0x146: {  	s2 =	sshrl.u32 s10, $0x3  }
0x147: {  	s3 =	sand.u32 $0x10, s10;
	s2 =	smul.u32 $0x5000, s2  }
0x148: {  	s16 =	sor.u32 s12, s3  }
0x149: {  	s7 =	sadd.s32 $0x10, s16;
	s2 =	sshra.s32 s2, $0x2  }
0x14a: {  	s29 =	rddreg [dreg:$0x3];
	s30 =	sshll.u32 s7, $0x3;
	s15 =	sadd.s32 $0x5000, s2  }
0x14b: {  	s8 =	sand.u32 $0x70, s16;
	s2 =	sand.u32 $0xFFFFFC00, s30;
	s3 =	sadd.s32 s29, s15  }
0x14c: {  	s9 =	sand.u32 $0x70, s7;
	s2 =	sadd.s32 s2, s15;
	s14 =	sadd.s32 s8, s3  }
0x14d: {  	s7 =	sor.u32 s9, s2;
	v4 =	vld [tilespmem:s14+$0x0]  }
0x14e: {  	v5 =	vld [tilespmem:s7+$0x0];
	_ =	sdelay $0x1  }
0x14f: {  	s8 =	sand.u32 $0x8, s10  }
0x150: {  	v3 =	vadd.s32 s8, v0  }
0x151: {  	s13 =	ssub.s32 $0x10, s8;
	v3 =	vand.u32 $0xF, v3  }
0x152: {  	s17 =	sadd.s32 $0x20, s16;
	v6 =	vmov s13;
	v4 =	vperm.xlane v4, v3;
	v5 =	vperm.xlane v5, v3  }
0x153: {  	s18 =	ssub.s32 $0x800, s10;
	s19 =	sshll.u32 s17, $0x3;
	s13 =	sadd.s32 s11, s10;
	vm0 =	vgt.u32 v6, v0  }
0x154: {  	vm1 =	vlt.u32 v2, s18;
	s19 =	sand.u32 $0xFFFFFC00, s19;
	s20 =	sshll.u32 s13, $0x8;
	v4 =	vsel vm0, v4, v5  }
0x155: {  	s21 =	sadd.s32 s19, s15;
	s2 =	sand.u32 $0x70, s17;
	s13 =	sand.u32 $0x3FFFFF00, s20;
	v4 =	vnsel vm1, $0x0, v4  }
0x156: {  	v34 =	vld [tilespmem:s14+$0x80];
	s20 =	sor.u32 s2, s21;
	[tilespmem:s13+$0xA000] =	vst v4  }
0x157: {  	v4 =	vld [tilespmem:s20+$0x0]  }
0x158: {  	v7 =	vld [tilespmem:s7+$0x80];
	_ =	sdelay $0x1  }
0x159: {  	s22 =	sor.u32 $0x1, s8  }
0x15a: {  	v8 =	vadd.s32 s22, v0  }
0x15b: {  	s24 =	sxor.u32 $0xF, s8;
	v9 =	vperm.xlane v4, v3;
	v4 =	vand.u32 $0xF, v8  }
0x15c: {  	v35 =	vmov s24;
	v6 =	vperm.xlane v34, v4;
	v7 =	vperm.xlane v7, v4  }
0x15d: {  	s30 =	sxor.u32 $0x7FF, s10;
	vm1 =	vgt.u32 v35, v0  }
0x15e: {  	s25 =	ssub.s32 $0x7F0, s10;
	vm11 =	vlt.u32 v2, s30;
	v6 =	vsel vm1, v6, v7  }
0x15f: {  	vm2 =	vlt.u32 v2, s25;
	v5 =	vsel vm0, v5, v9;
	v36 =	vnsel vm11, $0x0, v6  }
0x160: {  	v5 =	vnsel vm2, $0x0, v5;
	[tilespmem:s13+$0xA080] =	vst v36  }
0x161: {  	s23 =	sadd.s32 $0x30, s16;
	[tilespmem:s13+$0xA010] =	vst v5;
	v5 =	vld [tilespmem:s20+$0x80]  }
0x162: {  	s21 =	sshll.u32 s23, $0x3  }
0x163: {  	s29 =	sand.u32 $0xFFFFFC00, s21  }
0x164: {  	s2 =	sand.u32 $0x70, s23;
	s3 =	sadd.s32 s29, s15  }
0x165: {  	s3 =	sor.u32 s2, s3  }
0x166: {  	v37 =	vld [tilespmem:s3+$0x0];
	v5 =	vperm.xlane v5, v4  }
0x167: {  	s23 =	ssub.s32 $0x7EF, s10  }
0x168: {  	vm13 =	vlt.u32 v2, s23;
	v7 =	vsel vm1, v7, v5  }
0x169: {  	v7 =	vnsel vm13, $0x0, v7  }
0x16a: {  	[tilespmem:s13+$0xA090] =	vst v7  }
0x16b: {  	s9 =	sadd.s32 $0x40, s16;
	v6 =	vperm.xlane v37, v3;
	v7 =	vld [tilespmem:s3+$0x80]  }
0x16c: {  	s17 =	ssub.s32 $0x7E0, s10;
	s18 =	sshll.u32 s9, $0x3  }
0x16d: {  	vm12 =	vlt.u32 v2, s17;
	s22 =	sand.u32 $0xFFFFFC00, s18;
	v38 =	vsel vm0, v9, v6  }
0x16e: {  	s19 =	sadd.s32 s22, s15;
	s2 =	sand.u32 $0x70, s9;
	v8 =	vnsel vm12, $0x0, v38  }
0x16f: {  	s25 =	sor.u32 s2, s19;
	[tilespmem:s13+$0xA020] =	vst v8  }
0x170: {  	v8 =	vld [tilespmem:s25+$0x0];
	v7 =	vperm.xlane v7, v4  }
0x171: {  	s17 =	ssub.s32 $0x7DF, s10  }
0x172: {  	vm15 =	vlt.u32 v2, s17;
	v5 =	vsel vm1, v5, v7  }
0x173: {  	v5 =	vnsel vm15, $0x0, v5  }
0x174: {  	[tilespmem:s13+$0xA0A0] =	vst v5  }
0x175: {  	s24 =	sadd.s32 $0x50, s16;
	v8 =	vperm.xlane v8, v3;
	v5 =	vld [tilespmem:s25+$0x80]  }
0x176: {  	s30 =	sshll.u32 s24, $0x3;
	s29 =	ssub.s32 $0x7D0, s10  }
0x177: {  	vm14 =	vlt.u32 v2, s29;
	s9 =	sand.u32 $0xFFFFFC00, s30;
	v6 =	vsel vm0, v6, v8  }
0x178: {  	s2 =	sand.u32 $0x70, s24;
	s19 =	sadd.s32 s9, s15;
	v6 =	vnsel vm14, $0x0, v6  }
0x179: {  	s24 =	sor.u32 s2, s19;
	[tilespmem:s13+$0xA030] =	vst v6  }
0x17a: {  	v6 =	vld [tilespmem:s24+$0x0];
	v5 =	vperm.xlane v5, v4  }
0x17b: {  	s29 =	ssub.s32 $0x7CF, s10  }
0x17c: {  	vm5 =	vlt.u32 v2, s29;
	v7 =	vsel vm1, v7, v5  }
0x17d: {  	v7 =	vnsel vm5, $0x0, v7  }
0x17e: {  	[tilespmem:s13+$0xA0B0] =	vst v7  }
0x17f: {  	s18 =	sadd.s32 $0x60, s16;
	v6 =	vperm.xlane v6, v3;
	v7 =	vld [tilespmem:s24+$0x80]  }
0x180: {  	s22 =	sshll.u32 s18, $0x3;
	s21 =	ssub.s32 $0x7C0, s10  }
0x181: {  	s23 =	sand.u32 $0xFFFFFC00, s22;
	vm4 =	vlt.u32 v2, s21;
	v8 =	vsel vm0, v8, v6  }
0x182: {  	s2 =	sand.u32 $0x70, s18;
	s19 =	sadd.s32 s23, s15;
	v8 =	vnsel vm4, $0x0, v8  }
0x183: {  	s19 =	sor.u32 s2, s19;
	[tilespmem:s13+$0xA040] =	vst v8  }
0x184: {  	v8 =	vld [tilespmem:s19+$0x0];
	v7 =	vperm.xlane v7, v4  }
0x185: {  	s18 =	ssub.s32 $0x7BF, s10  }
0x186: {  	vm7 =	vlt.u32 v2, s18;
	v5 =	vsel vm1, v5, v7  }
0x187: {  	v5 =	vnsel vm7, $0x0, v5  }
0x188: {  	[tilespmem:s13+$0xA0C0] =	vst v5  }
0x189: {  	s30 =	sadd.s32 $0x70, s16;
	v8 =	vperm.xlane v8, v3;
	v5 =	vld [tilespmem:s19+$0x80]  }
0x18a: {  	s9 =	ssub.s32 $0x7B0, s10;
	s22 =	sshll.u32 s30, $0x3  }
0x18b: {  	vm6 =	vlt.u32 v2, s9;
	s17 =	sand.u32 $0xFFFFFC00, s22;
	v6 =	vsel vm0, v6, v8  }
0x18c: {  	s2 =	sand.u32 $0x70, s30;
	s21 =	sadd.s32 s17, s15;
	v6 =	vnsel vm6, $0x0, v6  }
0x18d: {  	s2 =	sor.u32 s2, s21;
	[tilespmem:s13+$0xA050] =	vst v6  }
0x18e: {  	v6 =	vld [tilespmem:s2+$0x0];
	v5 =	vperm.xlane v5, v4  }
0x18f: {  	s29 =	ssub.s32 $0x7AF, s10  }
0x190: {  	vm9 =	vlt.u32 v2, s29;
	v7 =	vsel vm1, v7, v5  }
0x191: {  	v7 =	vnsel vm9, $0x0, v7  }
0x192: {  	[tilespmem:s13+$0xA0D0] =	vst v7  }
0x193: {  	v6 =	vperm.xlane v6, v3;
	v7 =	vld [tilespmem:s2+$0x80]  }
0x194: {  	s23 =	ssub.s32 $0x7A0, s10  }
0x195: {  	v39 =	vld [tilespmem:s14+$0x100];
	vm8 =	vlt.u32 v2, s23;
	v8 =	vsel vm0, v8, v6  }
0x196: {  	v10 =	vld [tilespmem:s7+$0x100];
	v8 =	vnsel vm8, $0x0, v8  }
0x197: {  	s9 =	ssub.s32 $0x79F, s10;
	s30 =	sor.u32 $0x2, s8;
	[tilespmem:s13+$0xA060] =	vst v8  }
0x198: {  	s17 =	sadd.s32 $0x90, s16;
	vm10 =	vlt.u32 v2, s9;
	s18 =	sxor.u32 $0xE, s8;
	s23 =	ssub.s32 $0x790, s10;
	v8 =	vld [tilespmem:s14+$0x400];
	v7 =	vperm.xlane v7, v4  }
0x199: {  	v40 =	vadd.s32 s30, v0;
	s29 =	sshll.u32 s17, $0x3;
	v41 =	vmov s18;
	vm3 =	vlt.u32 v2, s23;
	s21 =	sand.u32 $0x70, s17;
	s17 =	sxor.u32 $0xD, s8  }
0x19a: {  	s9 =	sor.u32 $0x3, s8;
	s23 =	sand.u32 $0xFFFFFC00, s29;
	v46 =	vmov s17;
	v11 =	vsel vm1, v5, v7;
	v5 =	vand.u32 $0xF, v40  }
0x19b: {  	v15 =	vld [tilespmem:s14+$0x180];
	s29 =	ssub.s32 $0x7FE, s10;
	s17 =	sor.u32 $0x5, s8;
	s22 =	sadd.s32 s23, s15;
	v9 =	vperm.xlane v39, v5;
	v10 =	vperm.xlane v10, v5;
	v11 =	vnsel vm10, $0x0, v11  }
0x19c: {  	v16 =	vld [tilespmem:s7+$0x180];
	v45 =	vadd.s32 s9, v0;
	s8 =	sxor.u32 $0xB, s8;
	vm2 =	vgt.u32 v41, v0;
	vm11 =	vlt.u32 v2, s29;
	s29 =	sor.u32 s21, s22;
	s22 =	sor.u32 $0x4, s10;
	[tilespmem:s13+$0xA0E0] =	vst v11  }
0x19d: {  	s9 =	ssub.s32 $0x7FD, s10;
	v23 =	vmov s8;
	s8 =	sor.u32 $0x6, s10;
	s18 =	sand.u32 $0xC, s22;
	v12 =	vperm.xlane v8, v3;
	v8 =	vsel vm2, v9, v10;
	v42 =	vld [tilespmem:s14+$0x480]  }
0x19e: {  	v44 =	vld [tilespmem:s14+$0x200];
	s21 =	ssub.s32 $0x10, s18;
	vm5 =	vlt.u32 v2, s9;
	s9 =	sand.u32 $0xE, s8;
	v8 =	vnsel vm11, $0x0, v8  }
0x19f: {  	s30 =	ssub.s32 $0x78F, s10;
	v53 =	vadd.s32 s17, v0;
	v50 =	vadd.s32 s18, v0;
	s18 =	ssub.s32 $0x7FC, s10;
	v52 =	vmov s21;
	s17 =	ssub.s32 $0x10, s9;
	[tilespmem:s13+$0xA100] =	vst v8  }
0x1a0: {  	vm12 =	vlt.u32 v2, s30;
	v60 =	vmov s17;
	s17 =	ssub.s32 $0x7FA, s10;
	vm6 =	vlt.u32 v2, s18;
	s18 =	sor.u32 $0x7, s10;
	v8 =	vld [tilespmem:s20+$0x100]  }
0x1a1: {  	v17 =	vld [tilespmem:s7+$0x200];
	vm4 =	vgt.u32 v52, v0;
	v58 =	vadd.s32 s9, v0;
	vm14 =	vlt.u32 v2, s17;
	s9 =	sand.u32 $0xF, s18  }
0x1a2: {  	v49 =	vld [tilespmem:s14+$0x280];
	s23 =	sor.u32 s11, s22;
	s30 =	ssub.s32 $0x7EE, s10;
	v62 =	vadd.s32 s9, v0;
	s22 =	ssub.s32 $0x10, s9;
	v6 =	vsel vm0, v6, v12;
	v13 =	vperm.xlane v42, v4  }
0x1a3: {  	v51 =	vld [tilespmem:s7+$0x280];
	v27 =	vmov s22;
	vm8 =	vlt.u32 v2, s30;
	s30 =	ssub.s32 $0x7FB, s10;
	v6 =	vnsel vm3, $0x0, v6  }
0x1a4: {  	vm13 =	vlt.u32 v2, s30;
	vm3 =	vgt.u32 v46, v0;
	[tilespmem:s13+$0xA070] =	vst v6;
	v6 =	vsel vm1, v7, v13  }
0x1a5: {  	v21 =	vld [tilespmem:s14+$0x300];
	v7 =	vand.u32 $0xF, v50;
	v18 =	vnsel vm12, $0x0, v6;
	v14 =	vperm.xlane v8, v5  }
0x1a6: {  	v22 =	vld [tilespmem:s7+$0x300];
	v6 =	vand.u32 $0xF, v45;
	v9 =	vperm.xlane v44, v7;
	v17 =	vperm.xlane v17, v7  }
0x1a7: {  	v25 =	vld [tilespmem:s14+$0x380];
	v8 =	vand.u32 $0xF, v53;
	v47 =	vperm.xlane v15, v6;
	v48 =	vperm.xlane v16, v6  }
0x1a8: {  	v56 =	vld [tilespmem:s7+$0x380];
	s7 =	sshll.u32 s23, $0x8;
	v16 =	vperm.xlane v49, v8;
	v24 =	vperm.xlane v51, v8;
	v9 =	vsel vm4, v9, v17  }
0x1a9: {  	s21 =	sand.u32 $0xF800, s7;
	v19 =	vsel vm2, v10, v14;
	v10 =	vand.u32 $0xF, v62;
	v55 =	vnsel vm6, $0x0, v9  }
0x1aa: {  	v43 =	vld [tilespmem:s29+$0x0];
	v20 =	vsel vm3, v47, v48;
	v9 =	vand.u32 $0xF, v58;
	vm6 =	vgt.u32 v60, v0;
	[tilespmem:s21+$0xA200] =	vst v55  }
0x1ab: {  	[tilespmem:s13+$0xA0F0] =	vst v18;
	v19 =	vnsel vm8, $0x0, v19;
	v54 =	vnsel vm5, $0x0, v20;
	vm5 =	vgt.u32 v23, v0;
	v63 =	vld [tilespmem:s20+$0x200]  }
0x1ac: {  	v18 =	vld [tilespmem:s29+$0x80];
	v61 =	vperm.xlane v21, v9;
	v22 =	vperm.xlane v22, v9;
	v57 =	vsel vm5, v16, v24;
	[tilespmem:s13+$0xA180] =	vst v54  }
0x1ad: {  	s8 =	sor.u32 s11, s8;
	s30 =	ssub.s32 $0x7F9, s10;
	v25 =	vperm.xlane v25, v10;
	v23 =	vperm.xlane v56, v10;
	[tilespmem:s13+$0xA110] =	vst v19;
	v59 =	vnsel vm13, $0x0, v57;
	v26 =	vld [tilespmem:s20+$0x180]  }
0x1ae: {  	s8 =	sshll.u32 s8, $0x8;
	s23 =	sor.u32 s11, s18;
	vm7 =	vgt.u32 v27, v0;
	vm15 =	vlt.u32 v2, s30;
	v30 =	vld [tilespmem:s3+$0x100];
	v16 =	vsel vm6, v61, v22;
	[tilespmem:s13+$0xA280] =	vst v59  }
0x1af: {  	s22 =	sand.u32 $0xF800, s8;
	s30 =	sshll.u32 s23, $0x8;
	v11 =	vperm.xlane v43, v3;
	v29 =	vsel vm7, v25, v23;
	v16 =	vnsel vm14, $0x0, v16;
	v28 =	vld [tilespmem:s20+$0x280]  }
0x1b0: {  	s18 =	ssub.s32 $0x7EC, s10;
	s9 =	ssub.s32 $0x7ED, s10;
	s23 =	sand.u32 $0xF800, s30;
	v31 =	vnsel vm15, $0x0, v29;
	[tilespmem:s22+$0xA300] =	vst v16;
	v33 =	vperm.xlane v63, v7  }
0x1b1: {  	v32 =	vsel vm0, v12, v11;
	vm12 =	vlt.u32 v2, s9;
	vm13 =	vlt.u32 v2, s18;
	[tilespmem:s23+$0xA380] =	vst v31;
	v34 =	vld [tilespmem:s20+$0x300]  }
0x1b2: {  	s18 =	ssub.s32 $0x780, s10;
	v12 =	vperm.xlane v18, v4;
	v36 =	vld [tilespmem:s20+$0x380];
	v26 =	vperm.xlane v26, v6;
	v17 =	vsel vm4, v17, v33  }
0x1b3: {  	vm9 =	vlt.u32 v2, s18;
	s18 =	ssub.s32 $0x7DE, s10;
	v39 =	vperm.xlane v30, v5;
	v37 =	vnsel vm13, $0x0, v17  }
0x1b4: {  	s17 =	sadd.s32 $0xA0, s16;
	vm15 =	vlt.u32 v2, s18;
	s20 =	ssub.s32 $0x7EB, s10;
	v15 =	vsel vm3, v48, v26;
	v35 =	vperm.xlane v28, v8;
	[tilespmem:s21+$0xA210] =	vst v37  }
0x1b5: {  	vm14 =	vlt.u32 v2, s20;
	s20 =	sshll.u32 s17, $0x3;
	v14 =	vsel vm2, v14, v39;
	v15 =	vnsel vm12, $0x0, v15;
	v41 =	vld [tilespmem:s3+$0x200]  }
0x1b6: {  	s9 =	sand.u32 $0xFFFFFC00, s20;
	v14 =	vnsel vm15, $0x0, v14;
	v42 =	vperm.xlane v34, v9;
	[tilespmem:s13+$0xA190] =	vst v15;
	v38 =	vsel vm5, v24, v35  }
0x1b7: {  	v19 =	vnsel vm9, $0x0, v32;
	s18 =	ssub.s32 $0x7EA, s10;
	s17 =	sand.u32 $0x70, s17;
	s9 =	sadd.s32 s9, s15;
	v20 =	vperm.xlane v36, v10;
	[tilespmem:s13+$0xA120] =	vst v14;
	v40 =	vld [tilespmem:s3+$0x180];
	v17 =	vnsel vm14, $0x0, v38  }
0x1b8: {  	v13 =	vsel vm1, v13, v12;
	s20 =	sor.u32 s17, s9;
	s17 =	ssub.s32 $0x7E9, s10;
	vm12 =	vlt.u32 v2, s18;
	v48 =	vld [tilespmem:s25+$0x100];
	v44 =	vsel vm6, v22, v42;
	[tilespmem:s13+$0xA290] =	vst v17  }
0x1b9: {  	[tilespmem:s13+$0xA400] =	vst v19;
	s18 =	ssub.s32 $0x77F, s10;
	vm13 =	vlt.u32 v2, s17;
	v47 =	vsel vm7, v23, v20;
	v46 =	vnsel vm12, $0x0, v44;
	v43 =	vld [tilespmem:s3+$0x280]  }
0x1ba: {  	vm14 =	vlt.u32 v2, s18;
	v19 =	vnsel vm13, $0x0, v47;
	[tilespmem:s22+$0xA310] =	vst v46;
	v49 =	vperm.xlane v41, v7  }
0x1bb: {  	s17 =	ssub.s32 $0x7DC, s10;
	v13 =	vnsel vm14, $0x0, v13;
	[tilespmem:s23+$0xA390] =	vst v19;
	v50 =	vld [tilespmem:s3+$0x300]  }
0x1bc: {  	s18 =	ssub.s32 $0x7DD, s10;
	vm12 =	vlt.u32 v2, s17;
	v52 =	vld [tilespmem:s3+$0x380];
	v15 =	vperm.xlane v40, v6;
	v18 =	vsel vm4, v33, v49  }
0x1bd: {  	s9 =	ssub.s32 $0x7CE, s10;
	v45 =	vld [tilespmem:s20+$0x0];
	vm15 =	vlt.u32 v2, s18;
	v14 =	vperm.xlane v48, v5;
	v55 =	vnsel vm12, $0x0, v18  }
0x1be: {  	s18 =	ssub.s32 $0x7DB, s10;
	vm14 =	vlt.u32 v2, s9;
	v51 =	vsel vm3, v26, v15;
	v21 =	vperm.xlane v43, v8;
	[tilespmem:s21+$0xA220] =	vst v55  }
0x1bf: {  	[tilespmem:s13+$0xA480] =	vst v13;
	vm13 =	vlt.u32 v2, s18;
	v24 =	vsel vm2, v39, v14;
	v53 =	vnsel vm15, $0x0, v51;
	v59 =	vld [tilespmem:s25+$0x200]  }
0x1c0: {  	v54 =	vld [tilespmem:s20+$0x80];
	v24 =	vnsel vm14, $0x0, v24;
	v60 =	vperm.xlane v50, v9;
	[tilespmem:s13+$0xA1A0] =	vst v53;
	v16 =	vsel vm5, v35, v21  }
0x1c1: {  	s17 =	ssub.s32 $0x7DA, s10;
	v26 =	vperm.xlane v52, v10;
	[tilespmem:s13+$0xA130] =	vst v24;
	v56 =	vld [tilespmem:s25+$0x180];
	v57 =	vnsel vm13, $0x0, v16  }
0x1c2: {  	s18 =	ssub.s32 $0x7D9, s10;
	v58 =	vperm.xlane v45, v3;
	vm15 =	vlt.u32 v2, s17;
	v24 =	vld [tilespmem:s24+$0x100];
	v17 =	vsel vm6, v42, v60;
	[tilespmem:s13+$0xA2A0] =	vst v57  }
0x1c3: {  	vm12 =	vlt.u32 v2, s18;
	v20 =	vsel vm7, v20, v26;
	v17 =	vnsel vm15, $0x0, v17;
	v61 =	vld [tilespmem:s25+$0x280]  }
0x1c4: {  	s17 =	ssub.s32 $0x7CC, s10;
	v62 =	vnsel vm12, $0x0, v20;
	[tilespmem:s22+$0xA320] =	vst v17;
	v28 =	vperm.xlane v59, v7  }
0x1c5: {  	s9 =	ssub.s32 $0x7CD, s10;
	v63 =	vsel vm0, v11, v58;
	v11 =	vperm.xlane v54, v4;
	vm14 =	vlt.u32 v2, s17;
	[tilespmem:s23+$0xA3A0] =	vst v62;
	v29 =	vld [tilespmem:s25+$0x300]  }
0x1c6: {  	s18 =	ssub.s32 $0x7CB, s10;
	vm13 =	vlt.u32 v2, s9;
	v31 =	vld [tilespmem:s25+$0x380];
	v18 =	vperm.xlane v56, v6;
	v23 =	vsel vm4, v49, v28  }
0x1c7: {  	vm15 =	vlt.u32 v2, s18;
	s25 =	ssub.s32 $0x770, s10;
	v33 =	vperm.xlane v24, v5;
	v32 =	vnsel vm14, $0x0, v23  }
0x1c8: {  	s17 =	sadd.s32 $0xB0, s16;
	vm12 =	vlt.u32 v2, s25;
	s25 =	ssub.s32 $0x7BE, s10;
	v15 =	vsel vm3, v15, v18;
	v30 =	vperm.xlane v61, v8;
	[tilespmem:s21+$0xA230] =	vst v32  }
0x1c9: {  	s18 =	sshll.u32 s17, $0x3;
	v14 =	vsel vm2, v14, v33;
	v15 =	vnsel vm13, $0x0, v15;
	vm13 =	vlt.u32 v2, s25;
	v35 =	vld [tilespmem:s24+$0x200]  }
0x1ca: {  	s3 =	sand.u32 $0xFFFFFC00, s18;
	v36 =	vperm.xlane v29, v9;
	[tilespmem:s13+$0xA1B0] =	vst v15;
	v21 =	vsel vm5, v21, v30;
	v14 =	vnsel vm13, $0x0, v14  }
0x1cb: {  	v12 =	vsel vm1, v12, v11;
	s17 =	sand.u32 $0x70, s17;
	s18 =	ssub.s32 $0x7CA, s10;
	s3 =	sadd.s32 s3, s15;
	v25 =	vperm.xlane v31, v10;
	v34 =	vld [tilespmem:s24+$0x180];
	v21 =	vnsel vm15, $0x0, v21;
	[tilespmem:s13+$0xA140] =	vst v14  }
0x1cc: {  	v20 =	vnsel vm12, $0x0, v63;
	vm14 =	vlt.u32 v2, s18;
	s25 =	sor.u32 s17, s3;
	s17 =	ssub.s32 $0x7C9, s10;
	v13 =	vsel vm6, v60, v36;
	[tilespmem:s13+$0xA2B0] =	vst v21;
	v39 =	vld [tilespmem:s19+$0x100]  }
0x1cd: {  	[tilespmem:s13+$0xA410] =	vst v20;
	s18 =	ssub.s32 $0x76F, s10;
	v38 =	vsel vm7, v26, v25;
	vm15 =	vlt.u32 v2, s17;
	v13 =	vnsel vm14, $0x0, v13;
	v37 =	vld [tilespmem:s24+$0x280]  }
0x1ce: {  	vm12 =	vlt.u32 v2, s18;
	v20 =	vld [tilespmem:s25+$0x0];
	v14 =	vnsel vm15, $0x0, v38;
	[tilespmem:s22+$0xA330] =	vst v13;
	v24 =	vperm.xlane v35, v7  }
0x1cf: {  	v12 =	vnsel vm12, $0x0, v12;
	s17 =	ssub.s32 $0x7BC, s10;
	[tilespmem:s23+$0xA3B0] =	vst v14;
	v40 =	vld [tilespmem:s24+$0x300]  }
0x1d0: {  	s9 =	ssub.s32 $0x7BD, s10;
	[tilespmem:s13+$0xA490] =	vst v12;
	vm14 =	vlt.u32 v2, s17;
	v43 =	vld [tilespmem:s24+$0x380];
	v15 =	vperm.xlane v34, v6;
	v45 =	vsel vm4, v28, v24  }
0x1d1: {  	s18 =	ssub.s32 $0x7BB, s10;
	vm13 =	vlt.u32 v2, s9;
	v46 =	vld [tilespmem:s25+$0x80];
	v49 =	vperm.xlane v39, v5;
	v47 =	vnsel vm14, $0x0, v45  }
0x1d2: {  	vm15 =	vlt.u32 v2, s18;
	s24 =	ssub.s32 $0x7AE, s10;
	v41 =	vsel vm3, v18, v15;
	v42 =	vperm.xlane v37, v8;
	[tilespmem:s21+$0xA240] =	vst v47  }
0x1d3: {  	vm12 =	vlt.u32 v2, s24;
	v44 =	vnsel vm13, $0x0, v41;
	v23 =	vsel vm2, v33, v49;
	v52 =	vld [tilespmem:s19+$0x200]  }
0x1d4: {  	v53 =	vperm.xlane v40, v9;
	[tilespmem:s13+$0xA1C0] =	vst v44;
	v48 =	vsel vm5, v30, v42;
	v23 =	vnsel vm12, $0x0, v23  }
0x1d5: {  	s9 =	ssub.s32 $0x7BA, s10;
	v14 =	vperm.xlane v20, v3;
	v22 =	vperm.xlane v43, v10;
	v50 =	vld [tilespmem:s19+$0x180];
	v51 =	vnsel vm15, $0x0, v48;
	[tilespmem:s13+$0xA150] =	vst v23  }
0x1d6: {  	s17 =	ssub.s32 $0x7B9, s10;
	v13 =	vperm.xlane v46, v4;
	vm13 =	vlt.u32 v2, s9;
	v21 =	vsel vm6, v36, v53;
	[tilespmem:s13+$0xA2C0] =	vst v51;
	v56 =	vld [tilespmem:s2+$0x100]  }
0x1d7: {  	vm14 =	vlt.u32 v2, s17;
	v55 =	vsel vm7, v25, v22;
	v21 =	vnsel vm13, $0x0, v21;
	v54 =	vld [tilespmem:s19+$0x280]  }
0x1d8: {  	v16 =	vsel vm0, v58, v14;
	v57 =	vnsel vm14, $0x0, v55;
	[tilespmem:s22+$0xA340] =	vst v21;
	v58 =	vperm.xlane v52, v7  }
0x1d9: {  	s24 =	ssub.s32 $0x7AC, s10;
	v11 =	vsel vm1, v11, v13;
	[tilespmem:s23+$0xA3C0] =	vst v57;
	v59 =	vld [tilespmem:s19+$0x300]  }
0x1da: {  	s18 =	ssub.s32 $0x7AD, s10;
	vm12 =	vlt.u32 v2, s24;
	v61 =	vld [tilespmem:s19+$0x380];
	v27 =	vperm.xlane v50, v6;
	v24 =	vsel vm4, v24, v58  }
0x1db: {  	s9 =	ssub.s32 $0x7AB, s10;
	vm15 =	vlt.u32 v2, s18;
	v63 =	vperm.xlane v56, v5;
	v62 =	vnsel vm12, $0x0, v24  }
0x1dc: {  	s24 =	ssub.s32 $0x79E, s10;
	vm13 =	vlt.u32 v2, s9;
	v15 =	vsel vm3, v15, v27;
	v60 =	vperm.xlane v54, v8;
	[tilespmem:s21+$0xA250] =	vst v62  }
0x1dd: {  	s18 =	sadd.s32 $0xC0, s16;
	v15 =	vnsel vm15, $0x0, v15;
	v17 =	vsel vm2, v49, v63;
	vm15 =	vlt.u32 v2, s24;
	v29 =	vld [tilespmem:s2+$0x200]  }
0x1de: {  	s17 =	ssub.s32 $0x760, s10;
	s19 =	sshll.u32 s18, $0x3;
	v30 =	vperm.xlane v59, v9;
	[tilespmem:s13+$0xA1D0] =	vst v15;
	v18 =	vsel vm5, v42, v60;
	v32 =	vnsel vm15, $0x0, v17  }
0x1df: {  	vm14 =	vlt.u32 v2, s17;
	s17 =	sand.u32 $0x70, s18;
	s18 =	ssub.s32 $0x7AA, s10;
	s3 =	sand.u32 $0xFFFFFC00, s19;
	v23 =	vperm.xlane v61, v10;
	v28 =	vld [tilespmem:s2+$0x180];
	v18 =	vnsel vm13, $0x0, v18;
	[tilespmem:s13+$0xA160] =	vst v32  }
0x1e0: {  	v16 =	vnsel vm14, $0x0, v16;
	s19 =	ssub.s32 $0x7A9, s10;
	s3 =	sadd.s32 s3, s15;
	vm12 =	vlt.u32 v2, s18;
	v12 =	vsel vm6, v53, v30;
	[tilespmem:s13+$0xA2D0] =	vst v18;
	v35 =	vld [tilespmem:s14+$0x500]  }
0x1e1: {  	[tilespmem:s13+$0xA420] =	vst v16;
	s3 =	sor.u32 s17, s3;
	s24 =	ssub.s32 $0x75F, s10;
	v34 =	vsel vm7, v22, v23;
	vm13 =	vlt.u32 v2, s19;
	v12 =	vnsel vm12, $0x0, v12;
	v31 =	vld [tilespmem:s2+$0x280]  }
0x1e2: {  	v33 =	vld [tilespmem:s3+$0x0];
	vm14 =	vlt.u32 v2, s24;
	v16 =	vnsel vm13, $0x0, v34;
	[tilespmem:s22+$0xA350] =	vst v12;
	v36 =	vperm.xlane v29, v7  }
0x1e3: {  	v11 =	vnsel vm14, $0x0, v11;
	s19 =	ssub.s32 $0x79C, s10;
	[tilespmem:s23+$0xA3D0] =	vst v16;
	v37 =	vld [tilespmem:s2+$0x300]  }
0x1e4: {  	s18 =	ssub.s32 $0x79D, s10;
	vm12 =	vlt.u32 v2, s19;
	v39 =	vld [tilespmem:s2+$0x380];
	v15 =	vperm.xlane v28, v6;
	v41 =	vsel vm4, v58, v36  }
0x1e5: {  	s9 =	ssub.s32 $0x78E, s10;
	vm15 =	vlt.u32 v2, s18;
	[tilespmem:s13+$0xA4A0] =	vst v11;
	v45 =	vperm.xlane v35, v5;
	v43 =	vnsel vm12, $0x0, v41  }
0x1e6: {  	s24 =	ssub.s32 $0x79B, s10;
	vm14 =	vlt.u32 v2, s9;
	v42 =	vld [tilespmem:s3+$0x80];
	v38 =	vsel vm3, v27, v15;
	v20 =	vperm.xlane v31, v8;
	[tilespmem:s21+$0xA260] =	vst v43  }
0x1e7: {  	vm13 =	vlt.u32 v2, s24;
	v40 =	vnsel vm15, $0x0, v38;
	v24 =	vsel vm2, v63, v45;
	v48 =	vld [tilespmem:s14+$0x600]  }
0x1e8: {  	v49 =	vperm.xlane v37, v9;
	[tilespmem:s13+$0xA1E0] =	vst v40;
	v44 =	vsel vm5, v60, v20;
	v24 =	vnsel vm14, $0x0, v24  }
0x1e9: {  	s17 =	ssub.s32 $0x79A, s10;
	s18 =	ssub.s32 $0x799, s10;
	v16 =	vperm.xlane v33, v3;
	v26 =	vperm.xlane v39, v10;
	v46 =	vld [tilespmem:s14+$0x580];
	v47 =	vnsel vm13, $0x0, v44;
	[tilespmem:s13+$0xA170] =	vst v24  }
0x1ea: {  	vm12 =	vlt.u32 v2, s18;
	vm15 =	vlt.u32 v2, s17;
	v18 =	vsel vm6, v30, v49;
	[tilespmem:s13+$0xA2E0] =	vst v47;
	v24 =	vld [tilespmem:s29+$0x100]  }
0x1eb: {  	v12 =	vperm.xlane v42, v4;
	v23 =	vsel vm7, v23, v26;
	v18 =	vnsel vm15, $0x0, v18;
	v50 =	vld [tilespmem:s14+$0x680]  }
0x1ec: {  	s19 =	ssub.s32 $0x78D, s10;
	s24 =	ssub.s32 $0x78C, s10;
	v14 =	vsel vm0, v14, v16;
	s18 =	sadd.s32 $0xD0, s16;
	v52 =	vnsel vm12, $0x0, v23;
	[tilespmem:s22+$0xA360] =	vst v18;
	v17 =	vperm.xlane v48, v7  }
0x1ed: {  	s17 =	ssub.s32 $0x750, s10;
	vm14 =	vlt.u32 v2, s24;
	v13 =	vsel vm1, v13, v12;
	vm13 =	vlt.u32 v2, s19;
	s19 =	sshll.u32 s18, $0x3;
	[tilespmem:s23+$0xA3E0] =	vst v52;
	v53 =	vld [tilespmem:s14+$0x700]  }
0x1ee: {  	vm12 =	vlt.u32 v2, s17;
	s2 =	sand.u32 $0xFFFFFC00, s19;
	s19 =	ssub.s32 $0x74F, s10;
	v55 =	vld [tilespmem:s14+$0x780];
	v51 =	vperm.xlane v46, v6;
	v22 =	vsel vm4, v36, v17  }
0x1ef: {  	v14 =	vnsel vm12, $0x0, v14;
	vm12 =	vlt.u32 v2, s19;
	v56 =	vnsel vm14, $0x0, v22  }
0x1f0: {  	s9 =	ssub.s32 $0x78B, s10;
	s17 =	sand.u32 $0x70, s18;
	s2 =	sadd.s32 s2, s15;
	v57 =	vperm.xlane v24, v5;
	v15 =	vsel vm3, v15, v51;
	v54 =	vperm.xlane v50, v8;
	[tilespmem:s21+$0xA270] =	vst v56  }
0x1f1: {  	vm15 =	vlt.u32 v2, s9;
	[tilespmem:s13+$0xA430] =	vst v14;
	s2 =	sor.u32 s17, s2;
	v13 =	vnsel vm12, $0x0, v13;
	v15 =	vnsel vm13, $0x0, v15;
	v59 =	vld [tilespmem:s29+$0x200]  }
0x1f2: {  	v63 =	vld [tilespmem:s2+$0x0];
	s21 =	ssub.s32 $0x77E, s10;
	v19 =	vperm.xlane v53, v9;
	v60 =	vsel vm2, v45, v57;
	[tilespmem:s13+$0xA1F0] =	vst v15;
	v20 =	vsel vm5, v20, v54  }
0x1f3: {  	s24 =	ssub.s32 $0x78A, s10;
	[tilespmem:s13+$0xA4B0] =	vst v13;
	v23 =	vperm.xlane v55, v10;
	vm13 =	vlt.u32 v2, s21;
	v58 =	vld [tilespmem:s29+$0x180];
	v20 =	vnsel vm15, $0x0, v20  }
0x1f4: {  	s18 =	ssub.s32 $0x789, s10;
	v35 =	vld [tilespmem:s2+$0x80];
	vm14 =	vlt.u32 v2, s24;
	v62 =	vnsel vm13, $0x0, v60;
	v11 =	vsel vm6, v49, v19;
	[tilespmem:s13+$0xA2F0] =	vst v20  }
0x1f5: {  	v28 =	vsel vm7, v26, v23;
	vm15 =	vlt.u32 v2, s18;
	[tilespmem:s13+$0xA500] =	vst v62;
	v11 =	vnsel vm14, $0x0, v11;
	v61 =	vld [tilespmem:s29+$0x280]  }
0x1f6: {  	v14 =	vnsel vm15, $0x0, v28;
	[tilespmem:s22+$0xA370] =	vst v11;
	v29 =	vld [tilespmem:s20+$0x100];
	v24 =	vperm.xlane v59, v7  }
0x1f7: {  	[tilespmem:s23+$0xA3F0] =	vst v14;
	s22 =	ssub.s32 $0x77C, s10;
	v30 =	vld [tilespmem:s29+$0x300]  }
0x1f8: {  	s24 =	ssub.s32 $0x76E, s10;
	v32 =	vld [tilespmem:s29+$0x380];
	vm14 =	vlt.u32 v2, s22;
	v15 =	vperm.xlane v58, v6;
	v34 =	vsel vm4, v17, v24  }
0x1f9: {  	vm12 =	vlt.u32 v2, s24;
	s21 =	ssub.s32 $0x77D, s10;
	v40 =	vperm.xlane v63, v3;
	v36 =	vnsel vm14, $0x0, v34  }
0x1fa: {  	vm13 =	vlt.u32 v2, s21;
	v31 =	vsel vm3, v51, v15;
	v21 =	vperm.xlane v61, v8;
	[tilespmem:s7+$0xA200] =	vst v36  }
0x1fb: {  	v48 =	vperm.xlane v35, v4;
	s23 =	ssub.s32 $0x77B, s10;
	v38 =	vperm.xlane v29, v5;
	v33 =	vnsel vm13, $0x0, v31;
	v41 =	vld [tilespmem:s20+$0x200]  }
0x1fc: {  	vm15 =	vlt.u32 v2, s23;
	v42 =	vperm.xlane v30, v9;
	[tilespmem:s13+$0xA580] =	vst v33;
	v37 =	vsel vm5, v54, v21  }
0x1fd: {  	s29 =	ssub.s32 $0x77A, s10;
	v26 =	vperm.xlane v32, v10;
	v22 =	vsel vm2, v57, v38;
	v39 =	vld [tilespmem:s20+$0x180];
	v14 =	vnsel vm15, $0x0, v37  }
0x1fe: {  	s17 =	ssub.s32 $0x779, s10;
	vm13 =	vlt.u32 v2, s29;
	v22 =	vnsel vm12, $0x0, v22;
	v19 =	vsel vm6, v19, v42;
	[tilespmem:s13+$0xA680] =	vst v14  }
0x1ff: {  	s18 =	sor.u32 $0x700, s8;
	vm14 =	vlt.u32 v2, s17;
	v44 =	vsel vm7, v23, v26;
	[tilespmem:s13+$0xA510] =	vst v22;
	v19 =	vnsel vm13, $0x0, v19;
	v43 =	vld [tilespmem:s20+$0x280]  }
0x200: {  	s19 =	sor.u32 $0x780, s30;
	s21 =	ssub.s32 $0x76D, s10;
	v16 =	vsel vm0, v16, v40;
	s22 =	ssub.s32 $0x76C, s10;
	v47 =	vnsel vm14, $0x0, v44;
	v45 =	vld [tilespmem:s25+$0x100];
	[tilespmem:s18+$0xA000] =	vst v19;
	v49 =	vperm.xlane v41, v7  }
0x201: {  	s24 =	ssub.s32 $0x740, s10;
	v12 =	vsel vm1, v12, v48;
	s29 =	sadd.s32 $0xE0, s16;
	vm15 =	vlt.u32 v2, s21;
	vm12 =	vlt.u32 v2, s22;
	[tilespmem:s19+$0xA000] =	vst v47;
	v50 =	vld [tilespmem:s20+$0x300]  }
0x202: {  	s23 =	ssub.s32 $0x76B, s10;
	s17 =	sshll.u32 s29, $0x3;
	vm14 =	vlt.u32 v2, s24;
	v52 =	vld [tilespmem:s20+$0x380];
	v46 =	vperm.xlane v39, v6;
	v24 =	vsel vm4, v24, v49  }
0x203: {  	s9 =	sand.u32 $0xFFFFFC00, s17;
	s22 =	ssub.s32 $0x73F, s10;
	vm13 =	vlt.u32 v2, s23;
	v16 =	vnsel vm14, $0x0, v16;
	v53 =	vnsel vm12, $0x0, v24  }
0x204: {  	s9 =	sadd.s32 s9, s15;
	s19 =	ssub.s32 $0x75E, s10;
	s18 =	sand.u32 $0x70, s29;
	vm14 =	vlt.u32 v2, s22;
	v15 =	vsel vm3, v15, v46;
	v51 =	vperm.xlane v43, v8;
	[tilespmem:s7+$0xA210] =	vst v53  }
0x205: {  	[tilespmem:s13+$0xA440] =	vst v16;
	v23 =	vperm.xlane v45, v5;
	v15 =	vnsel vm15, $0x0, v15;
	vm15 =	vlt.u32 v2, s19;
	s19 =	sor.u32 s18, s9;
	v55 =	vld [tilespmem:s25+$0x200]  }
0x206: {  	v12 =	vnsel vm14, $0x0, v12;
	v20 =	vperm.xlane v50, v9;
	[tilespmem:s13+$0xA590] =	vst v15;
	v21 =	vsel vm5, v21, v51;
	v57 =	vld [tilespmem:s19+$0x0]  }
0x207: {  	s20 =	ssub.s32 $0x76A, s10;
	[tilespmem:s13+$0xA4C0] =	vst v12;
	v22 =	vperm.xlane v52, v10;
	v18 =	vsel vm2, v38, v23;
	v54 =	vld [tilespmem:s25+$0x180];
	v21 =	vnsel vm13, $0x0, v21  }
0x208: {  	s21 =	ssub.s32 $0x769, s10;
	vm12 =	vlt.u32 v2, s20;
	v28 =	vld [tilespmem:s19+$0x80];
	v56 =	vnsel vm15, $0x0, v18;
	v14 =	vsel vm6, v42, v20;
	[tilespmem:s13+$0xA690] =	vst v21  }
0x209: {  	s23 =	sor.u32 $0x710, s8;
	v58 =	vsel vm7, v26, v22;
	vm13 =	vlt.u32 v2, s21;
	[tilespmem:s13+$0xA520] =	vst v56;
	v14 =	vnsel vm12, $0x0, v14;
	v21 =	vld [tilespmem:s25+$0x280]  }
0x20a: {  	s24 =	sor.u32 $0x790, s30;
	v16 =	vnsel vm13, $0x0, v58;
	[tilespmem:s23+$0xA000] =	vst v14;
	v59 =	vld [tilespmem:s3+$0x100]  }
0x20b: {  	s29 =	ssub.s32 $0x75D, s10;
	s18 =	ssub.s32 $0x75C, s10;
	[tilespmem:s24+$0xA000] =	vst v16;
	v60 =	vld [tilespmem:s25+$0x300];
	v24 =	vperm.xlane v55, v7  }
0x20c: {  	s20 =	ssub.s32 $0x75B, s10;
	vm15 =	vlt.u32 v2, s29;
	s21 =	ssub.s32 $0x74E, s10;
	vm12 =	vlt.u32 v2, s18;
	v62 =	vld [tilespmem:s25+$0x380];
	v15 =	vperm.xlane v54, v6  }
0x20d: {  	vm13 =	vlt.u32 v2, s20;
	vm14 =	vlt.u32 v2, s21;
	v27 =	vsel vm4, v49, v24  }
0x20e: {  	v61 =	vsel vm3, v46, v15;
	v21 =	vperm.xlane v21, v8;
	v29 =	vnsel vm12, $0x0, v27  }
0x20f: {  	v12 =	vperm.xlane v57, v3;
	v14 =	vperm.xlane v59, v5;
	v63 =	vnsel vm15, $0x0, v61;
	[tilespmem:s7+$0xA220] =	vst v29  }
0x210: {  	v17 =	vperm.xlane v28, v4;
	v33 =	vperm.xlane v60, v9;
	[tilespmem:s13+$0xA5A0] =	vst v63;
	v30 =	vsel vm5, v51, v21;
	v32 =	vld [tilespmem:s3+$0x200]  }
0x211: {  	s22 =	ssub.s32 $0x75A, s10;
	v26 =	vperm.xlane v62, v10;
	v23 =	vsel vm2, v23, v14;
	v31 =	vld [tilespmem:s3+$0x180];
	v16 =	vnsel vm13, $0x0, v30  }
0x212: {  	s23 =	ssub.s32 $0x759, s10;
	vm15 =	vlt.u32 v2, s22;
	v23 =	vnsel vm14, $0x0, v23;
	v20 =	vsel vm6, v20, v33;
	[tilespmem:s13+$0xA6A0] =	vst v16  }
0x213: {  	s20 =	ssub.s32 $0x730, s10;
	s24 =	sor.u32 $0x720, s8;
	vm12 =	vlt.u32 v2, s23;
	v22 =	vsel vm7, v22, v26;
	[tilespmem:s13+$0xA530] =	vst v23;
	v20 =	vnsel vm15, $0x0, v20;
	v34 =	vld [tilespmem:s3+$0x280]  }
0x214: {  	s16 =	sadd.s32 $0xF0, s16;
	s29 =	ssub.s32 $0x74D, s10;
	s25 =	sor.u32 $0x7A0, s30;
	v13 =	vsel vm0, v40, v12;
	v35 =	vnsel vm12, $0x0, v22;
	vm12 =	vlt.u32 v2, s20;
	v23 =	vld [tilespmem:s2+$0x100];
	[tilespmem:s24+$0xA000] =	vst v20  }
0x215: {  	s21 =	sshll.u32 s16, $0x3;
	v11 =	vsel vm1, v48, v17;
	vm13 =	vlt.u32 v2, s29;
	[tilespmem:s25+$0xA000] =	vst v35;
	v13 =	vnsel vm12, $0x0, v13;
	s25 =	ssub.s32 $0x72F, s10;
	v36 =	vld [tilespmem:s3+$0x300]  }
0x216: {  	s17 =	ssub.s32 $0x74C, s10;
	s18 =	ssub.s32 $0x74B, s10;
	v38 =	vld [tilespmem:s3+$0x380];
	s3 =	sand.u32 $0xFFFFFC00, s21;
	vm12 =	vlt.u32 v2, s25;
	v18 =	vperm.xlane v32, v7;
	v19 =	vperm.xlane v31, v6  }
0x217: {  	s16 =	sand.u32 $0x70, s16;
	vm14 =	vlt.u32 v2, s17;
	vm15 =	vlt.u32 v2, s18;
	s3 =	sadd.s32 s3, s15;
	v11 =	vnsel vm12, $0x0, v11  }
0x218: {  	[tilespmem:s13+$0xA450] =	vst v13;
	s3 =	sor.u32 s16, s3;
	v24 =	vsel vm4, v24, v18;
	v15 =	vsel vm3, v15, v19;
	v37 =	vperm.xlane v34, v8  }
0x219: {  	s22 =	ssub.s32 $0x73E, s10;
	[tilespmem:s13+$0xA4D0] =	vst v11;
	v46 =	vld [tilespmem:s3+$0x0];
	v39 =	vnsel vm14, $0x0, v24;
	v23 =	vperm.xlane v23, v5;
	v15 =	vnsel vm13, $0x0, v15  }
0x21a: {  	v56 =	vld [tilespmem:s3+$0x80];
	[tilespmem:s7+$0xA230] =	vst v39;
	v42 =	vperm.xlane v36, v9;
	vm13 =	vlt.u32 v2, s22;
	v21 =	vsel vm5, v21, v37  }
0x21b: {  	s23 =	ssub.s32 $0x74A, s10;
	v25 =	vperm.xlane v38, v10;
	[tilespmem:s13+$0xA5B0] =	vst v15;
	v41 =	vld [tilespmem:s2+$0x200];
	v14 =	vsel vm2, v14, v23;
	v21 =	vnsel vm15, $0x0, v21  }
0x21c: {  	s24 =	ssub.s32 $0x749, s10;
	vm14 =	vlt.u32 v2, s23;
	v40 =	vld [tilespmem:s2+$0x180];
	v44 =	vnsel vm13, $0x0, v14;
	v45 =	vsel vm6, v33, v42;
	[tilespmem:s13+$0xA6B0] =	vst v21  }
0x21d: {  	s29 =	sor.u32 $0x730, s8;
	v48 =	vsel vm7, v26, v25;
	vm15 =	vlt.u32 v2, s24;
	[tilespmem:s13+$0xA540] =	vst v44;
	v47 =	vnsel vm14, $0x0, v45;
	v43 =	vld [tilespmem:s2+$0x280]  }
0x21e: {  	s16 =	sor.u32 $0x7B0, s30;
	v14 =	vnsel vm15, $0x0, v48;
	[tilespmem:s29+$0xA000] =	vst v47;
	v49 =	vld [tilespmem:s19+$0x100]  }
0x21f: {  	[tilespmem:s16+$0xA000] =	vst v14;
	v50 =	vld [tilespmem:s2+$0x300]  }
0x220: {  	s17 =	ssub.s32 $0x73D, s10;
	s18 =	ssub.s32 $0x73C, s10;
	v53 =	vld [tilespmem:s2+$0x380];
	v24 =	vperm.xlane v41, v7  }
0x221: {  	s20 =	ssub.s32 $0x73B, s10;
	vm13 =	vlt.u32 v2, s17;
	vm14 =	vlt.u32 v2, s18;
	v15 =	vperm.xlane v40, v6  }
0x222: {  	vm15 =	vlt.u32 v2, s20;
	v61 =	vperm.xlane v46, v3;
	v55 =	vsel vm4, v18, v24  }
0x223: {  	v51 =	vsel vm3, v19, v15;
	v52 =	vperm.xlane v43, v8;
	v57 =	vnsel vm14, $0x0, v55  }
0x224: {  	v18 =	vperm.xlane v56, v4;
	v54 =	vnsel vm13, $0x0, v51;
	[tilespmem:s7+$0xA240] =	vst v57;
	v63 =	vperm.xlane v50, v9  }
0x225: {  	s22 =	ssub.s32 $0x73A, s10;
	v13 =	vperm.xlane v49, v5;
	v22 =	vperm.xlane v53, v10;
	[tilespmem:s13+$0xA5C0] =	vst v54;
	v58 =	vsel vm5, v37, v52;
	v62 =	vld [tilespmem:s19+$0x200]  }
0x226: {  	s23 =	ssub.s32 $0x739, s10;
	vm13 =	vlt.u32 v2, s22;
	v59 =	vld [tilespmem:s19+$0x180];
	v60 =	vnsel vm15, $0x0, v58;
	v21 =	vsel vm6, v42, v63  }
0x227: {  	s21 =	ssub.s32 $0x72E, s10;
	s24 =	sor.u32 $0x740, s8;
	vm14 =	vlt.u32 v2, s23;
	v29 =	vsel vm7, v25, v22;
	[tilespmem:s13+$0xA6C0] =	vst v60;
	v21 =	vnsel vm13, $0x0, v21  }
0x228: {  	s25 =	sor.u32 $0x7C0, s30;
	vm12 =	vlt.u32 v2, s21;
	v31 =	vnsel vm14, $0x0, v29;
	v28 =	vld [tilespmem:s19+$0x280];
	[tilespmem:s24+$0xA000] =	vst v21  }
0x229: {  	s29 =	ssub.s32 $0x72D, s10;
	v12 =	vsel vm0, v12, v61;
	v17 =	vsel vm1, v17, v18;
	v23 =	vsel vm2, v23, v13;
	[tilespmem:s25+$0xA000] =	vst v31;
	v32 =	vld [tilespmem:s19+$0x300]  }
0x22a: {  	s15 =	ssub.s32 $0x72C, s10;
	s17 =	ssub.s32 $0x720, s10;
	v23 =	vnsel vm12, $0x0, v23;
	vm15 =	vlt.u32 v2, s29;
	v34 =	vld [tilespmem:s19+$0x380];
	v16 =	vperm.xlane v62, v7  }
0x22b: {  	s16 =	ssub.s32 $0x72B, s10;
	vm12 =	vlt.u32 v2, s15;
	vm14 =	vlt.u32 v2, s17;
	v20 =	vperm.xlane v59, v6  }
0x22c: {  	[tilespmem:s13+$0xA550] =	vst v23;
	vm13 =	vlt.u32 v2, s16;
	v12 =	vnsel vm14, $0x0, v12;
	v24 =	vsel vm4, v24, v16  }
0x22d: {  	s18 =	ssub.s32 $0x71F, s10;
	v30 =	vld [tilespmem:s3+$0x100];
	[tilespmem:s13+$0xA460] =	vst v12;
	v15 =	vsel vm3, v15, v20;
	v33 =	vperm.xlane v28, v8;
	v35 =	vnsel vm12, $0x0, v24  }
0x22e: {  	v15 =	vnsel vm15, $0x0, v15;
	[tilespmem:s7+$0xA250] =	vst v35;
	vm15 =	vlt.u32 v2, s18;
	v23 =	vperm.xlane v32, v9  }
0x22f: {  	s19 =	ssub.s32 $0x72A, s10;
	v42 =	vld [tilespmem:s14+$0x800];
	v39 =	vperm.xlane v34, v10;
	[tilespmem:s13+$0xA5D0] =	vst v15;
	v19 =	vsel vm5, v52, v33;
	v17 =	vnsel vm15, $0x0, v17  }
0x230: {  	s20 =	ssub.s32 $0x729, s10;
	vm12 =	vlt.u32 v2, s19;
	v19 =	vnsel vm13, $0x0, v19;
	v36 =	vld [tilespmem:s3+$0x180];
	v11 =	vsel vm6, v63, v23;
	[tilespmem:s13+$0xA4E0] =	vst v17  }
0x231: {  	s22 =	sor.u32 $0x750, s8;
	v38 =	vld [tilespmem:s3+$0x200];
	v43 =	vsel vm7, v22, v39;
	vm13 =	vlt.u32 v2, s20;
	[tilespmem:s13+$0xA6D0] =	vst v19;
	v11 =	vnsel vm12, $0x0, v11  }
0x232: {  	s23 =	sor.u32 $0x7D0, s30;
	v37 =	vperm.xlane v30, v5;
	v17 =	vnsel vm13, $0x0, v43;
	v41 =	vld [tilespmem:s3+$0x280];
	[tilespmem:s22+$0xA000] =	vst v11  }
0x233: {  	s21 =	ssub.s32 $0x71E, s10;
	s17 =	ssub.s32 $0x710, s10;
	[tilespmem:s23+$0xA000] =	vst v17;
	v46 =	vld [tilespmem:s3+$0x300]  }
0x234: {  	vm14 =	vlt.u32 v2, s21;
	s24 =	ssub.s32 $0x71D, s10;
	vm8 =	vlt.u32 v2, s17;
	v40 =	vsel vm2, v13, v37;
	v49 =	vld [tilespmem:s3+$0x380]  }
0x235: {  	s25 =	ssub.s32 $0x71C, s10;
	vm15 =	vlt.u32 v2, s24;
	v3 =	vperm.xlane v42, v3;
	v24 =	vperm.xlane v36, v6  }
0x236: {  	s29 =	ssub.s32 $0x71B, s10;
	v45 =	vnsel vm14, $0x0, v40;
	vm12 =	vlt.u32 v2, s25;
	v48 =	vperm.xlane v38, v7  }
0x237: {  	v44 =	vld [tilespmem:s14+$0x880];
	[tilespmem:s13+$0xA560] =	vst v45;
	vm13 =	vlt.u32 v2, s29;
	v47 =	vsel vm3, v20, v24;
	v13 =	vperm.xlane v41, v8  }
0x238: {  	v50 =	vld [tilespmem:s14+$0x900];
	v51 =	vsel vm4, v16, v48;
	v11 =	vnsel vm15, $0x0, v47;
	v12 =	vperm.xlane v46, v9  }
0x239: {  	s3 =	ssub.s32 $0x71A, s10;
	v20 =	vperm.xlane v49, v10;
	[tilespmem:s13+$0xA5E0] =	vst v11;
	v11 =	vnsel vm12, $0x0, v51;
	v21 =	vsel vm5, v33, v13  }
0x23a: {  	s9 =	ssub.s32 $0x719, s10;
	vm14 =	vlt.u32 v2, s3;
	v52 =	vld [tilespmem:s14+$0x980];
	[tilespmem:s7+$0xA260] =	vst v11;
	v53 =	vnsel vm13, $0x0, v21;
	v56 =	vsel vm6, v23, v12  }
0x23b: {  	s15 =	sor.u32 $0x760, s8;
	s19 =	ssub.s32 $0x70E, s10;
	vm15 =	vlt.u32 v2, s9;
	v19 =	vsel vm7, v39, v20;
	[tilespmem:s13+$0xA6E0] =	vst v53;
	v54 =	vld [tilespmem:s14+$0xA00];
	v22 =	vnsel vm14, $0x0, v56  }
0x23c: {  	s16 =	sor.u32 $0x7E0, s30;
	s18 =	ssub.s32 $0x70F, s10;
	vm10 =	vlt.u32 v2, s19;
	v4 =	vperm.xlane v44, v4;
	v19 =	vnsel vm15, $0x0, v19;
	v55 =	vld [tilespmem:s14+$0xA80];
	[tilespmem:s15+$0xA000] =	vst v22  }
0x23d: {  	vm9 =	vlt.u32 v2, s18;
	s20 =	ssub.s32 $0x70D, s10;
	v3 =	vsel vm0, v61, v3;
	v5 =	vperm.xlane v50, v5;
	[tilespmem:s16+$0xA000] =	vst v19;
	v57 =	vld [tilespmem:s14+$0xB00]  }
0x23e: {  	vm11 =	vlt.u32 v2, s20;
	v3 =	vnsel vm8, $0x0, v3;
	v4 =	vsel vm1, v18, v4;
	v58 =	vld [tilespmem:s14+$0xB80]  }
0x23f: {  	s21 =	ssub.s32 $0x70C, s10;
	[tilespmem:s13+$0xA470] =	vst v3;
	v5 =	vsel vm2, v37, v5;
	v3 =	vnsel vm9, $0x0, v4;
	v6 =	vperm.xlane v52, v6  }
0x240: {  	s22 =	ssub.s32 $0x70B, s10;
	vm12 =	vlt.u32 v2, s21;
	[tilespmem:s13+$0xA4F0] =	vst v3;
	v3 =	vnsel vm10, $0x0, v5;
	v7 =	vperm.xlane v54, v7  }
0x241: {  	vm13 =	vlt.u32 v2, s22;
	v6 =	vsel vm3, v24, v6;
	v8 =	vperm.xlane v55, v8  }
0x242: {  	p0 =	slt.u32 s10, $0x18;
	[tilespmem:s13+$0xA570] =	vst v3;
	v7 =	vsel vm4, v48, v7;
	v3 =	vperm.xlane v57, v9;
	v60 =	vnsel vm11, $0x0, v6  }
.Ltmp1:
0x243: {  	s23 =	ssub.s32 $0x70A, s10;
	v61 =	vperm.xlane v58, v10;
	v59 =	vsel vm5, v13, v8;
	[tilespmem:s13+$0xA5F0] =	vst v60;
	v62 =	vnsel vm12, $0x0, v7;
	(pc) =	sbr.rel @p0 .LBB2_5-.Ltmp1, $4  }
0x244: {  	s24 =	ssub.s32 $0x709, s10;
	vm14 =	vlt.u32 v2, s23;
	v3 =	vsel vm6, v12, v3;
	[tilespmem:s7+$0xA270] =	vst v62;
	v4 =	vnsel vm13, $0x0, v59  }
0x245: {  	s25 =	sor.u32 $0x770, s8;
	vm15 =	vlt.u32 v2, s24;
	v63 =	vsel vm7, v20, v61;
	[tilespmem:s13+$0xA6F0] =	vst v4;
	v3 =	vnsel vm14, $0x0, v3  }
0x246: {  	s29 =	sor.u32 $0x7F0, s30;
	s30 =	sadd.s32 $0x8, s10;
	[tilespmem:s25+$0xA000] =	vst v3;
	v3 =	vnsel vm15, $0x0, v63  }
0x247: {  	s10 =	smov.u32 s30;
	[tilespmem:s29+$0xA000] =	vst v3  }
0x248: {  	s0 =	smin.u32 s0, $0x4  }
0x249: {  	s2 =	rddreg [dreg:$0xf];
	s0 =	sshll.u32 s0, $0x12  }
0x24a: {  	s22 =	simm.s32 $0x5000;
	s3 =	simm.s32 $0x6400;
	s0 =	sadd.s32 s2, s0  }
0x24b: {  	[tilespmem:s22], [sflag:$0x2] =	stream.linear.gather [hbm4b:s0+s4], $0xC00, $0x38;
	[tilespmem:$0x1A000] =	vst v63  }
0x24c: {  	s25 =	simm.s32 $0x7800;
	s31 =	sadd.s32 $0x1, s31;
	s23 =	sadd.s32 $0x800, s0  }
0x24d: {  	[tilespmem:s3], [sflag:$0x2] =	stream.linear.gather [hbm4b:s23+s4], $0xC00, $0x38;
	[tilespmem:$0x1A000] =	vst v63  }
0x24e: {  	s29 =	simm.s32 $0x8C00;
	p0 =	sne.s32 s31, $0x4;
	s24 =	sadd.s32 $0x1000, s0  }
0x24f: {  	[tilespmem:s25], [sflag:$0x2] =	stream.linear.gather [hbm4b:s24+s4], $0xC00, $0x38;
	[tilespmem:$0x1A000] =	vst v63  }
.Ltmp2:
0x250: {  	s30 =	sshll.u32 s11, $0x8;
	s0 =	sadd.s32 $0x1800, s0;
	(pc) =	sbr.rel @p0 .LBB2_2-.Ltmp2, $4  }
0x251: {  	[tilespmem:s29], [sflag:$0x2] =	stream.linear.gather [hbm4b:s0+s4], $0xC00, $0x38;
	[tilespmem:$0x1A000] =	vst v63  }
0x252: {  	s1 =	sshll.u32 s1, $0xA;
	s0 =	sand.u32 $0x3FFFFF00, s30  }
0x253: {  	s17 =	smov.u32 s26;
	s1 =	sadd.s32 s26, s1;
	s0 =	sadd.s32 $0xA000, s0  }
0x254: {  	[hbm4b:s1+s4] =	stream.linear.scatter [tilespmem:s0], [sflag:$0x3], $0x2000, $0x38;
	[tilespmem:$0x1A000] =	vst v63  }
0x255: {  	s0 =	simm.s32 $0x1  }
0x256: {  	_ =	swait.ge [sflag:s0], $0x3000  }
0x257: {  	[sflag:s0] =	ssyncset.done $0x0  }
0x258: {  	[sflag:s0] =	ssyncadd.s32 $0xFFFFD000  }
0x259: {  	_ =	swait.ge [sflag:s28], $0x3000  }
0x25a: {  	[sflag:s28] =	ssyncset.done $0x0  }
0x25b: {  	s1 =	simm.s32 $0x3;
	[sflag:s28] =	ssyncadd.s32 $0xFFFFD000  }
0x25c: {  	_ =	swait.ge [sflag:s1], $0x2000  }
0x25d: {  	[sflag:s1] =	ssyncset.done $0x0  }
0x25e: {  	[sflag:s1] =	ssyncadd.s32 $0xFFFFE000  }
0x25f: {  	_ =	swait.ge [sflag:s1], $0x2000  }
0x260: {  	[sflag:s1] =	ssyncset.done $0x0  }
0x261: {  	[sflag:s1] =	ssyncadd.s32 $0xFFFFE000  }
0x262: {  	_ =	swait.ge [sflag:s1], $0x2000  }
0x263: {  	[sflag:s1] =	ssyncset.done $0x0  }
0x264: {  	[sflag:s1] =	ssyncadd.s32 $0xFFFFE000  }
0x265: {  	_ =	swait.ge [sflag:s1], $0x2000  }
0x266: {  	[sflag:s1] =	ssyncset.done $0x0  }
0x267: {  	[sflag:s1] =	ssyncadd.s32 $0xFFFFE000  }
0x268: {  	_ =	swait.ge [sflag:s1], $0x2000  }
0x269: {  	[sflag:s1] =	ssyncset.done $0x0  }
0x26a: {  	[sflag:s1] =	ssyncadd.s32 $0xFFFFE000  }
0x26b: {  	_ =	swait.ge [sflag:s1], $0x2000  }
0x26c: {  	[sflag:s1] =	ssyncset.done $0x0  }
0x26d: {  	[sflag:s1] =	ssyncadd.s32 $0xFFFFE000  }
0x26e: {  	_ =	swait.ge [sflag:s1], $0x2000  }
0x26f: {  	[sflag:s1] =	ssyncset.done $0x0  }
0x270: {  	[sflag:s1] =	ssyncadd.s32 $0xFFFFE000  }
0x271: {  	_ =	swait.ge [sflag:s1], $0x2000  }
0x272: {  	s2 =	rddreg [dreg:$0x10]  }
0x273: {  	s31 =	rddreg [dreg:$0x7];
	s2 =	sadd.s32 $0x1, s2  }
0x274: {  	p0 =	sne.s32 s2, s31  }
.Ltmp3:
0x275: {  	_ = 	snop;
	(pc) =	sbr.rel @p0 .LBB2_1-.Ltmp3, $3  }
0x276: {  	_ =	sdelay $0x1  }
0x277: {  	[sflag:s1] =	ssyncset.done $0x0  }
0x278: {  	[sflag:s1] =	ssyncadd.s32 $0xFFFFE000  }
0x279: {  	_ =	sfence.sel $0x180000  }
0x27a: {  	[bflag:$0x0] =	sbarrier.arrive $0xFFFF  }
0x27b: {  	_ =	strace $0x90000047  }
0x27c: {  	s0 =	stileid.u32;
	[bflag:$0x2] =	sbarrier.arrive $0xFFFF  }
0x27d: {  	p0 =	sne.s32 s0, $0x0;
	s0 =	rddreg [dreg:$0x2]  }
0x27e: {  	s0 =	sadd.s32 @!p0 $0x100000, s0  }
0x27f: {  	[sflag:s0] =	ssyncadd.tile.s32 @!p0 $0x1;
	_ =	shalt  }
.Lfunc_end2:
_tile_overlayer_lowered:
.L_overlay_start_2:
0x280: {  	(tag) =	ssettag $0x2  }
0x281: {  	s0 =	rddreg [dreg:$0x0];
	s2 =	stileid.u32  }
0x282: {  	s1 =	rddreg [dreg:$0x1];
	p0 =	sne.s32 s2, $0x0  }
0x283: {  	s3 =	rddreg [dreg:$0x2];
	[bflag:$0x3] =	sbarrier.arrive $0xFFFF;
	s2 =	simm.s32 @!p0 $0x1C04  }
0x284: {  	[timem:s3], [sflag:s2] =	dma.local @!p0 [hbm:s0], s1  }
0x285: {  	s0 =	simm.s32 @!p0 $0x4  }
0x286: {  	_ =	swait.ge @!p0 [sflag:s0], s1  }
0x287: {  	s1 =	ssub.s32 @!p0 $0x0, s1;
	[sflag:s0] =	ssyncset.done @!p0 $0x0  }
0x288: {  	[sflag:s0] =	ssyncadd.s32 @!p0 s1  }
0x289: {  	[bflag:$0x3] =	sbarrier.arrive $0xFFFF  }
0x28a: {  	_ =	shalt  }

</sc_bundles>
